<compile_context>
chip_gen: v7x
topology: tpu7x:2x2x1
jax: 0.10.2.dev20260603
libtpu: 0.0.44.dev20260713+nightly
codegen_flags: <defaults>
</compile_context>

<pallas_src>
import functools

import jax
import jax.numpy as jnp
from jax import lax
from jax.experimental import pallas as pl
from jax.experimental.pallas import tpu as pltpu
from jax.experimental.pallas import tpu_sc as plsc

_NUM_CORES = 2
_NUM_SUBCORES = 16
_NW = _NUM_CORES * _NUM_SUBCORES
_LANES = 16

_CHUNK = 512
_GRP = 128


def _transform_table(data_table, W, b2, unk, blk):
    V, D = data_table.shape
    O = W.shape[0]
    grid = (V // 2) // blk

    def body(x1_ref, x2_ref, w_ref, b_ref, unk_ref, out_ref):
        dn = (((1,), (1,)), ((), ()))
        t1 = lax.dot_general(x1_ref[...], w_ref[...], dn,
                             preferred_element_type=jnp.float32)
        t2 = lax.dot_general(x2_ref[...], w_ref[...], dn,
                             preferred_element_type=jnp.float32)
        out_ref[:, 0:O] = t1 + b_ref[...]
        out_ref[:, O:2 * O] = t2 + b_ref[...]

        @pl.when(pl.program_id(0) == grid - 1)
        def _():
            out_ref[blk - 1, pl.ds(O, O)] = unk_ref[0, :]

    return pl.pallas_call(
        body,
        grid=(grid,),
        in_specs=[
            pl.BlockSpec((blk, D), lambda i: (i, 0)),
            pl.BlockSpec((blk, D), lambda i: (i + grid, 0)),
            pl.BlockSpec((O, D), lambda i: (0, 0)),
            pl.BlockSpec((1, O), lambda i: (0, 0)),
            pl.BlockSpec((1, O), lambda i: (0, 0)),
        ],
        out_specs=pl.BlockSpec((blk, 2 * O), lambda i: (i, 0)),
        out_shape=jax.ShapeDtypeStruct((V // 2, 2 * O), jnp.float32),
    )(data_table, data_table, W, b2, unk)


@functools.lru_cache(maxsize=None)
def _make_gather(V, O, N):
    M = N // 2
    per_w = M // _NW
    n_chunks = per_w // _CHUNK
    mesh = plsc.VectorSubcoreMesh(core_axis_name="c", subcore_axis_name="s")

    @functools.partial(
        pl.kernel,
        mesh=mesh,
        compiler_params=pltpu.CompilerParams(use_tc_tiling_on_sc=False),
        out_type=jax.ShapeDtypeStruct((M, 2 * O), jnp.float32),
        scratch_types=[
            pltpu.VMEM((_CHUNK,), jnp.int32),
            pltpu.VMEM((_CHUNK,), jnp.int32),
            pltpu.VMEM((_CHUNK // _GRP, _GRP), jnp.int32),
            pltpu.VMEM((_CHUNK // _GRP, _GRP), jnp.int32),
            pltpu.VMEM((_CHUNK, O), jnp.float32),
            pltpu.VMEM((_CHUNK, O), jnp.float32),
            pltpu.SemaphoreType.DMA,
            pltpu.SemaphoreType.DMA,
        ],
    )
    def gather_kernel(tbl_hbm, idx_hbm, out_hbm, idx_l, idx_r,
                      map_l, map_r, rows_l, rows_r, sem, wsem):
        wid = lax.axis_index("s") * _NUM_CORES + lax.axis_index("c")
        base0 = wid * per_w

        def chunk_body(ci, carry):
            base = base0 + ci * _CHUNK
            pltpu.sync_copy(idx_hbm.at[pl.ds(base, _CHUNK)], idx_l)
            pltpu.sync_copy(idx_hbm.at[pl.ds(M + base, _CHUNK)], idx_r)
            for src, dst in ((idx_l, map_l), (idx_r, map_r)):
                for i in range(_CHUNK // _LANES):
                    v = src[pl.ds(i * _LANES, _LANES)]
                    j, k = divmod(i * _LANES, _GRP)
                    r = jnp.where(v < 1, V - 1, v - 1)
                    dst[j, pl.ds(k, _LANES)] = (
                        jnp.where(r < V // 2, r + r, r + r - (V - 1)))
            @pl.when(ci > 0)
            def _():
                pltpu.make_async_copy(
                    rows_l, out_hbm.at[pl.ds(base, _CHUNK), pl.ds(0, O)],
                    wsem).wait()
                pltpu.make_async_copy(
                    rows_r, out_hbm.at[pl.ds(base, _CHUNK), pl.ds(O, O)],
                    wsem).wait()
            copies = [
                pltpu.async_copy(
                    tbl_hbm.at[m.at[g]],
                    r.at[pl.ds(g * _GRP, _GRP)],
                    sem,
                )
                for g in range(_CHUNK // _GRP)
                for m, r in ((map_l, rows_l), (map_r, rows_r))
            ]
            for c in copies:
                c.wait()
            pltpu.async_copy(
                rows_l, out_hbm.at[pl.ds(base, _CHUNK), pl.ds(0, O)], wsem)
            pltpu.async_copy(
                rows_r, out_hbm.at[pl.ds(base, _CHUNK), pl.ds(O, O)], wsem)
            return carry

        lax.fori_loop(0, n_chunks, chunk_body, 0)
        last = base0 + (n_chunks - 1) * _CHUNK
        pltpu.make_async_copy(
            rows_l, out_hbm.at[pl.ds(last, _CHUNK), pl.ds(0, O)],
            wsem).wait()
        pltpu.make_async_copy(
            rows_r, out_hbm.at[pl.ds(last, _CHUNK), pl.ds(O, O)],
            wsem).wait()

    return gather_kernel


def _finalize(G3, B, H, O, nbb):
    grid = B // nbb
    HH = H // 2

    def body(g_ref, out_ref):
        x = g_ref[...]
        out_ref[0:HH] = jnp.transpose(x[:, :, :O], (0, 2, 1))
        out_ref[HH:H] = jnp.transpose(x[:, :, O:], (0, 2, 1))

    return pl.pallas_call(
        body,
        grid=(grid,),
        in_specs=[pl.BlockSpec((HH, nbb, 2 * O), lambda i: (0, i, 0))],
        out_specs=pl.BlockSpec((H, O, nbb), lambda i: (0, 0, i)),
        out_shape=jax.ShapeDtypeStruct((H, O, B), jnp.float32),
    )(G3)


def kernel(indices, data_table, unknown_table, W, b):
    V, D = data_table.shape
    O = W.shape[0]
    B, H = indices.shape
    N = B * H

    T2 = _transform_table(
        data_table, W, b.reshape(1, O), unknown_table, blk=2000
    )
    idx_flat = indices.T.reshape(N).astype(jnp.int32)
    G2 = _make_gather(V, O, N)(T2.reshape(V, O), idx_flat)
    G3 = G2.reshape(H // 2, B, 2 * O)
    out_t = _finalize(G3, B, H, O, nbb=512)
    return jnp.transpose(out_t, (2, 0, 1))

# --- scband reference (transcript-rebuilt; emitter-appended) ---
"""Pipeline reference for scband-component-embedding-80204219285659 (READ-ONLY COPY).

The authoritative reference and input builder live on the scoring server;
editing this copy changes nothing except your own understanding.
"""

import jax, jax.numpy as jnp
import numpy as np

VOCAB = 100000
DIM = 64
OUT = 64
NUM_UNKNOWN = 1
BATCH = 16384
HIST = 50


def setup_inputs(seed: int = 0) -> dict:
    key = jax.random.key(seed)
    k1, k2, k3, k4 = jax.random.split(key, 4)
    indices = jax.random.randint(k1, (BATCH, HIST), 0, VOCAB)
    # pretrained (frozen in torch, but still a float table) embedding: placeholder[mask]=vectors with mask=arange(VOCAB)
    data_table = jax.random.normal(k2, (VOCAB, DIM), dtype=jnp.float32)
    # unknown embedding table
    unknown_table = jax.random.normal(k3, (NUM_UNKNOWN, OUT), dtype=jnp.float32)
    # mlp with num_layers=1, layer_norm unused on final layer -> single Linear(DIM, OUT)
    W = jax.random.normal(k4, (OUT, DIM), dtype=jnp.float32) * (1.0 / np.sqrt(DIM))
    b = jnp.zeros((OUT,), dtype=jnp.float32)
    return {"indices": indices, "data_table": data_table, "unknown_table": unknown_table, "W": W, "b": b}


def reference(indices, data_table, unknown_table, W, b):
    num_unknown = NUM_UNKNOWN
    # self.data((indices - num_unknown).clamp(min=0))
    gathered = jnp.take(data_table, jnp.clip(indices - num_unknown, 0, None), axis=0)
    # mlp = single Linear (n_layers=1, no activation/LN on final layer)
    mlp_out = gathered @ W.T + b
    # self.unknown(indices.clamp(min=0, max=num_unknown-1))
    unk = jnp.take(unknown_table, jnp.clip(indices, 0, num_unknown - 1), axis=0)
    # torch.where((indices < num_unknown).unsqueeze(-1), unknown, mlp(data))
    return jnp.where((indices < num_unknown)[..., None], unk, mlp_out)

if __name__ == "__main__":
    import jax
    _d = setup_inputs()
    print(jax.jit(kernel)(*tuple(_d.values())))

</pallas_src>

<mosaic_0001>
#map = affine_map<(d0, d1) -> (0, 0)>
#map1 = affine_map<(d0, d1) -> (0)>
module attributes {stable_mosaic.version = 14 : i64} {
  func.func @gather_kernel(%arg0: i32, %arg1: i32, %arg2: memref<100000x64xf32, #tpu.memory_space<hbm>>, %arg3: memref<819200xi32, #tpu.memory_space<hbm>>, %arg4: memref<409600x128xf32, #tpu.memory_space<hbm>>, %arg5: memref<512xi32, #tpu.memory_space<vmem>>, %arg6: memref<512xi32, #tpu.memory_space<vmem>>, %arg7: memref<4x128xi32, #tpu.memory_space<vmem>>, %arg8: memref<4x128xi32, #tpu.memory_space<vmem>>, %arg9: memref<512x64xf32, #tpu.memory_space<vmem>>, %arg10: memref<512x64xf32, #tpu.memory_space<vmem>>, %arg11: memref<!tpu.dma_semaphore, #tpu.memory_space<semaphore_mem>>, %arg12: memref<!tpu.dma_semaphore, #tpu.memory_space<semaphore_mem>>) attributes {dimension_semantics = [#tpu.dimension_semantics<core_parallel>, #tpu.dimension_semantics<subcore_parallel>], iteration_bounds = array<i64: 2, 16>, scalar_prefetch = 0 : i64, scratch_operands = 8 : i64, tpu.core_type = #tpu.core_type<sc_vector_subcore>, window_params = [{transform_indices = #map}, {transform_indices = #map1}, {transform_indices = #map}]} {
    %mul3A = arith.constant 2 : i32
    %mul3A_0 = arith.muli %arg1, %mul3A : i32
    %add3A = arith.addi %mul3A_0, %arg0 : i32
    %mul3A_1 = arith.constant 12800 : i32
    %mul3A_2 = arith.muli %add3A, %mul3A_1 : i32
    %scan3A = arith.constant 0 : i32
    %scan3A_3 = arith.constant 0 : i32
    %scan3A_4 = arith.constant 25 : i32
    %scan3A_5 = arith.addi %scan3A_3, %scan3A_4 : i32
    %scan3A_6 = arith.constant 1 : i32
    scf.for %scan3A_17 = %scan3A_3 to %scan3A_5 step %scan3A_6  : i32 {
      %mul3A_18 = arith.constant 512 : i32
      %mul3A_19 = arith.muli %scan3A_17, %mul3A_18 : i32
      %add3A_20 = arith.addi %mul3A_2, %mul3A_19 : i32
      "tpu.region"() ({
        %run_scoped3A = tpu.sem_alloc : memref<!tpu.dma_semaphore, #tpu.memory_space<semaphore_mem>>
        %dma_start3A_1913 = tpu.memref_slice %arg3[%add3A_20] : memref<819200xi32, #tpu.memory_space<hbm>> -> memref<512xi32, #tpu.memory_space<hbm>>
        %dma_start3A_1914 = tpu.memref_slice %arg3[%add3A_20] : memref<819200xi32, #tpu.memory_space<hbm>> -> memref<512xi32, #tpu.memory_space<hbm>>
        tpu.enqueue_dma source(%dma_start3A_1914 : memref<512xi32, #tpu.memory_space<hbm>>) target(%arg5 : memref<512xi32, #tpu.memory_space<vmem>>) target_semaphore(%run_scoped3A : memref<!tpu.dma_semaphore, #tpu.memory_space<semaphore_mem>>)
        %dma_wait3A_1915 = tpu.memref_slice %arg3[%add3A_20] : memref<819200xi32, #tpu.memory_space<hbm>> -> memref<512xi32, #tpu.memory_space<hbm>>
        %dma_wait3A_1916 = tpu.memref_slice %arg3[%add3A_20] : memref<819200xi32, #tpu.memory_space<hbm>> -> memref<512xi32, #tpu.memory_space<hbm>>
        tpu.wait_dma2 semaphore(%run_scoped3A : memref<!tpu.dma_semaphore, #tpu.memory_space<semaphore_mem>>) src(%dma_wait3A_1916 : memref<512xi32, #tpu.memory_space<hbm>>) dst(%arg5 : memref<512xi32, #tpu.memory_space<vmem>>)
        tpu.yield
      }) : () -> ()
      %add3A_21 = arith.constant 409600 : i32
      %add3A_22 = arith.addi %add3A_21, %add3A_20 : i32
      "tpu.region"() ({
        %run_scoped3A = tpu.sem_alloc : memref<!tpu.dma_semaphore, #tpu.memory_space<semaphore_mem>>
        %dma_start3A_1913 = tpu.memref_slice %arg3[%add3A_22] : memref<819200xi32, #tpu.memory_space<hbm>> -> memref<512xi32, #tpu.memory_space<hbm>>
        %dma_start3A_1914 = tpu.memref_slice %arg3[%add3A_22] : memref<819200xi32, #tpu.memory_space<hbm>> -> memref<512xi32, #tpu.memory_space<hbm>>
        tpu.enqueue_dma source(%dma_start3A_1914 : memref<512xi32, #tpu.memory_space<hbm>>) target(%arg6 : memref<512xi32, #tpu.memory_space<vmem>>) target_semaphore(%run_scoped3A : memref<!tpu.dma_semaphore, #tpu.memory_space<semaphore_mem>>)
        %dma_wait3A_1915 = tpu.memref_slice %arg3[%add3A_22] : memref<819200xi32, #tpu.memory_space<hbm>> -> memref<512xi32, #tpu.memory_space<hbm>>
        %dma_wait3A_1916 = tpu.memref_slice %arg3[%add3A_22] : memref<819200xi32, #tpu.memory_space<hbm>> -> memref<512xi32, #tpu.memory_space<hbm>>
        tpu.wait_dma2 semaphore(%run_scoped3A : memref<!tpu.dma_semaphore, #tpu.memory_space<semaphore_mem>>) src(%dma_wait3A_1916 : memref<512xi32, #tpu.memory_space<hbm>>) dst(%arg6 : memref<512xi32, #tpu.memory_space<vmem>>)
        tpu.yield
      }) : () -> ()
      %get3A = arith.constant 0 : index
      %get3A_23 = tpu.vector_load %arg5[%get3A] {strides = array<i32>} : memref<512xi32, #tpu.memory_space<vmem>>, vector<16xi32>,
      %get3A_24 = vector.shape_cast %get3A_23 : vector<16xi32> to vector<16xi32>
      %lt3A = arith.constant 1 : i32
      %lt3A_25 = vector.broadcast %lt3A : i32 to vector<16xi32>
      %lt3A_26 = arith.cmpi slt, %get3A_24, %lt3A_25 : vector<16xi32>
      %sub3A = arith.constant 1 : i32
      %sub3A_27 = vector.broadcast %sub3A : i32 to vector<16xi32>
      %sub3A_28 = arith.subi %get3A_24, %sub3A_27 : vector<16xi32>
      %jit3A = arith.constant 99999 : i32
      %broadcast_in_dim3A = vector.broadcast %jit3A : i32 to vector<16xi32>
      %select_n3A = arith.select %lt3A_26, %broadcast_in_dim3A, %sub3A_28 : vector<16xi1>, vector<16xi32>
      %lt3A_29 = arith.constant 50000 : i32
      %lt3A_30 = vector.broadcast %lt3A_29 : i32 to vector<16xi32>
      %lt3A_31 = arith.cmpi slt, %select_n3A, %lt3A_30 : vector<16xi32>
      %add3A_32 = arith.addi %select_n3A, %select_n3A : vector<16xi32>
      %add3A_33 = arith.addi %select_n3A, %select_n3A : vector<16xi32>
      %sub3A_34 = arith.constant 99999 : i32
      %sub3A_35 = vector.broadcast %sub3A_34 : i32 to vector<16xi32>
      %sub3A_36 = arith.subi %add3A_33, %sub3A_35 : vector<16xi32>
      %select_n3A_37 = arith.select %lt3A_31, %add3A_32, %sub3A_36 : vector<16xi1>, vector<16xi32>
      %swap3A = arith.constant 0 : i32
      %swap3A_38 = arith.index_cast %swap3A : i32 to index
      %swap3A_39 = arith.constant 0 : index
      %swap3A_40 = tpu.vector_load %arg7[%swap3A_38, %swap3A_39] {strides = array<i32>} : memref<4x128xi32, #tpu.memory_space<vmem>>, vector<1x16xi32>,
      %swap3A_41 = vector.shape_cast %swap3A_40 : vector<1x16xi32> to vector<16xi32>
      %swap3A_42 = vector.shape_cast %select_n3A_37 : vector<16xi32> to vector<1x16xi32>
      tpu.vector_store %arg7[%swap3A_38, %swap3A_39], %swap3A_42 {strides = array<i32>} : memref<4x128xi32, #tpu.memory_space<vmem>>, vector<1x16xi32>,
      %get3A_43 = arith.constant 16 : index
      %get3A_44 = tpu.vector_load %arg5[%get3A_43] {strides = array<i32>} : memref<512xi32, #tpu.memory_space<vmem>>, vector<16xi32>,
      %get3A_45 = vector.shape_cast %get3A_44 : vector<16xi32> to vector<16xi32>
      %lt3A_46 = arith.constant 1 : i32
      %lt3A_47 = vector.broadcast %lt3A_46 : i32 to vector<16xi32>
      %lt3A_48 = arith.cmpi slt, %get3A_45, %lt3A_47 : vector<16xi32>
      %sub3A_49 = arith.constant 1 : i32
      %sub3A_50 = vector.broadcast %sub3A_49 : i32 to vector<16xi32>
      %sub3A_51 = arith.subi %get3A_45, %sub3A_50 : vector<16xi32>
      %jit3A_52 = arith.constant 99999 : i32
      %broadcast_in_dim3A_53 = vector.broadcast %jit3A_52 : i32 to vector<16xi32>
      %select_n3A_54 = arith.select %lt3A_48, %broadcast_in_dim3A_53, %sub3A_51 : vector<16xi1>, vector<16xi32>
      %lt3A_55 = arith.constant 50000 : i32
      %lt3A_56 = vector.broadcast %lt3A_55 : i32 to vector<16xi32>
      %lt3A_57 = arith.cmpi slt, %select_n3A_54, %lt3A_56 : vector<16xi32>
      %add3A_58 = arith.addi %select_n3A_54, %select_n3A_54 : vector<16xi32>
      %add3A_59 = arith.addi %select_n3A_54, %select_n3A_54 : vector<16xi32>
      %sub3A_60 = arith.constant 99999 : i32
      %sub3A_61 = vector.broadcast %sub3A_60 : i32 to vector<16xi32>
      %sub3A_62 = arith.subi %add3A_59, %sub3A_61 : vector<16xi32>
      %select_n3A_63 = arith.select %lt3A_57, %add3A_58, %sub3A_62 : vector<16xi1>, vector<16xi32>
      %swap3A_64 = arith.constant 0 : i32
      %swap3A_65 = arith.index_cast %swap3A_64 : i32 to index
      %swap3A_66 = arith.constant 16 : index
      %swap3A_67 = tpu.vector_load %arg7[%swap3A_65, %swap3A_66] {strides = array<i32>} : memref<4x128xi32, #tpu.memory_space<vmem>>, vector<1x16xi32>,
      %swap3A_68 = vector.shape_cast %swap3A_67 : vector<1x16xi32> to vector<16xi32>
      %swap3A_69 = vector.shape_cast %select_n3A_63 : vector<16xi32> to vector<1x16xi32>
      tpu.vector_store %arg7[%swap3A_65, %swap3A_66], %swap3A_69 {strides = array<i32>} : memref<4x128xi32, #tpu.memory_space<vmem>>, vector<1x16xi32>,
      %get3A_70 = arith.constant 32 : index
      %get3A_71 = tpu.vector_load %arg5[%get3A_70] {strides = array<i32>} : memref<512xi32, #tpu.memory_space<vmem>>, vector<16xi32>,
      %get3A_72 = vector.shape_cast %get3A_71 : vector<16xi32> to vector<16xi32>
      %lt3A_73 = arith.constant 1 : i32
      %lt3A_74 = vector.broadcast %lt3A_73 : i32 to vector<16xi32>
      %lt3A_75 = arith.cmpi slt, %get3A_72, %lt3A_74 : vector<16xi32>
      %sub3A_76 = arith.constant 1 : i32
      %sub3A_77 = vector.broadcast %sub3A_76 : i32 to vector<16xi32>
      %sub3A_78 = arith.subi %get3A_72, %sub3A_77 : vector<16xi32>
      %jit3A_79 = arith.constant 99999 : i32
      %broadcast_in_dim3A_80 = vector.broadcast %jit3A_79 : i32 to vector<16xi32>
      %select_n3A_81 = arith.select %lt3A_75, %broadcast_in_dim3A_80, %sub3A_78 : vector<16xi1>, vector<16xi32>
      %lt3A_82 = arith.constant 50000 : i32
      %lt3A_83 = vector.broadcast %lt3A_82 : i32 to vector<16xi32>
      %lt3A_84 = arith.cmpi slt, %select_n3A_81, %lt3A_83 : vector<16xi32>
      %add3A_85 = arith.addi %select_n3A_81, %select_n3A_81 : vector<16xi32>
      %add3A_86 = arith.addi %select_n3A_81, %select_n3A_81 : vector<16xi32>
      %sub3A_87 = arith.constant 99999 : i32
      %sub3A_88 = vector.broadcast %sub3A_87 : i32 to vector<16xi32>
      %sub3A_89 = arith.subi %add3A_86, %sub3A_88 : vector<16xi32>
      %select_n3A_90 = arith.select %lt3A_84, %add3A_85, %sub3A_89 : vector<16xi1>, vector<16xi32>
      %swap3A_91 = arith.constant 0 : i32
      %swap3A_92 = arith.index_cast %swap3A_91 : i32 to index
      %swap3A_93 = arith.constant 32 : index
      %swap3A_94 = tpu.vector_load %arg7[%swap3A_92, %swap3A_93] {strides = array<i32>} : memref<4x128xi32, #tpu.memory_space<vmem>>, vector<1x16xi32>,
      %swap3A_95 = vector.shape_cast %swap3A_94 : vector<1x16xi32> to vector<16xi32>
      %swap3A_96 = vector.shape_cast %select_n3A_90 : vector<16xi32> to vector<1x16xi32>
      tpu.vector_store %arg7[%swap3A_92, %swap3A_93], %swap3A_96 {strides = array<i32>} : memref<4x128xi32, #tpu.memory_space<vmem>>, vector<1x16xi32>,
      %get3A_97 = arith.constant 48 : index
      %get3A_98 = tpu.vector_load %arg5[%get3A_97] {strides = array<i32>} : memref<512xi32, #tpu.memory_space<vmem>>, vector<16xi32>,
      %get3A_99 = vector.shape_cast %get3A_98 : vector<16xi32> to vector<16xi32>
      %lt3A_100 = arith.constant 1 : i32
      %lt3A_101 = vector.broadcast %lt3A_100 : i32 to vector<16xi32>
      %lt3A_102 = arith.cmpi slt, %get3A_99, %lt3A_101 : vector<16xi32>
      %sub3A_103 = arith.constant 1 : i32
      %sub3A_104 = vector.broadcast %sub3A_103 : i32 to vector<16xi32>
      %sub3A_105 = arith.subi %get3A_99, %sub3A_104 : vector<16xi32>
      %jit3A_106 = arith.constant 99999 : i32
      %broadcast_in_dim3A_107 = vector.broadcast %jit3A_106 : i32 to vector<16xi32>
      %select_n3A_108 = arith.select %lt3A_102, %broadcast_in_dim3A_107, %sub3A_105 : vector<16xi1>, vector<16xi32>
      %lt3A_109 = arith.constant 50000 : i32
      %lt3A_110 = vector.broadcast %lt3A_109 : i32 to vector<16xi32>
      %lt3A_111 = arith.cmpi slt, %select_n3A_108, %lt3A_110 : vector<16xi32>
      %add3A_112 = arith.addi %select_n3A_108, %select_n3A_108 : vector<16xi32>
      %add3A_113 = arith.addi %select_n3A_108, %select_n3A_108 : vector<16xi32>
      %sub3A_114 = arith.constant 99999 : i32
      %sub3A_115 = vector.broadcast %sub3A_114 : i32 to vector<16xi32>
      %sub3A_116 = arith.subi %add3A_113, %sub3A_115 : vector<16xi32>
      %select_n3A_117 = arith.select %lt3A_111, %add3A_112, %sub3A_116 : vector<16xi1>, vector<16xi32>
      %swap3A_118 = arith.constant 0 : i32
      %swap3A_119 = arith.index_cast %swap3A_118 : i32 to index
      %swap3A_120 = arith.constant 48 : index
      %swap3A_121 = tpu.vector_load %arg7[%swap3A_119, %swap3A_120] {strides = array<i32>} : memref<4x128xi32, #tpu.memory_space<vmem>>, vector<1x16xi32>,
      %swap3A_122 = vector.shape_cast %swap3A_121 : vector<1x16xi32> to vector<16xi32>
      %swap3A_123 = vector.shape_cast %select_n3A_117 : vector<16xi32> to vector<1x16xi32>
      tpu.vector_store %arg7[%swap3A_119, %swap3A_120], %swap3A_123 {strides = array<i32>} : memref<4x128xi32, #tpu.memory_space<vmem>>, vector<1x16xi32>,
      %get3A_124 = arith.constant 64 : index
      %get3A_125 = tpu.vector_load %arg5[%get3A_124] {strides = array<i32>} : memref<512xi32, #tpu.memory_space<vmem>>, vector<16xi32>,
      %get3A_126 = vector.shape_cast %get3A_125 : vector<16xi32> to vector<16xi32>
      %lt3A_127 = arith.constant 1 : i32
      %lt3A_128 = vector.broadcast %lt3A_127 : i32 to vector<16xi32>
      %lt3A_129 = arith.cmpi slt, %get3A_126, %lt3A_128 : vector<16xi32>
      %sub3A_130 = arith.constant 1 : i32
      %sub3A_131 = vector.broadcast %sub3A_130 : i32 to vector<16xi32>
      %sub3A_132 = arith.subi %get3A_126, %sub3A_131 : vector<16xi32>
      %jit3A_133 = arith.constant 99999 : i32
      %broadcast_in_dim3A_134 = vector.broadcast %jit3A_133 : i32 to vector<16xi32>
      %select_n3A_135 = arith.select %lt3A_129, %broadcast_in_dim3A_134, %sub3A_132 : vector<16xi1>, vector<16xi32>
      %lt3A_136 = arith.constant 50000 : i32
      %lt3A_137 = vector.broadcast %lt3A_136 : i32 to vector<16xi32>
      %lt3A_138 = arith.cmpi slt, %select_n3A_135, %lt3A_137 : vector<16xi32>
      %add3A_139 = arith.addi %select_n3A_135, %select_n3A_135 : vector<16xi32>
      %add3A_140 = arith.addi %select_n3A_135, %select_n3A_135 : vector<16xi32>
      %sub3A_141 = arith.constant 99999 : i32
      %sub3A_142 = vector.broadcast %sub3A_141 : i32 to vector<16xi32>
      %sub3A_143 = arith.subi %add3A_140, %sub3A_142 : vector<16xi32>
      %select_n3A_144 = arith.select %lt3A_138, %add3A_139, %sub3A_143 : vector<16xi1>, vector<16xi32>
      %swap3A_145 = arith.constant 0 : i32
      %swap3A_146 = arith.index_cast %swap3A_145 : i32 to index
      %swap3A_147 = arith.constant 64 : index
      %swap3A_148 = tpu.vector_load %arg7[%swap3A_146, %swap3A_147] {strides = array<i32>} : memref<4x128xi32, #tpu.memory_space<vmem>>, vector<1x16xi32>,
      %swap3A_149 = vector.shape_cast %swap3A_148 : vector<1x16xi32> to vector<16xi32>
      %swap3A_150 = vector.shape_cast %select_n3A_144 : vector<16xi32> to vector<1x16xi32>
      tpu.vector_store %arg7[%swap3A_146, %swap3A_147], %swap3A_150 {strides = array<i32>} : memref<4x128xi32, #tpu.memory_space<vmem>>, vector<1x16xi32>,
      %get3A_151 = arith.constant 80 : index
      %get3A_152 = tpu.vector_load %arg5[%get3A_151] {strides = array<i32>} : memref<512xi32, #tpu.memory_space<vmem>>, vector<16xi32>,
      %get3A_153 = vector.shape_cast %get3A_152 : vector<16xi32> to vector<16xi32>
      %lt3A_154 = arith.constant 1 : i32
      %lt3A_155 = vector.broadcast %lt3A_154 : i32 to vector<16xi32>
      %lt3A_156 = arith.cmpi slt, %get3A_153, %lt3A_155 : vector<16xi32>
      %sub3A_157 = arith.constant 1 : i32
      %sub3A_158 = vector.broadcast %sub3A_157 : i32 to vector<16xi32>
      %sub3A_159 = arith.subi %get3A_153, %sub3A_158 : vector<16xi32>
      %jit3A_160 = arith.constant 99999 : i32
      %broadcast_in_dim3A_161 = vector.broadcast %jit3A_160 : i32 to vector<16xi32>
      %select_n3A_162 = arith.select %lt3A_156, %broadcast_in_dim3A_161, %sub3A_159 : vector<16xi1>, vector<16xi32>
      %lt3A_163 = arith.constant 50000 : i32
      %lt3A_164 = vector.broadcast %lt3A_163 : i32 to vector<16xi32>
      %lt3A_165 = arith.cmpi slt, %select_n3A_162, %lt3A_164 : vector<16xi32>
      %add3A_166 = arith.addi %select_n3A_162, %select_n3A_162 : vector<16xi32>
      %add3A_167 = arith.addi %select_n3A_162, %select_n3A_162 : vector<16xi32>
      %sub3A_168 = arith.constant 99999 : i32
      %sub3A_169 = vector.broadcast %sub3A_168 : i32 to vector<16xi32>
      %sub3A_170 = arith.subi %add3A_167, %sub3A_169 : vector<16xi32>
      %select_n3A_171 = arith.select %lt3A_165, %add3A_166, %sub3A_170 : vector<16xi1>, vector<16xi32>
      %swap3A_172 = arith.constant 0 : i32
      %swap3A_173 = arith.index_cast %swap3A_172 : i32 to index
      %swap3A_174 = arith.constant 80 : index
      %swap3A_175 = tpu.vector_load %arg7[%swap3A_173, %swap3A_174] {strides = array<i32>} : memref<4x128xi32, #tpu.memory_space<vmem>>, vector<1x16xi32>,
      %swap3A_176 = vector.shape_cast %swap3A_175 : vector<1x16xi32> to vector<16xi32>
      %swap3A_177 = vector.shape_cast %select_n3A_171 : vector<16xi32> to vector<1x16xi32>
      tpu.vector_store %arg7[%swap3A_173, %swap3A_174], %swap3A_177 {strides = array<i32>} : memref<4x128xi32, #tpu.memory_space<vmem>>, vector<1x16xi32>,
      %get3A_178 = arith.constant 96 : index
      %get3A_179 = tpu.vector_load %arg5[%get3A_178] {strides = array<i32>} : memref<512xi32, #tpu.memory_space<vmem>>, vector<16xi32>,
      %get3A_180 = vector.shape_cast %get3A_179 : vector<16xi32> to vector<16xi32>
      %lt3A_181 = arith.constant 1 : i32
      %lt3A_182 = vector.broadcast %lt3A_181 : i32 to vector<16xi32>
      %lt3A_183 = arith.cmpi slt, %get3A_180, %lt3A_182 : vector<16xi32>
      %sub3A_184 = arith.constant 1 : i32
      %sub3A_185 = vector.broadcast %sub3A_184 : i32 to vector<16xi32>
      %sub3A_186 = arith.subi %get3A_180, %sub3A_185 : vector<16xi32>
      %jit3A_187 = arith.constant 99999 : i32
      %broadcast_in_dim3A_188 = vector.broadcast %jit3A_187 : i32 to vector<16xi32>
      %select_n3A_189 = arith.select %lt3A_183, %broadcast_in_dim3A_188, %sub3A_186 : vector<16xi1>, vector<16xi32>
      %lt3A_190 = arith.constant 50000 : i32
      %lt3A_191 = vector.broadcast %lt3A_190 : i32 to vector<16xi32>
      %lt3A_192 = arith.cmpi slt, %select_n3A_189, %lt3A_191 : vector<16xi32>
      %add3A_193 = arith.addi %select_n3A_189, %select_n3A_189 : vector<16xi32>
      %add3A_194 = arith.addi %select_n3A_189, %select_n3A_189 : vector<16xi32>
      %sub3A_195 = arith.constant 99999 : i32
      %sub3A_196 = vector.broadcast %sub3A_195 : i32 to vector<16xi32>
      %sub3A_197 = arith.subi %add3A_194, %sub3A_196 : vector<16xi32>
      %select_n3A_198 = arith.select %lt3A_192, %add3A_193, %sub3A_197 : vector<16xi1>, vector<16xi32>
      %swap3A_199 = arith.constant 0 : i32
      %swap3A_200 = arith.index_cast %swap3A_199 : i32 to index
      %swap3A_201 = arith.constant 96 : index
      %swap3A_202 = tpu.vector_load %arg7[%swap3A_200, %swap3A_201] {strides = array<i32>} : memref<4x128xi32, #tpu.memory_space<vmem>>, vector<1x16xi32>,
      %swap3A_203 = vector.shape_cast %swap3A_202 : vector<1x16xi32> to vector<16xi32>
      %swap3A_204 = vector.shape_cast %select_n3A_198 : vector<16xi32> to vector<1x16xi32>
      tpu.vector_store %arg7[%swap3A_200, %swap3A_201], %swap3A_204 {strides = array<i32>} : memref<4x128xi32, #tpu.memory_space<vmem>>, vector<1x16xi32>,
      %get3A_205 = arith.constant 112 : index
      %get3A_206 = tpu.vector_load %arg5[%get3A_205] {strides = array<i32>} : memref<512xi32, #tpu.memory_space<vmem>>, vector<16xi32>,
      %get3A_207 = vector.shape_cast %get3A_206 : vector<16xi32> to vector<16xi32>
      %lt3A_208 = arith.constant 1 : i32
      %lt3A_209 = vector.broadcast %lt3A_208 : i32 to vector<16xi32>
      %lt3A_210 = arith.cmpi slt, %get3A_207, %lt3A_209 : vector<16xi32>
      %sub3A_211 = arith.constant 1 : i32
      %sub3A_212 = vector.broadcast %sub3A_211 : i32 to vector<16xi32>
      %sub3A_213 = arith.subi %get3A_207, %sub3A_212 : vector<16xi32>
      %jit3A_214 = arith.constant 99999 : i32
      %broadcast_in_dim3A_215 = vector.broadcast %jit3A_214 : i32 to vector<16xi32>
      %select_n3A_216 = arith.select %lt3A_210, %broadcast_in_dim3A_215, %sub3A_213 : vector<16xi1>, vector<16xi32>
      %lt3A_217 = arith.constant 50000 : i32
      %lt3A_218 = vector.broadcast %lt3A_217 : i32 to vector<16xi32>
      %lt3A_219 = arith.cmpi slt, %select_n3A_216, %lt3A_218 : vector<16xi32>
      %add3A_220 = arith.addi %select_n3A_216, %select_n3A_216 : vector<16xi32>
      %add3A_221 = arith.addi %select_n3A_216, %select_n3A_216 : vector<16xi32>
      %sub3A_222 = arith.constant 99999 : i32
      %sub3A_223 = vector.broadcast %sub3A_222 : i32 to vector<16xi32>
      %sub3A_224 = arith.subi %add3A_221, %sub3A_223 : vector<16xi32>
      %select_n3A_225 = arith.select %lt3A_219, %add3A_220, %sub3A_224 : vector<16xi1>, vector<16xi32>
      %swap3A_226 = arith.constant 0 : i32
      %swap3A_227 = arith.index_cast %swap3A_226 : i32 to index
      %swap3A_228 = arith.constant 112 : index
      %swap3A_229 = tpu.vector_load %arg7[%swap3A_227, %swap3A_228] {strides = array<i32>} : memref<4x128xi32, #tpu.memory_space<vmem>>, vector<1x16xi32>,
      %swap3A_230 = vector.shape_cast %swap3A_229 : vector<1x16xi32> to vector<16xi32>
      %swap3A_231 = vector.shape_cast %select_n3A_225 : vector<16xi32> to vector<1x16xi32>
      tpu.vector_store %arg7[%swap3A_227, %swap3A_228], %swap3A_231 {strides = array<i32>} : memref<4x128xi32, #tpu.memory_space<vmem>>, vector<1x16xi32>,
      %get3A_232 = arith.constant 128 : index
      %get3A_233 = tpu.vector_load %arg5[%get3A_232] {strides = array<i32>} : memref<512xi32, #tpu.memory_space<vmem>>, vector<16xi32>,
      %get3A_234 = vector.shape_cast %get3A_233 : vector<16xi32> to vector<16xi32>
      %lt3A_235 = arith.constant 1 : i32
      %lt3A_236 = vector.broadcast %lt3A_235 : i32 to vector<16xi32>
      %lt3A_237 = arith.cmpi slt, %get3A_234, %lt3A_236 : vector<16xi32>
      %sub3A_238 = arith.constant 1 : i32
      %sub3A_239 = vector.broadcast %sub3A_238 : i32 to vector<16xi32>
      %sub3A_240 = arith.subi %get3A_234, %sub3A_239 : vector<16xi32>
      %jit3A_241 = arith.constant 99999 : i32
      %broadcast_in_dim3A_242 = vector.broadcast %jit3A_241 : i32 to vector<16xi32>
      %select_n3A_243 = arith.select %lt3A_237, %broadcast_in_dim3A_242, %sub3A_240 : vector<16xi1>, vector<16xi32>
      %lt3A_244 = arith.constant 50000 : i32
      %lt3A_245 = vector.broadcast %lt3A_244 : i32 to vector<16xi32>
      %lt3A_246 = arith.cmpi slt, %select_n3A_243, %lt3A_245 : vector<16xi32>
      %add3A_247 = arith.addi %select_n3A_243, %select_n3A_243 : vector<16xi32>
      %add3A_248 = arith.addi %select_n3A_243, %select_n3A_243 : vector<16xi32>
      %sub3A_249 = arith.constant 99999 : i32
      %sub3A_250 = vector.broadcast %sub3A_249 : i32 to vector<16xi32>
      %sub3A_251 = arith.subi %add3A_248, %sub3A_250 : vector<16xi32>
      %select_n3A_252 = arith.select %lt3A_246, %add3A_247, %sub3A_251 : vector<16xi1>, vector<16xi32>
      %swap3A_253 = arith.constant 1 : i32
      %swap3A_254 = arith.index_cast %swap3A_253 : i32 to index
      %swap3A_255 = arith.constant 0 : index
      %swap3A_256 = tpu.vector_load %arg7[%swap3A_254, %swap3A_255] {strides = array<i32>} : memref<4x128xi32, #tpu.memory_space<vmem>>, vector<1x16xi32>,
      %swap3A_257 = vector.shape_cast %swap3A_256 : vector<1x16xi32> to vector<16xi32>
      %swap3A_258 = vector.shape_cast %select_n3A_252 : vector<16xi32> to vector<1x16xi32>
      tpu.vector_store %arg7[%swap3A_254, %swap3A_255], %swap3A_258 {strides = array<i32>} : memref<4x128xi32, #tpu.memory_space<vmem>>, vector<1x16xi32>,
      %get3A_259 = arith.constant 144 : index
      %get3A_260 = tpu.vector_load %arg5[%get3A_259] {strides = array<i32>} : memref<512xi32, #tpu.memory_space<vmem>>, vector<16xi32>,
      %get3A_261 = vector.shape_cast %get3A_260 : vector<16xi32> to vector<16xi32>
      %lt3A_262 = arith.constant 1 : i32
      %lt3A_263 = vector.broadcast %lt3A_262 : i32 to vector<16xi32>
      %lt3A_264 = arith.cmpi slt, %get3A_261, %lt3A_263 : vector<16xi32>
      %sub3A_265 = arith.constant 1 : i32
      %sub3A_266 = vector.broadcast %sub3A_265 : i32 to vector<16xi32>
      %sub3A_267 = arith.subi %get3A_261, %sub3A_266 : vector<16xi32>
      %jit3A_268 = arith.constant 99999 : i32
      %broadcast_in_dim3A_269 = vector.broadcast %jit3A_268 : i32 to vector<16xi32>
      %select_n3A_270 = arith.select %lt3A_264, %broadcast_in_dim3A_269, %sub3A_267 : vector<16xi1>, vector<16xi32>
      %lt3A_271 = arith.constant 50000 : i32
      %lt3A_272 = vector.broadcast %lt3A_271 : i32 to vector<16xi32>
      %lt3A_273 = arith.cmpi slt, %select_n3A_270, %lt3A_272 : vector<16xi32>
      %add3A_274 = arith.addi %select_n3A_270, %select_n3A_270 : vector<16xi32>
      %add3A_275 = arith.addi %select_n3A_270, %select_n3A_270 : vector<16xi32>
      %sub3A_276 = arith.constant 99999 : i32
      %sub3A_277 = vector.broadcast %sub3A_276 : i32 to vector<16xi32>
      %sub3A_278 = arith.subi %add3A_275, %sub3A_277 : vector<16xi32>
      %select_n3A_279 = arith.select %lt3A_273, %add3A_274, %sub3A_278 : vector<16xi1>, vector<16xi32>
      %swap3A_280 = arith.constant 1 : i32
      %swap3A_281 = arith.index_cast %swap3A_280 : i32 to index
      %swap3A_282 = arith.constant 16 : index
      %swap3A_283 = tpu.vector_load %arg7[%swap3A_281, %swap3A_282] {strides = array<i32>} : memref<4x128xi32, #tpu.memory_space<vmem>>, vector<1x16xi32>,
      %swap3A_284 = vector.shape_cast %swap3A_283 : vector<1x16xi32> to vector<16xi32>
      %swap3A_285 = vector.shape_cast %select_n3A_279 : vector<16xi32> to vector<1x16xi32>
      tpu.vector_store %arg7[%swap3A_281, %swap3A_282], %swap3A_285 {strides = array<i32>} : memref<4x128xi32, #tpu.memory_space<vmem>>, vector<1x16xi32>,
      %get3A_286 = arith.constant 160 : index
      %get3A_287 = tpu.vector_load %arg5[%get3A_286] {strides = array<i32>} : memref<512xi32, #tpu.memory_space<vmem>>, vector<16xi32>,
      %get3A_288 = vector.shape_cast %get3A_287 : vector<16xi32> to vector<16xi32>
      %lt3A_289 = arith.constant 1 : i32
      %lt3A_290 = vector.broadcast %lt3A_289 : i32 to vector<16xi32>
      %lt3A_291 = arith.cmpi slt, %get3A_288, %lt3A_290 : vector<16xi32>
      %sub3A_292 = arith.constant 1 : i32
      %sub3A_293 = vector.broadcast %sub3A_292 : i32 to vector<16xi32>
      %sub3A_294 = arith.subi %get3A_288, %sub3A_293 : vector<16xi32>
      %jit3A_295 = arith.constant 99999 : i32
      %broadcast_in_dim3A_296 = vector.broadcast %jit3A_295 : i32 to vector<16xi32>
      %select_n3A_297 = arith.select %lt3A_291, %broadcast_in_dim3A_296, %sub3A_294 : vector<16xi1>, vector<16xi32>
      %lt3A_298 = arith.constant 50000 : i32
      %lt3A_299 = vector.broadcast %lt3A_298 : i32 to vector<16xi32>
      %lt3A_300 = arith.cmpi slt, %select_n3A_297, %lt3A_299 : vector<16xi32>
      %add3A_301 = arith.addi %select_n3A_297, %select_n3A_297 : vector<16xi32>
      %add3A_302 = arith.addi %select_n3A_297, %select_n3A_297 : vector<16xi32>
      %sub3A_303 = arith.constant 99999 : i32
      %sub3A_304 = vector.broadcast %sub3A_303 : i32 to vector<16xi32>
      %sub3A_305 = arith.subi %add3A_302, %sub3A_304 : vector<16xi32>
      %select_n3A_306 = arith.select %lt3A_300, %add3A_301, %sub3A_305 : vector<16xi1>, vector<16xi32>
      %swap3A_307 = arith.constant 1 : i32
      %swap3A_308 = arith.index_cast %swap3A_307 : i32 to index
      %swap3A_309 = arith.constant 32 : index
      %swap3A_310 = tpu.vector_load %arg7[%swap3A_308, %swap3A_309] {strides = array<i32>} : memref<4x128xi32, #tpu.memory_space<vmem>>, vector<1x16xi32>,
      %swap3A_311 = vector.shape_cast %swap3A_310 : vector<1x16xi32> to vector<16xi32>
      %swap3A_312 = vector.shape_cast %select_n3A_306 : vector<16xi32> to vector<1x16xi32>
      tpu.vector_store %arg7[%swap3A_308, %swap3A_309], %swap3A_312 {strides = array<i32>} : memref<4x128xi32, #tpu.memory_space<vmem>>, vector<1x16xi32>,
      %get3A_313 = arith.constant 176 : index
      %get3A_314 = tpu.vector_load %arg5[%get3A_313] {strides = array<i32>} : memref<512xi32, #tpu.memory_space<vmem>>, vector<16xi32>,
      %get3A_315 = vector.shape_cast %get3A_314 : vector<16xi32> to vector<16xi32>
      %lt3A_316 = arith.constant 1 : i32
      %lt3A_317 = vector.broadcast %lt3A_316 : i32 to vector<16xi32>
      %lt3A_318 = arith.cmpi slt, %get3A_315, %lt3A_317 : vector<16xi32>
      %sub3A_319 = arith.constant 1 : i32
      %sub3A_320 = vector.broadcast %sub3A_319 : i32 to vector<16xi32>
      %sub3A_321 = arith.subi %get3A_315, %sub3A_320 : vector<16xi32>
      %jit3A_322 = arith.constant 99999 : i32
      %broadcast_in_dim3A_323 = vector.broadcast %jit3A_322 : i32 to vector<16xi32>
      %select_n3A_324 = arith.select %lt3A_318, %broadcast_in_dim3A_323, %sub3A_321 : vector<16xi1>, vector<16xi32>
      %lt3A_325 = arith.constant 50000 : i32
      %lt3A_326 = vector.broadcast %lt3A_325 : i32 to vector<16xi32>
      %lt3A_327 = arith.cmpi slt, %select_n3A_324, %lt3A_326 : vector<16xi32>
      %add3A_328 = arith.addi %select_n3A_324, %select_n3A_324 : vector<16xi32>
      %add3A_329 = arith.addi %select_n3A_324, %select_n3A_324 : vector<16xi32>
      %sub3A_330 = arith.constant 99999 : i32
      %sub3A_331 = vector.broadcast %sub3A_330 : i32 to vector<16xi32>
      %sub3A_332 = arith.subi %add3A_329, %sub3A_331 : vector<16xi32>
      %select_n3A_333 = arith.select %lt3A_327, %add3A_328, %sub3A_332 : vector<16xi1>, vector<16xi32>
      %swap3A_334 = arith.constant 1 : i32
      %swap3A_335 = arith.index_cast %swap3A_334 : i32 to index
      %swap3A_336 = arith.constant 48 : index
      %swap3A_337 = tpu.vector_load %arg7[%swap3A_335, %swap3A_336] {strides = array<i32>} : memref<4x128xi32, #tpu.memory_space<vmem>>, vector<1x16xi32>,
      %swap3A_338 = vector.shape_cast %swap3A_337 : vector<1x16xi32> to vector<16xi32>
      %swap3A_339 = vector.shape_cast %select_n3A_333 : vector<16xi32> to vector<1x16xi32>
      tpu.vector_store %arg7[%swap3A_335, %swap3A_336], %swap3A_339 {strides = array<i32>} : memref<4x128xi32, #tpu.memory_space<vmem>>, vector<1x16xi32>,
      %get3A_340 = arith.constant 192 : index
      %get3A_341 = tpu.vector_load %arg5[%get3A_340] {strides = array<i32>} : memref<512xi32, #tpu.memory_space<vmem>>, vector<16xi32>,
      %get3A_342 = vector.shape_cast %get3A_341 : vector<16xi32> to vector<16xi32>
      %lt3A_343 = arith.constant 1 : i32
      %lt3A_344 = vector.broadcast %lt3A_343 : i32 to vector<16xi32>
      %lt3A_345 = arith.cmpi slt, %get3A_342, %lt3A_344 : vector<16xi32>
      %sub3A_346 = arith.constant 1 : i32
      %sub3A_347 = vector.broadcast %sub3A_346 : i32 to vector<16xi32>
      %sub3A_348 = arith.subi %get3A_342, %sub3A_347 : vector<16xi32>
      %jit3A_349 = arith.constant 99999 : i32
      %broadcast_in_dim3A_350 = vector.broadcast %jit3A_349 : i32 to vector<16xi32>
      %select_n3A_351 = arith.select %lt3A_345, %broadcast_in_dim3A_350, %sub3A_348 : vector<16xi1>, vector<16xi32>
      %lt3A_352 = arith.constant 50000 : i32
      %lt3A_353 = vector.broadcast %lt3A_352 : i32 to vector<16xi32>
      %lt3A_354 = arith.cmpi slt, %select_n3A_351, %lt3A_353 : vector<16xi32>
      %add3A_355 = arith.addi %select_n3A_351, %select_n3A_351 : vector<16xi32>
      %add3A_356 = arith.addi %select_n3A_351, %select_n3A_351 : vector<16xi32>
      %sub3A_357 = arith.constant 99999 : i32
      %sub3A_358 = vector.broadcast %sub3A_357 : i32 to vector<16xi32>
      %sub3A_359 = arith.subi %add3A_356, %sub3A_358 : vector<16xi32>
      %select_n3A_360 = arith.select %lt3A_354, %add3A_355, %sub3A_359 : vector<16xi1>, vector<16xi32>
      %swap3A_361 = arith.constant 1 : i32
      %swap3A_362 = arith.index_cast %swap3A_361 : i32 to index
      %swap3A_363 = arith.constant 64 : index
      %swap3A_364 = tpu.vector_load %arg7[%swap3A_362, %swap3A_363] {strides = array<i32>} : memref<4x128xi32, #tpu.memory_space<vmem>>, vector<1x16xi32>,
      %swap3A_365 = vector.shape_cast %swap3A_364 : vector<1x16xi32> to vector<16xi32>
      %swap3A_366 = vector.shape_cast %select_n3A_360 : vector<16xi32> to vector<1x16xi32>
      tpu.vector_store %arg7[%swap3A_362, %swap3A_363], %swap3A_366 {strides = array<i32>} : memref<4x128xi32, #tpu.memory_space<vmem>>, vector<1x16xi32>,
      %get3A_367 = arith.constant 208 : index
      %get3A_368 = tpu.vector_load %arg5[%get3A_367] {strides = array<i32>} : memref<512xi32, #tpu.memory_space<vmem>>, vector<16xi32>,
      %get3A_369 = vector.shape_cast %get3A_368 : vector<16xi32> to vector<16xi32>
      %lt3A_370 = arith.constant 1 : i32
      %lt3A_371 = vector.broadcast %lt3A_370 : i32 to vector<16xi32>
      %lt3A_372 = arith.cmpi slt, %get3A_369, %lt3A_371 : vector<16xi32>
      %sub3A_373 = arith.constant 1 : i32
      %sub3A_374 = vector.broadcast %sub3A_373 : i32 to vector<16xi32>
      %sub3A_375 = arith.subi %get3A_369, %sub3A_374 : vector<16xi32>
      %jit3A_376 = arith.constant 99999 : i32
      %broadcast_in_dim3A_377 = vector.broadcast %jit3A_376 : i32 to vector<16xi32>
      %select_n3A_378 = arith.select %lt3A_372, %broadcast_in_dim3A_377, %sub3A_375 : vector<16xi1>, vector<16xi32>
      %lt3A_379 = arith.constant 50000 : i32
      %lt3A_380 = vector.broadcast %lt3A_379 : i32 to vector<16xi32>
      %lt3A_381 = arith.cmpi slt, %select_n3A_378, %lt3A_380 : vector<16xi32>
      %add3A_382 = arith.addi %select_n3A_378, %select_n3A_378 : vector<16xi32>
      %add3A_383 = arith.addi %select_n3A_378, %select_n3A_378 : vector<16xi32>
      %sub3A_384 = arith.constant 99999 : i32
      %sub3A_385 = vector.broadcast %sub3A_384 : i32 to vector<16xi32>
      %sub3A_386 = arith.subi %add3A_383, %sub3A_385 : vector<16xi32>
      %select_n3A_387 = arith.select %lt3A_381, %add3A_382, %sub3A_386 : vector<16xi1>, vector<16xi32>
      %swap3A_388 = arith.constant 1 : i32
      %swap3A_389 = arith.index_cast %swap3A_388 : i32 to index
      %swap3A_390 = arith.constant 80 : index
      %swap3A_391 = tpu.vector_load %arg7[%swap3A_389, %swap3A_390] {strides = array<i32>} : memref<4x128xi32, #tpu.memory_space<vmem>>, vector<1x16xi32>,
      %swap3A_392 = vector.shape_cast %swap3A_391 : vector<1x16xi32> to vector<16xi32>
      %swap3A_393 = vector.shape_cast %select_n3A_387 : vector<16xi32> to vector<1x16xi32>
      tpu.vector_store %arg7[%swap3A_389, %swap3A_390], %swap3A_393 {strides = array<i32>} : memref<4x128xi32, #tpu.memory_space<vmem>>, vector<1x16xi32>,
      %get3A_394 = arith.constant 224 : index
      %get3A_395 = tpu.vector_load %arg5[%get3A_394] {strides = array<i32>} : memref<512xi32, #tpu.memory_space<vmem>>, vector<16xi32>,
      %get3A_396 = vector.shape_cast %get3A_395 : vector<16xi32> to vector<16xi32>
      %lt3A_397 = arith.constant 1 : i32
      %lt3A_398 = vector.broadcast %lt3A_397 : i32 to vector<16xi32>
      %lt3A_399 = arith.cmpi slt, %get3A_396, %lt3A_398 : vector<16xi32>
      %sub3A_400 = arith.constant 1 : i32
      %sub3A_401 = vector.broadcast %sub3A_400 : i32 to vector<16xi32>
      %sub3A_402 = arith.subi %get3A_396, %sub3A_401 : vector<16xi32>
      %jit3A_403 = arith.constant 99999 : i32
      %broadcast_in_dim3A_404 = vector.broadcast %jit3A_403 : i32 to vector<16xi32>
      %select_n3A_405 = arith.select %lt3A_399, %broadcast_in_dim3A_404, %sub3A_402 : vector<16xi1>, vector<16xi32>
      %lt3A_406 = arith.constant 50000 : i32
      %lt3A_407 = vector.broadcast %lt3A_406 : i32 to vector<16xi32>
      %lt3A_408 = arith.cmpi slt, %select_n3A_405, %lt3A_407 : vector<16xi32>
      %add3A_409 = arith.addi %select_n3A_405, %select_n3A_405 : vector<16xi32>
      %add3A_410 = arith.addi %select_n3A_405, %select_n3A_405 : vector<16xi32>
      %sub3A_411 = arith.constant 99999 : i32
      %sub3A_412 = vector.broadcast %sub3A_411 : i32 to vector<16xi32>
      %sub3A_413 = arith.subi %add3A_410, %sub3A_412 : vector<16xi32>
      %select_n3A_414 = arith.select %lt3A_408, %add3A_409, %sub3A_413 : vector<16xi1>, vector<16xi32>
      %swap3A_415 = arith.constant 1 : i32
      %swap3A_416 = arith.index_cast %swap3A_415 : i32 to index
      %swap3A_417 = arith.constant 96 : index
      %swap3A_418 = tpu.vector_load %arg7[%swap3A_416, %swap3A_417] {strides = array<i32>} : memref<4x128xi32, #tpu.memory_space<vmem>>, vector<1x16xi32>,
      %swap3A_419 = vector.shape_cast %swap3A_418 : vector<1x16xi32> to vector<16xi32>
      %swap3A_420 = vector.shape_cast %select_n3A_414 : vector<16xi32> to vector<1x16xi32>
      tpu.vector_store %arg7[%swap3A_416, %swap3A_417], %swap3A_420 {strides = array<i32>} : memref<4x128xi32, #tpu.memory_space<vmem>>, vector<1x16xi32>,
      %get3A_421 = arith.constant 240 : index
      %get3A_422 = tpu.vector_load %arg5[%get3A_421] {strides = array<i32>} : memref<512xi32, #tpu.memory_space<vmem>>, vector<16xi32>,
      %get3A_423 = vector.shape_cast %get3A_422 : vector<16xi32> to vector<16xi32>
      %lt3A_424 = arith.constant 1 : i32
      %lt3A_425 = vector.broadcast %lt3A_424 : i32 to vector<16xi32>
      %lt3A_426 = arith.cmpi slt, %get3A_423, %lt3A_425 : vector<16xi32>
      %sub3A_427 = arith.constant 1 : i32
      %sub3A_428 = vector.broadcast %sub3A_427 : i32 to vector<16xi32>
      %sub3A_429 = arith.subi %get3A_423, %sub3A_428 : vector<16xi32>
      %jit3A_430 = arith.constant 99999 : i32
      %broadcast_in_dim3A_431 = vector.broadcast %jit3A_430 : i32 to vector<16xi32>
      %select_n3A_432 = arith.select %lt3A_426, %broadcast_in_dim3A_431, %sub3A_429 : vector<16xi1>, vector<16xi32>
      %lt3A_433 = arith.constant 50000 : i32
      %lt3A_434 = vector.broadcast %lt3A_433 : i32 to vector<16xi32>
      %lt3A_435 = arith.cmpi slt, %select_n3A_432, %lt3A_434 : vector<16xi32>
      %add3A_436 = arith.addi %select_n3A_432, %select_n3A_432 : vector<16xi32>
      %add3A_437 = arith.addi %select_n3A_432, %select_n3A_432 : vector<16xi32>
      %sub3A_438 = arith.constant 99999 : i32
      %sub3A_439 = vector.broadcast %sub3A_438 : i32 to vector<16xi32>
      %sub3A_440 = arith.subi %add3A_437, %sub3A_439 : vector<16xi32>
      %select_n3A_441 = arith.select %lt3A_435, %add3A_436, %sub3A_440 : vector<16xi1>, vector<16xi32>
      %swap3A_442 = arith.constant 1 : i32
      %swap3A_443 = arith.index_cast %swap3A_442 : i32 to index
      %swap3A_444 = arith.constant 112 : index
      %swap3A_445 = tpu.vector_load %arg7[%swap3A_443, %swap3A_444] {strides = array<i32>} : memref<4x128xi32, #tpu.memory_space<vmem>>, vector<1x16xi32>,
      %swap3A_446 = vector.shape_cast %swap3A_445 : vector<1x16xi32> to vector<16xi32>
      %swap3A_447 = vector.shape_cast %select_n3A_441 : vector<16xi32> to vector<1x16xi32>
      tpu.vector_store %arg7[%swap3A_443, %swap3A_444], %swap3A_447 {strides = array<i32>} : memref<4x128xi32, #tpu.memory_space<vmem>>, vector<1x16xi32>,
      %get3A_448 = arith.constant 256 : index
      %get3A_449 = tpu.vector_load %arg5[%get3A_448] {strides = array<i32>} : memref<512xi32, #tpu.memory_space<vmem>>, vector<16xi32>,
      %get3A_450 = vector.shape_cast %get3A_449 : vector<16xi32> to vector<16xi32>
      %lt3A_451 = arith.constant 1 : i32
      %lt3A_452 = vector.broadcast %lt3A_451 : i32 to vector<16xi32>
      %lt3A_453 = arith.cmpi slt, %get3A_450, %lt3A_452 : vector<16xi32>
      %sub3A_454 = arith.constant 1 : i32
      %sub3A_455 = vector.broadcast %sub3A_454 : i32 to vector<16xi32>
      %sub3A_456 = arith.subi %get3A_450, %sub3A_455 : vector<16xi32>
      %jit3A_457 = arith.constant 99999 : i32
      %broadcast_in_dim3A_458 = vector.broadcast %jit3A_457 : i32 to vector<16xi32>
      %select_n3A_459 = arith.select %lt3A_453, %broadcast_in_dim3A_458, %sub3A_456 : vector<16xi1>, vector<16xi32>
      %lt3A_460 = arith.constant 50000 : i32
      %lt3A_461 = vector.broadcast %lt3A_460 : i32 to vector<16xi32>
      %lt3A_462 = arith.cmpi slt, %select_n3A_459, %lt3A_461 : vector<16xi32>
      %add3A_463 = arith.addi %select_n3A_459, %select_n3A_459 : vector<16xi32>
      %add3A_464 = arith.addi %select_n3A_459, %select_n3A_459 : vector<16xi32>
      %sub3A_465 = arith.constant 99999 : i32
      %sub3A_466 = vector.broadcast %sub3A_465 : i32 to vector<16xi32>
      %sub3A_467 = arith.subi %add3A_464, %sub3A_466 : vector<16xi32>
      %select_n3A_468 = arith.select %lt3A_462, %add3A_463, %sub3A_467 : vector<16xi1>, vector<16xi32>
      %swap3A_469 = arith.constant 2 : i32
      %swap3A_470 = arith.index_cast %swap3A_469 : i32 to index
      %swap3A_471 = arith.constant 0 : index
      %swap3A_472 = tpu.vector_load %arg7[%swap3A_470, %swap3A_471] {strides = array<i32>} : memref<4x128xi32, #tpu.memory_space<vmem>>, vector<1x16xi32>,
      %swap3A_473 = vector.shape_cast %swap3A_472 : vector<1x16xi32> to vector<16xi32>
      %swap3A_474 = vector.shape_cast %select_n3A_468 : vector<16xi32> to vector<1x16xi32>
      tpu.vector_store %arg7[%swap3A_470, %swap3A_471], %swap3A_474 {strides = array<i32>} : memref<4x128xi32, #tpu.memory_space<vmem>>, vector<1x16xi32>,
      %get3A_475 = arith.constant 272 : index
      %get3A_476 = tpu.vector_load %arg5[%get3A_475] {strides = array<i32>} : memref<512xi32, #tpu.memory_space<vmem>>, vector<16xi32>,
      %get3A_477 = vector.shape_cast %get3A_476 : vector<16xi32> to vector<16xi32>
      %lt3A_478 = arith.constant 1 : i32
      %lt3A_479 = vector.broadcast %lt3A_478 : i32 to vector<16xi32>
      %lt3A_480 = arith.cmpi slt, %get3A_477, %lt3A_479 : vector<16xi32>
      %sub3A_481 = arith.constant 1 : i32
      %sub3A_482 = vector.broadcast %sub3A_481 : i32 to vector<16xi32>
      %sub3A_483 = arith.subi %get3A_477, %sub3A_482 : vector<16xi32>
      %jit3A_484 = arith.constant 99999 : i32
      %broadcast_in_dim3A_485 = vector.broadcast %jit3A_484 : i32 to vector<16xi32>
      %select_n3A_486 = arith.select %lt3A_480, %broadcast_in_dim3A_485, %sub3A_483 : vector<16xi1>, vector<16xi32>
      %lt3A_487 = arith.constant 50000 : i32
      %lt3A_488 = vector.broadcast %lt3A_487 : i32 to vector<16xi32>
      %lt3A_489 = arith.cmpi slt, %select_n3A_486, %lt3A_488 : vector<16xi32>
      %add3A_490 = arith.addi %select_n3A_486, %select_n3A_486 : vector<16xi32>
      %add3A_491 = arith.addi %select_n3A_486, %select_n3A_486 : vector<16xi32>
      %sub3A_492 = arith.constant 99999 : i32
      %sub3A_493 = vector.broadcast %sub3A_492 : i32 to vector<16xi32>
      %sub3A_494 = arith.subi %add3A_491, %sub3A_493 : vector<16xi32>
      %select_n3A_495 = arith.select %lt3A_489, %add3A_490, %sub3A_494 : vector<16xi1>, vector<16xi32>
      %swap3A_496 = arith.constant 2 : i32
      %swap3A_497 = arith.index_cast %swap3A_496 : i32 to index
      %swap3A_498 = arith.constant 16 : index
      %swap3A_499 = tpu.vector_load %arg7[%swap3A_497, %swap3A_498] {strides = array<i32>} : memref<4x128xi32, #tpu.memory_space<vmem>>, vector<1x16xi32>,
      %swap3A_500 = vector.shape_cast %swap3A_499 : vector<1x16xi32> to vector<16xi32>
      %swap3A_501 = vector.shape_cast %select_n3A_495 : vector<16xi32> to vector<1x16xi32>
      tpu.vector_store %arg7[%swap3A_497, %swap3A_498], %swap3A_501 {strides = array<i32>} : memref<4x128xi32, #tpu.memory_space<vmem>>, vector<1x16xi32>,
      %get3A_502 = arith.constant 288 : index
      %get3A_503 = tpu.vector_load %arg5[%get3A_502] {strides = array<i32>} : memref<512xi32, #tpu.memory_space<vmem>>, vector<16xi32>,
      %get3A_504 = vector.shape_cast %get3A_503 : vector<16xi32> to vector<16xi32>
      %lt3A_505 = arith.constant 1 : i32
      %lt3A_506 = vector.broadcast %lt3A_505 : i32 to vector<16xi32>
      %lt3A_507 = arith.cmpi slt, %get3A_504, %lt3A_506 : vector<16xi32>
      %sub3A_508 = arith.constant 1 : i32
      %sub3A_509 = vector.broadcast %sub3A_508 : i32 to vector<16xi32>
      %sub3A_510 = arith.subi %get3A_504, %sub3A_509 : vector<16xi32>
      %jit3A_511 = arith.constant 99999 : i32
      %broadcast_in_dim3A_512 = vector.broadcast %jit3A_511 : i32 to vector<16xi32>
      %select_n3A_513 = arith.select %lt3A_507, %broadcast_in_dim3A_512, %sub3A_510 : vector<16xi1>, vector<16xi32>
      %lt3A_514 = arith.constant 50000 : i32
      %lt3A_515 = vector.broadcast %lt3A_514 : i32 to vector<16xi32>
      %lt3A_516 = arith.cmpi slt, %select_n3A_513, %lt3A_515 : vector<16xi32>
      %add3A_517 = arith.addi %select_n3A_513, %select_n3A_513 : vector<16xi32>
      %add3A_518 = arith.addi %select_n3A_513, %select_n3A_513 : vector<16xi32>
      %sub3A_519 = arith.constant 99999 : i32
      %sub3A_520 = vector.broadcast %sub3A_519 : i32 to vector<16xi32>
      %sub3A_521 = arith.subi %add3A_518, %sub3A_520 : vector<16xi32>
      %select_n3A_522 = arith.select %lt3A_516, %add3A_517, %sub3A_521 : vector<16xi1>, vector<16xi32>
      %swap3A_523 = arith.constant 2 : i32
      %swap3A_524 = arith.index_cast %swap3A_523 : i32 to index
      %swap3A_525 = arith.constant 32 : index
      %swap3A_526 = tpu.vector_load %arg7[%swap3A_524, %swap3A_525] {strides = array<i32>} : memref<4x128xi32, #tpu.memory_space<vmem>>, vector<1x16xi32>,
      %swap3A_527 = vector.shape_cast %swap3A_526 : vector<1x16xi32> to vector<16xi32>
      %swap3A_528 = vector.shape_cast %select_n3A_522 : vector<16xi32> to vector<1x16xi32>
      tpu.vector_store %arg7[%swap3A_524, %swap3A_525], %swap3A_528 {strides = array<i32>} : memref<4x128xi32, #tpu.memory_space<vmem>>, vector<1x16xi32>,
      %get3A_529 = arith.constant 304 : index
      %get3A_530 = tpu.vector_load %arg5[%get3A_529] {strides = array<i32>} : memref<512xi32, #tpu.memory_space<vmem>>, vector<16xi32>,
      %get3A_531 = vector.shape_cast %get3A_530 : vector<16xi32> to vector<16xi32>
      %lt3A_532 = arith.constant 1 : i32
      %lt3A_533 = vector.broadcast %lt3A_532 : i32 to vector<16xi32>
      %lt3A_534 = arith.cmpi slt, %get3A_531, %lt3A_533 : vector<16xi32>
      %sub3A_535 = arith.constant 1 : i32
      %sub3A_536 = vector.broadcast %sub3A_535 : i32 to vector<16xi32>
      %sub3A_537 = arith.subi %get3A_531, %sub3A_536 : vector<16xi32>
      %jit3A_538 = arith.constant 99999 : i32
      %broadcast_in_dim3A_539 = vector.broadcast %jit3A_538 : i32 to vector<16xi32>
      %select_n3A_540 = arith.select %lt3A_534, %broadcast_in_dim3A_539, %sub3A_537 : vector<16xi1>, vector<16xi32>
      %lt3A_541 = arith.constant 50000 : i32
      %lt3A_542 = vector.broadcast %lt3A_541 : i32 to vector<16xi32>
      %lt3A_543 = arith.cmpi slt, %select_n3A_540, %lt3A_542 : vector<16xi32>
      %add3A_544 = arith.addi %select_n3A_540, %select_n3A_540 : vector<16xi32>
      %add3A_545 = arith.addi %select_n3A_540, %select_n3A_540 : vector<16xi32>
      %sub3A_546 = arith.constant 99999 : i32
      %sub3A_547 = vector.broadcast %sub3A_546 : i32 to vector<16xi32>
      %sub3A_548 = arith.subi %add3A_545, %sub3A_547 : vector<16xi32>
      %select_n3A_549 = arith.select %lt3A_543, %add3A_544, %sub3A_548 : vector<16xi1>, vector<16xi32>
      %swap3A_550 = arith.constant 2 : i32
      %swap3A_551 = arith.index_cast %swap3A_550 : i32 to index
      %swap3A_552 = arith.constant 48 : index
      %swap3A_553 = tpu.vector_load %arg7[%swap3A_551, %swap3A_552] {strides = array<i32>} : memref<4x128xi32, #tpu.memory_space<vmem>>, vector<1x16xi32>,
      %swap3A_554 = vector.shape_cast %swap3A_553 : vector<1x16xi32> to vector<16xi32>
      %swap3A_555 = vector.shape_cast %select_n3A_549 : vector<16xi32> to vector<1x16xi32>
      tpu.vector_store %arg7[%swap3A_551, %swap3A_552], %swap3A_555 {strides = array<i32>} : memref<4x128xi32, #tpu.memory_space<vmem>>, vector<1x16xi32>,
      %get3A_556 = arith.constant 320 : index
      %get3A_557 = tpu.vector_load %arg5[%get3A_556] {strides = array<i32>} : memref<512xi32, #tpu.memory_space<vmem>>, vector<16xi32>,
      %get3A_558 = vector.shape_cast %get3A_557 : vector<16xi32> to vector<16xi32>
      %lt3A_559 = arith.constant 1 : i32
      %lt3A_560 = vector.broadcast %lt3A_559 : i32 to vector<16xi32>
      %lt3A_561 = arith.cmpi slt, %get3A_558, %lt3A_560 : vector<16xi32>
      %sub3A_562 = arith.constant 1 : i32
      %sub3A_563 = vector.broadcast %sub3A_562 : i32 to vector<16xi32>
      %sub3A_564 = arith.subi %get3A_558, %sub3A_563 : vector<16xi32>
      %jit3A_565 = arith.constant 99999 : i32
      %broadcast_in_dim3A_566 = vector.broadcast %jit3A_565 : i32 to vector<16xi32>
      %select_n3A_567 = arith.select %lt3A_561, %broadcast_in_dim3A_566, %sub3A_564 : vector<16xi1>, vector<16xi32>
      %lt3A_568 = arith.constant 50000 : i32
      %lt3A_569 = vector.broadcast %lt3A_568 : i32 to vector<16xi32>
      %lt3A_570 = arith.cmpi slt, %select_n3A_567, %lt3A_569 : vector<16xi32>
      %add3A_571 = arith.addi %select_n3A_567, %select_n3A_567 : vector<16xi32>
      %add3A_572 = arith.addi %select_n3A_567, %select_n3A_567 : vector<16xi32>
      %sub3A_573 = arith.constant 99999 : i32
      %sub3A_574 = vector.broadcast %sub3A_573 : i32 to vector<16xi32>
      %sub3A_575 = arith.subi %add3A_572, %sub3A_574 : vector<16xi32>
      %select_n3A_576 = arith.select %lt3A_570, %add3A_571, %sub3A_575 : vector<16xi1>, vector<16xi32>
      %swap3A_577 = arith.constant 2 : i32
      %swap3A_578 = arith.index_cast %swap3A_577 : i32 to index
      %swap3A_579 = arith.constant 64 : index
      %swap3A_580 = tpu.vector_load %arg7[%swap3A_578, %swap3A_579] {strides = array<i32>} : memref<4x128xi32, #tpu.memory_space<vmem>>, vector<1x16xi32>,
      %swap3A_581 = vector.shape_cast %swap3A_580 : vector<1x16xi32> to vector<16xi32>
      %swap3A_582 = vector.shape_cast %select_n3A_576 : vector<16xi32> to vector<1x16xi32>
      tpu.vector_store %arg7[%swap3A_578, %swap3A_579], %swap3A_582 {strides = array<i32>} : memref<4x128xi32, #tpu.memory_space<vmem>>, vector<1x16xi32>,
      %get3A_583 = arith.constant 336 : index
      %get3A_584 = tpu.vector_load %arg5[%get3A_583] {strides = array<i32>} : memref<512xi32, #tpu.memory_space<vmem>>, vector<16xi32>,
      %get3A_585 = vector.shape_cast %get3A_584 : vector<16xi32> to vector<16xi32>
      %lt3A_586 = arith.constant 1 : i32
      %lt3A_587 = vector.broadcast %lt3A_586 : i32 to vector<16xi32>
      %lt3A_588 = arith.cmpi slt, %get3A_585, %lt3A_587 : vector<16xi32>
      %sub3A_589 = arith.constant 1 : i32
      %sub3A_590 = vector.broadcast %sub3A_589 : i32 to vector<16xi32>
      %sub3A_591 = arith.subi %get3A_585, %sub3A_590 : vector<16xi32>
      %jit3A_592 = arith.constant 99999 : i32
      %broadcast_in_dim3A_593 = vector.broadcast %jit3A_592 : i32 to vector<16xi32>
      %select_n3A_594 = arith.select %lt3A_588, %broadcast_in_dim3A_593, %sub3A_591 : vector<16xi1>, vector<16xi32>
      %lt3A_595 = arith.constant 50000 : i32
      %lt3A_596 = vector.broadcast %lt3A_595 : i32 to vector<16xi32>
      %lt3A_597 = arith.cmpi slt, %select_n3A_594, %lt3A_596 : vector<16xi32>
      %add3A_598 = arith.addi %select_n3A_594, %select_n3A_594 : vector<16xi32>
      %add3A_599 = arith.addi %select_n3A_594, %select_n3A_594 : vector<16xi32>
      %sub3A_600 = arith.constant 99999 : i32
      %sub3A_601 = vector.broadcast %sub3A_600 : i32 to vector<16xi32>
      %sub3A_602 = arith.subi %add3A_599, %sub3A_601 : vector<16xi32>
      %select_n3A_603 = arith.select %lt3A_597, %add3A_598, %sub3A_602 : vector<16xi1>, vector<16xi32>
      %swap3A_604 = arith.constant 2 : i32
      %swap3A_605 = arith.index_cast %swap3A_604 : i32 to index
      %swap3A_606 = arith.constant 80 : index
      %swap3A_607 = tpu.vector_load %arg7[%swap3A_605, %swap3A_606] {strides = array<i32>} : memref<4x128xi32, #tpu.memory_space<vmem>>, vector<1x16xi32>,
      %swap3A_608 = vector.shape_cast %swap3A_607 : vector<1x16xi32> to vector<16xi32>
      %swap3A_609 = vector.shape_cast %select_n3A_603 : vector<16xi32> to vector<1x16xi32>
      tpu.vector_store %arg7[%swap3A_605, %swap3A_606], %swap3A_609 {strides = array<i32>} : memref<4x128xi32, #tpu.memory_space<vmem>>, vector<1x16xi32>,
      %get3A_610 = arith.constant 352 : index
      %get3A_611 = tpu.vector_load %arg5[%get3A_610] {strides = array<i32>} : memref<512xi32, #tpu.memory_space<vmem>>, vector<16xi32>,
      %get3A_612 = vector.shape_cast %get3A_611 : vector<16xi32> to vector<16xi32>
      %lt3A_613 = arith.constant 1 : i32
      %lt3A_614 = vector.broadcast %lt3A_613 : i32 to vector<16xi32>
      %lt3A_615 = arith.cmpi slt, %get3A_612, %lt3A_614 : vector<16xi32>
      %sub3A_616 = arith.constant 1 : i32
      %sub3A_617 = vector.broadcast %sub3A_616 : i32 to vector<16xi32>
      %sub3A_618 = arith.subi %get3A_612, %sub3A_617 : vector<16xi32>
      %jit3A_619 = arith.constant 99999 : i32
      %broadcast_in_dim3A_620 = vector.broadcast %jit3A_619 : i32 to vector<16xi32>
      %select_n3A_621 = arith.select %lt3A_615, %broadcast_in_dim3A_620, %sub3A_618 : vector<16xi1>, vector<16xi32>
      %lt3A_622 = arith.constant 50000 : i32
      %lt3A_623 = vector.broadcast %lt3A_622 : i32 to vector<16xi32>
      %lt3A_624 = arith.cmpi slt, %select_n3A_621, %lt3A_623 : vector<16xi32>
      %add3A_625 = arith.addi %select_n3A_621, %select_n3A_621 : vector<16xi32>
      %add3A_626 = arith.addi %select_n3A_621, %select_n3A_621 : vector<16xi32>
      %sub3A_627 = arith.constant 99999 : i32
      %sub3A_628 = vector.broadcast %sub3A_627 : i32 to vector<16xi32>
      %sub3A_629 = arith.subi %add3A_626, %sub3A_628 : vector<16xi32>
      %select_n3A_630 = arith.select %lt3A_624, %add3A_625, %sub3A_629 : vector<16xi1>, vector<16xi32>
      %swap3A_631 = arith.constant 2 : i32
      %swap3A_632 = arith.index_cast %swap3A_631 : i32 to index
      %swap3A_633 = arith.constant 96 : index
      %swap3A_634 = tpu.vector_load %arg7[%swap3A_632, %swap3A_633] {strides = array<i32>} : memref<4x128xi32, #tpu.memory_space<vmem>>, vector<1x16xi32>,
      %swap3A_635 = vector.shape_cast %swap3A_634 : vector<1x16xi32> to vector<16xi32>
      %swap3A_636 = vector.shape_cast %select_n3A_630 : vector<16xi32> to vector<1x16xi32>
      tpu.vector_store %arg7[%swap3A_632, %swap3A_633], %swap3A_636 {strides = array<i32>} : memref<4x128xi32, #tpu.memory_space<vmem>>, vector<1x16xi32>,
      %get3A_637 = arith.constant 368 : index
      %get3A_638 = tpu.vector_load %arg5[%get3A_637] {strides = array<i32>} : memref<512xi32, #tpu.memory_space<vmem>>, vector<16xi32>,
      %get3A_639 = vector.shape_cast %get3A_638 : vector<16xi32> to vector<16xi32>
      %lt3A_640 = arith.constant 1 : i32
      %lt3A_641 = vector.broadcast %lt3A_640 : i32 to vector<16xi32>
      %lt3A_642 = arith.cmpi slt, %get3A_639, %lt3A_641 : vector<16xi32>
      %sub3A_643 = arith.constant 1 : i32
      %sub3A_644 = vector.broadcast %sub3A_643 : i32 to vector<16xi32>
      %sub3A_645 = arith.subi %get3A_639, %sub3A_644 : vector<16xi32>
      %jit3A_646 = arith.constant 99999 : i32
      %broadcast_in_dim3A_647 = vector.broadcast %jit3A_646 : i32 to vector<16xi32>
      %select_n3A_648 = arith.select %lt3A_642, %broadcast_in_dim3A_647, %sub3A_645 : vector<16xi1>, vector<16xi32>
      %lt3A_649 = arith.constant 50000 : i32
      %lt3A_650 = vector.broadcast %lt3A_649 : i32 to vector<16xi32>
      %lt3A_651 = arith.cmpi slt, %select_n3A_648, %lt3A_650 : vector<16xi32>
      %add3A_652 = arith.addi %select_n3A_648, %select_n3A_648 : vector<16xi32>
      %add3A_653 = arith.addi %select_n3A_648, %select_n3A_648 : vector<16xi32>
      %sub3A_654 = arith.constant 99999 : i32
      %sub3A_655 = vector.broadcast %sub3A_654 : i32 to vector<16xi32>
      %sub3A_656 = arith.subi %add3A_653, %sub3A_655 : vector<16xi32>
      %select_n3A_657 = arith.select %lt3A_651, %add3A_652, %sub3A_656 : vector<16xi1>, vector<16xi32>
      %swap3A_658 = arith.constant 2 : i32
      %swap3A_659 = arith.index_cast %swap3A_658 : i32 to index
      %swap3A_660 = arith.constant 112 : index
      %swap3A_661 = tpu.vector_load %arg7[%swap3A_659, %swap3A_660] {strides = array<i32>} : memref<4x128xi32, #tpu.memory_space<vmem>>, vector<1x16xi32>,
      %swap3A_662 = vector.shape_cast %swap3A_661 : vector<1x16xi32> to vector<16xi32>
      %swap3A_663 = vector.shape_cast %select_n3A_657 : vector<16xi32> to vector<1x16xi32>
      tpu.vector_store %arg7[%swap3A_659, %swap3A_660], %swap3A_663 {strides = array<i32>} : memref<4x128xi32, #tpu.memory_space<vmem>>, vector<1x16xi32>,
      %get3A_664 = arith.constant 384 : index
      %get3A_665 = tpu.vector_load %arg5[%get3A_664] {strides = array<i32>} : memref<512xi32, #tpu.memory_space<vmem>>, vector<16xi32>,
      %get3A_666 = vector.shape_cast %get3A_665 : vector<16xi32> to vector<16xi32>
      %lt3A_667 = arith.constant 1 : i32
      %lt3A_668 = vector.broadcast %lt3A_667 : i32 to vector<16xi32>
      %lt3A_669 = arith.cmpi slt, %get3A_666, %lt3A_668 : vector<16xi32>
      %sub3A_670 = arith.constant 1 : i32
      %sub3A_671 = vector.broadcast %sub3A_670 : i32 to vector<16xi32>
      %sub3A_672 = arith.subi %get3A_666, %sub3A_671 : vector<16xi32>
      %jit3A_673 = arith.constant 99999 : i32
      %broadcast_in_dim3A_674 = vector.broadcast %jit3A_673 : i32 to vector<16xi32>
      %select_n3A_675 = arith.select %lt3A_669, %broadcast_in_dim3A_674, %sub3A_672 : vector<16xi1>, vector<16xi32>
      %lt3A_676 = arith.constant 50000 : i32
      %lt3A_677 = vector.broadcast %lt3A_676 : i32 to vector<16xi32>
      %lt3A_678 = arith.cmpi slt, %select_n3A_675, %lt3A_677 : vector<16xi32>
      %add3A_679 = arith.addi %select_n3A_675, %select_n3A_675 : vector<16xi32>
      %add3A_680 = arith.addi %select_n3A_675, %select_n3A_675 : vector<16xi32>
      %sub3A_681 = arith.constant 99999 : i32
      %sub3A_682 = vector.broadcast %sub3A_681 : i32 to vector<16xi32>
      %sub3A_683 = arith.subi %add3A_680, %sub3A_682 : vector<16xi32>
      %select_n3A_684 = arith.select %lt3A_678, %add3A_679, %sub3A_683 : vector<16xi1>, vector<16xi32>
      %swap3A_685 = arith.constant 3 : i32
      %swap3A_686 = arith.index_cast %swap3A_685 : i32 to index
      %swap3A_687 = arith.constant 0 : index
      %swap3A_688 = tpu.vector_load %arg7[%swap3A_686, %swap3A_687] {strides = array<i32>} : memref<4x128xi32, #tpu.memory_space<vmem>>, vector<1x16xi32>,
      %swap3A_689 = vector.shape_cast %swap3A_688 : vector<1x16xi32> to vector<16xi32>
      %swap3A_690 = vector.shape_cast %select_n3A_684 : vector<16xi32> to vector<1x16xi32>
      tpu.vector_store %arg7[%swap3A_686, %swap3A_687], %swap3A_690 {strides = array<i32>} : memref<4x128xi32, #tpu.memory_space<vmem>>, vector<1x16xi32>,
      %get3A_691 = arith.constant 400 : index
      %get3A_692 = tpu.vector_load %arg5[%get3A_691] {strides = array<i32>} : memref<512xi32, #tpu.memory_space<vmem>>, vector<16xi32>,
      %get3A_693 = vector.shape_cast %get3A_692 : vector<16xi32> to vector<16xi32>
      %lt3A_694 = arith.constant 1 : i32
      %lt3A_695 = vector.broadcast %lt3A_694 : i32 to vector<16xi32>
      %lt3A_696 = arith.cmpi slt, %get3A_693, %lt3A_695 : vector<16xi32>
      %sub3A_697 = arith.constant 1 : i32
      %sub3A_698 = vector.broadcast %sub3A_697 : i32 to vector<16xi32>
      %sub3A_699 = arith.subi %get3A_693, %sub3A_698 : vector<16xi32>
      %jit3A_700 = arith.constant 99999 : i32
      %broadcast_in_dim3A_701 = vector.broadcast %jit3A_700 : i32 to vector<16xi32>
      %select_n3A_702 = arith.select %lt3A_696, %broadcast_in_dim3A_701, %sub3A_699 : vector<16xi1>, vector<16xi32>
      %lt3A_703 = arith.constant 50000 : i32
      %lt3A_704 = vector.broadcast %lt3A_703 : i32 to vector<16xi32>
      %lt3A_705 = arith.cmpi slt, %select_n3A_702, %lt3A_704 : vector<16xi32>
      %add3A_706 = arith.addi %select_n3A_702, %select_n3A_702 : vector<16xi32>
      %add3A_707 = arith.addi %select_n3A_702, %select_n3A_702 : vector<16xi32>
      %sub3A_708 = arith.constant 99999 : i32
      %sub3A_709 = vector.broadcast %sub3A_708 : i32 to vector<16xi32>
      %sub3A_710 = arith.subi %add3A_707, %sub3A_709 : vector<16xi32>
      %select_n3A_711 = arith.select %lt3A_705, %add3A_706, %sub3A_710 : vector<16xi1>, vector<16xi32>
      %swap3A_712 = arith.constant 3 : i32
      %swap3A_713 = arith.index_cast %swap3A_712 : i32 to index
      %swap3A_714 = arith.constant 16 : index
      %swap3A_715 = tpu.vector_load %arg7[%swap3A_713, %swap3A_714] {strides = array<i32>} : memref<4x128xi32, #tpu.memory_space<vmem>>, vector<1x16xi32>,
      %swap3A_716 = vector.shape_cast %swap3A_715 : vector<1x16xi32> to vector<16xi32>
      %swap3A_717 = vector.shape_cast %select_n3A_711 : vector<16xi32> to vector<1x16xi32>
      tpu.vector_store %arg7[%swap3A_713, %swap3A_714], %swap3A_717 {strides = array<i32>} : memref<4x128xi32, #tpu.memory_space<vmem>>, vector<1x16xi32>,
      %get3A_718 = arith.constant 416 : index
      %get3A_719 = tpu.vector_load %arg5[%get3A_718] {strides = array<i32>} : memref<512xi32, #tpu.memory_space<vmem>>, vector<16xi32>,
      %get3A_720 = vector.shape_cast %get3A_719 : vector<16xi32> to vector<16xi32>
      %lt3A_721 = arith.constant 1 : i32
      %lt3A_722 = vector.broadcast %lt3A_721 : i32 to vector<16xi32>
      %lt3A_723 = arith.cmpi slt, %get3A_720, %lt3A_722 : vector<16xi32>
      %sub3A_724 = arith.constant 1 : i32
      %sub3A_725 = vector.broadcast %sub3A_724 : i32 to vector<16xi32>
      %sub3A_726 = arith.subi %get3A_720, %sub3A_725 : vector<16xi32>
      %jit3A_727 = arith.constant 99999 : i32
      %broadcast_in_dim3A_728 = vector.broadcast %jit3A_727 : i32 to vector<16xi32>
      %select_n3A_729 = arith.select %lt3A_723, %broadcast_in_dim3A_728, %sub3A_726 : vector<16xi1>, vector<16xi32>
      %lt3A_730 = arith.constant 50000 : i32
      %lt3A_731 = vector.broadcast %lt3A_730 : i32 to vector<16xi32>
      %lt3A_732 = arith.cmpi slt, %select_n3A_729, %lt3A_731 : vector<16xi32>
      %add3A_733 = arith.addi %select_n3A_729, %select_n3A_729 : vector<16xi32>
      %add3A_734 = arith.addi %select_n3A_729, %select_n3A_729 : vector<16xi32>
      %sub3A_735 = arith.constant 99999 : i32
      %sub3A_736 = vector.broadcast %sub3A_735 : i32 to vector<16xi32>
      %sub3A_737 = arith.subi %add3A_734, %sub3A_736 : vector<16xi32>
      %select_n3A_738 = arith.select %lt3A_732, %add3A_733, %sub3A_737 : vector<16xi1>, vector<16xi32>
      %swap3A_739 = arith.constant 3 : i32
      %swap3A_740 = arith.index_cast %swap3A_739 : i32 to index
      %swap3A_741 = arith.constant 32 : index
      %swap3A_742 = tpu.vector_load %arg7[%swap3A_740, %swap3A_741] {strides = array<i32>} : memref<4x128xi32, #tpu.memory_space<vmem>>, vector<1x16xi32>,
      %swap3A_743 = vector.shape_cast %swap3A_742 : vector<1x16xi32> to vector<16xi32>
      %swap3A_744 = vector.shape_cast %select_n3A_738 : vector<16xi32> to vector<1x16xi32>
      tpu.vector_store %arg7[%swap3A_740, %swap3A_741], %swap3A_744 {strides = array<i32>} : memref<4x128xi32, #tpu.memory_space<vmem>>, vector<1x16xi32>,
      %get3A_745 = arith.constant 432 : index
      %get3A_746 = tpu.vector_load %arg5[%get3A_745] {strides = array<i32>} : memref<512xi32, #tpu.memory_space<vmem>>, vector<16xi32>,
      %get3A_747 = vector.shape_cast %get3A_746 : vector<16xi32> to vector<16xi32>
      %lt3A_748 = arith.constant 1 : i32
      %lt3A_749 = vector.broadcast %lt3A_748 : i32 to vector<16xi32>
      %lt3A_750 = arith.cmpi slt, %get3A_747, %lt3A_749 : vector<16xi32>
      %sub3A_751 = arith.constant 1 : i32
      %sub3A_752 = vector.broadcast %sub3A_751 : i32 to vector<16xi32>
      %sub3A_753 = arith.subi %get3A_747, %sub3A_752 : vector<16xi32>
      %jit3A_754 = arith.constant 99999 : i32
      %broadcast_in_dim3A_755 = vector.broadcast %jit3A_754 : i32 to vector<16xi32>
      %select_n3A_756 = arith.select %lt3A_750, %broadcast_in_dim3A_755, %sub3A_753 : vector<16xi1>, vector<16xi32>
      %lt3A_757 = arith.constant 50000 : i32
      %lt3A_758 = vector.broadcast %lt3A_757 : i32 to vector<16xi32>
      %lt3A_759 = arith.cmpi slt, %select_n3A_756, %lt3A_758 : vector<16xi32>
      %add3A_760 = arith.addi %select_n3A_756, %select_n3A_756 : vector<16xi32>
      %add3A_761 = arith.addi %select_n3A_756, %select_n3A_756 : vector<16xi32>
      %sub3A_762 = arith.constant 99999 : i32
      %sub3A_763 = vector.broadcast %sub3A_762 : i32 to vector<16xi32>
      %sub3A_764 = arith.subi %add3A_761, %sub3A_763 : vector<16xi32>
      %select_n3A_765 = arith.select %lt3A_759, %add3A_760, %sub3A_764 : vector<16xi1>, vector<16xi32>
      %swap3A_766 = arith.constant 3 : i32
      %swap3A_767 = arith.index_cast %swap3A_766 : i32 to index
      %swap3A_768 = arith.constant 48 : index
      %swap3A_769 = tpu.vector_load %arg7[%swap3A_767, %swap3A_768] {strides = array<i32>} : memref<4x128xi32, #tpu.memory_space<vmem>>, vector<1x16xi32>,
      %swap3A_770 = vector.shape_cast %swap3A_769 : vector<1x16xi32> to vector<16xi32>
      %swap3A_771 = vector.shape_cast %select_n3A_765 : vector<16xi32> to vector<1x16xi32>
      tpu.vector_store %arg7[%swap3A_767, %swap3A_768], %swap3A_771 {strides = array<i32>} : memref<4x128xi32, #tpu.memory_space<vmem>>, vector<1x16xi32>,
      %get3A_772 = arith.constant 448 : index
      %get3A_773 = tpu.vector_load %arg5[%get3A_772] {strides = array<i32>} : memref<512xi32, #tpu.memory_space<vmem>>, vector<16xi32>,
      %get3A_774 = vector.shape_cast %get3A_773 : vector<16xi32> to vector<16xi32>
      %lt3A_775 = arith.constant 1 : i32
      %lt3A_776 = vector.broadcast %lt3A_775 : i32 to vector<16xi32>
      %lt3A_777 = arith.cmpi slt, %get3A_774, %lt3A_776 : vector<16xi32>
      %sub3A_778 = arith.constant 1 : i32
      %sub3A_779 = vector.broadcast %sub3A_778 : i32 to vector<16xi32>
      %sub3A_780 = arith.subi %get3A_774, %sub3A_779 : vector<16xi32>
      %jit3A_781 = arith.constant 99999 : i32
      %broadcast_in_dim3A_782 = vector.broadcast %jit3A_781 : i32 to vector<16xi32>
      %select_n3A_783 = arith.select %lt3A_777, %broadcast_in_dim3A_782, %sub3A_780 : vector<16xi1>, vector<16xi32>
      %lt3A_784 = arith.constant 50000 : i32
      %lt3A_785 = vector.broadcast %lt3A_784 : i32 to vector<16xi32>
      %lt3A_786 = arith.cmpi slt, %select_n3A_783, %lt3A_785 : vector<16xi32>
      %add3A_787 = arith.addi %select_n3A_783, %select_n3A_783 : vector<16xi32>
      %add3A_788 = arith.addi %select_n3A_783, %select_n3A_783 : vector<16xi32>
      %sub3A_789 = arith.constant 99999 : i32
      %sub3A_790 = vector.broadcast %sub3A_789 : i32 to vector<16xi32>
      %sub3A_791 = arith.subi %add3A_788, %sub3A_790 : vector<16xi32>
      %select_n3A_792 = arith.select %lt3A_786, %add3A_787, %sub3A_791 : vector<16xi1>, vector<16xi32>
      %swap3A_793 = arith.constant 3 : i32
      %swap3A_794 = arith.index_cast %swap3A_793 : i32 to index
      %swap3A_795 = arith.constant 64 : index
      %swap3A_796 = tpu.vector_load %arg7[%swap3A_794, %swap3A_795] {strides = array<i32>} : memref<4x128xi32, #tpu.memory_space<vmem>>, vector<1x16xi32>,
      %swap3A_797 = vector.shape_cast %swap3A_796 : vector<1x16xi32> to vector<16xi32>
      %swap3A_798 = vector.shape_cast %select_n3A_792 : vector<16xi32> to vector<1x16xi32>
      tpu.vector_store %arg7[%swap3A_794, %swap3A_795], %swap3A_798 {strides = array<i32>} : memref<4x128xi32, #tpu.memory_space<vmem>>, vector<1x16xi32>,
      %get3A_799 = arith.constant 464 : index
      %get3A_800 = tpu.vector_load %arg5[%get3A_799] {strides = array<i32>} : memref<512xi32, #tpu.memory_space<vmem>>, vector<16xi32>,
      %get3A_801 = vector.shape_cast %get3A_800 : vector<16xi32> to vector<16xi32>
      %lt3A_802 = arith.constant 1 : i32
      %lt3A_803 = vector.broadcast %lt3A_802 : i32 to vector<16xi32>
      %lt3A_804 = arith.cmpi slt, %get3A_801, %lt3A_803 : vector<16xi32>
      %sub3A_805 = arith.constant 1 : i32
      %sub3A_806 = vector.broadcast %sub3A_805 : i32 to vector<16xi32>
      %sub3A_807 = arith.subi %get3A_801, %sub3A_806 : vector<16xi32>
      %jit3A_808 = arith.constant 99999 : i32
      %broadcast_in_dim3A_809 = vector.broadcast %jit3A_808 : i32 to vector<16xi32>
      %select_n3A_810 = arith.select %lt3A_804, %broadcast_in_dim3A_809, %sub3A_807 : vector<16xi1>, vector<16xi32>
      %lt3A_811 = arith.constant 50000 : i32
      %lt3A_812 = vector.broadcast %lt3A_811 : i32 to vector<16xi32>
      %lt3A_813 = arith.cmpi slt, %select_n3A_810, %lt3A_812 : vector<16xi32>
      %add3A_814 = arith.addi %select_n3A_810, %select_n3A_810 : vector<16xi32>
      %add3A_815 = arith.addi %select_n3A_810, %select_n3A_810 : vector<16xi32>
      %sub3A_816 = arith.constant 99999 : i32
      %sub3A_817 = vector.broadcast %sub3A_816 : i32 to vector<16xi32>
      %sub3A_818 = arith.subi %add3A_815, %sub3A_817 : vector<16xi32>
      %select_n3A_819 = arith.select %lt3A_813, %add3A_814, %sub3A_818 : vector<16xi1>, vector<16xi32>
      %swap3A_820 = arith.constant 3 : i32
      %swap3A_821 = arith.index_cast %swap3A_820 : i32 to index
      %swap3A_822 = arith.constant 80 : index
      %swap3A_823 = tpu.vector_load %arg7[%swap3A_821, %swap3A_822] {strides = array<i32>} : memref<4x128xi32, #tpu.memory_space<vmem>>, vector<1x16xi32>,
      %swap3A_824 = vector.shape_cast %swap3A_823 : vector<1x16xi32> to vector<16xi32>
      %swap3A_825 = vector.shape_cast %select_n3A_819 : vector<16xi32> to vector<1x16xi32>
      tpu.vector_store %arg7[%swap3A_821, %swap3A_822], %swap3A_825 {strides = array<i32>} : memref<4x128xi32, #tpu.memory_space<vmem>>, vector<1x16xi32>,
      %get3A_826 = arith.constant 480 : index
      %get3A_827 = tpu.vector_load %arg5[%get3A_826] {strides = array<i32>} : memref<512xi32, #tpu.memory_space<vmem>>, vector<16xi32>,
      %get3A_828 = vector.shape_cast %get3A_827 : vector<16xi32> to vector<16xi32>
      %lt3A_829 = arith.constant 1 : i32
      %lt3A_830 = vector.broadcast %lt3A_829 : i32 to vector<16xi32>
      %lt3A_831 = arith.cmpi slt, %get3A_828, %lt3A_830 : vector<16xi32>
      %sub3A_832 = arith.constant 1 : i32
      %sub3A_833 = vector.broadcast %sub3A_832 : i32 to vector<16xi32>
      %sub3A_834 = arith.subi %get3A_828, %sub3A_833 : vector<16xi32>
      %jit3A_835 = arith.constant 99999 : i32
      %broadcast_in_dim3A_836 = vector.broadcast %jit3A_835 : i32 to vector<16xi32>
      %select_n3A_837 = arith.select %lt3A_831, %broadcast_in_dim3A_836, %sub3A_834 : vector<16xi1>, vector<16xi32>
      %lt3A_838 = arith.constant 50000 : i32
      %lt3A_839 = vector.broadcast %lt3A_838 : i32 to vector<16xi32>
      %lt3A_840 = arith.cmpi slt, %select_n3A_837, %lt3A_839 : vector<16xi32>
      %add3A_841 = arith.addi %select_n3A_837, %select_n3A_837 : vector<16xi32>
      %add3A_842 = arith.addi %select_n3A_837, %select_n3A_837 : vector<16xi32>
      %sub3A_843 = arith.constant 99999 : i32
      %sub3A_844 = vector.broadcast %sub3A_843 : i32 to vector<16xi32>
      %sub3A_845 = arith.subi %add3A_842, %sub3A_844 : vector<16xi32>
      %select_n3A_846 = arith.select %lt3A_840, %add3A_841, %sub3A_845 : vector<16xi1>, vector<16xi32>
      %swap3A_847 = arith.constant 3 : i32
      %swap3A_848 = arith.index_cast %swap3A_847 : i32 to index
      %swap3A_849 = arith.constant 96 : index
      %swap3A_850 = tpu.vector_load %arg7[%swap3A_848, %swap3A_849] {strides = array<i32>} : memref<4x128xi32, #tpu.memory_space<vmem>>, vector<1x16xi32>,
      %swap3A_851 = vector.shape_cast %swap3A_850 : vector<1x16xi32> to vector<16xi32>
      %swap3A_852 = vector.shape_cast %select_n3A_846 : vector<16xi32> to vector<1x16xi32>
      tpu.vector_store %arg7[%swap3A_848, %swap3A_849], %swap3A_852 {strides = array<i32>} : memref<4x128xi32, #tpu.memory_space<vmem>>, vector<1x16xi32>,
      %get3A_853 = arith.constant 496 : index
      %get3A_854 = tpu.vector_load %arg5[%get3A_853] {strides = array<i32>} : memref<512xi32, #tpu.memory_space<vmem>>, vector<16xi32>,
      %get3A_855 = vector.shape_cast %get3A_854 : vector<16xi32> to vector<16xi32>
      %lt3A_856 = arith.constant 1 : i32
      %lt3A_857 = vector.broadcast %lt3A_856 : i32 to vector<16xi32>
      %lt3A_858 = arith.cmpi slt, %get3A_855, %lt3A_857 : vector<16xi32>
      %sub3A_859 = arith.constant 1 : i32
      %sub3A_860 = vector.broadcast %sub3A_859 : i32 to vector<16xi32>
      %sub3A_861 = arith.subi %get3A_855, %sub3A_860 : vector<16xi32>
      %jit3A_862 = arith.constant 99999 : i32
      %broadcast_in_dim3A_863 = vector.broadcast %jit3A_862 : i32 to vector<16xi32>
      %select_n3A_864 = arith.select %lt3A_858, %broadcast_in_dim3A_863, %sub3A_861 : vector<16xi1>, vector<16xi32>
      %lt3A_865 = arith.constant 50000 : i32
      %lt3A_866 = vector.broadcast %lt3A_865 : i32 to vector<16xi32>
      %lt3A_867 = arith.cmpi slt, %select_n3A_864, %lt3A_866 : vector<16xi32>
      %add3A_868 = arith.addi %select_n3A_864, %select_n3A_864 : vector<16xi32>
      %add3A_869 = arith.addi %select_n3A_864, %select_n3A_864 : vector<16xi32>
      %sub3A_870 = arith.constant 99999 : i32
      %sub3A_871 = vector.broadcast %sub3A_870 : i32 to vector<16xi32>
      %sub3A_872 = arith.subi %add3A_869, %sub3A_871 : vector<16xi32>
      %select_n3A_873 = arith.select %lt3A_867, %add3A_868, %sub3A_872 : vector<16xi1>, vector<16xi32>
      %swap3A_874 = arith.constant 3 : i32
      %swap3A_875 = arith.index_cast %swap3A_874 : i32 to index
      %swap3A_876 = arith.constant 112 : index
      %swap3A_877 = tpu.vector_load %arg7[%swap3A_875, %swap3A_876] {strides = array<i32>} : memref<4x128xi32, #tpu.memory_space<vmem>>, vector<1x16xi32>,
      %swap3A_878 = vector.shape_cast %swap3A_877 : vector<1x16xi32> to vector<16xi32>
      %swap3A_879 = vector.shape_cast %select_n3A_873 : vector<16xi32> to vector<1x16xi32>
      tpu.vector_store %arg7[%swap3A_875, %swap3A_876], %swap3A_879 {strides = array<i32>} : memref<4x128xi32, #tpu.memory_space<vmem>>, vector<1x16xi32>,
      %get3A_880 = arith.constant 0 : index
      %get3A_881 = tpu.vector_load %arg6[%get3A_880] {strides = array<i32>} : memref<512xi32, #tpu.memory_space<vmem>>, vector<16xi32>,
      %get3A_882 = vector.shape_cast %get3A_881 : vector<16xi32> to vector<16xi32>
      %lt3A_883 = arith.constant 1 : i32
      %lt3A_884 = vector.broadcast %lt3A_883 : i32 to vector<16xi32>
      %lt3A_885 = arith.cmpi slt, %get3A_882, %lt3A_884 : vector<16xi32>
      %sub3A_886 = arith.constant 1 : i32
      %sub3A_887 = vector.broadcast %sub3A_886 : i32 to vector<16xi32>
      %sub3A_888 = arith.subi %get3A_882, %sub3A_887 : vector<16xi32>
      %jit3A_889 = arith.constant 99999 : i32
      %broadcast_in_dim3A_890 = vector.broadcast %jit3A_889 : i32 to vector<16xi32>
      %select_n3A_891 = arith.select %lt3A_885, %broadcast_in_dim3A_890, %sub3A_888 : vector<16xi1>, vector<16xi32>
      %lt3A_892 = arith.constant 50000 : i32
      %lt3A_893 = vector.broadcast %lt3A_892 : i32 to vector<16xi32>
      %lt3A_894 = arith.cmpi slt, %select_n3A_891, %lt3A_893 : vector<16xi32>
      %add3A_895 = arith.addi %select_n3A_891, %select_n3A_891 : vector<16xi32>
      %add3A_896 = arith.addi %select_n3A_891, %select_n3A_891 : vector<16xi32>
      %sub3A_897 = arith.constant 99999 : i32
      %sub3A_898 = vector.broadcast %sub3A_897 : i32 to vector<16xi32>
      %sub3A_899 = arith.subi %add3A_896, %sub3A_898 : vector<16xi32>
      %select_n3A_900 = arith.select %lt3A_894, %add3A_895, %sub3A_899 : vector<16xi1>, vector<16xi32>
      %swap3A_901 = arith.constant 0 : i32
      %swap3A_902 = arith.index_cast %swap3A_901 : i32 to index
      %swap3A_903 = arith.constant 0 : index
      %swap3A_904 = tpu.vector_load %arg8[%swap3A_902, %swap3A_903] {strides = array<i32>} : memref<4x128xi32, #tpu.memory_space<vmem>>, vector<1x16xi32>,
      %swap3A_905 = vector.shape_cast %swap3A_904 : vector<1x16xi32> to vector<16xi32>
      %swap3A_906 = vector.shape_cast %select_n3A_900 : vector<16xi32> to vector<1x16xi32>
      tpu.vector_store %arg8[%swap3A_902, %swap3A_903], %swap3A_906 {strides = array<i32>} : memref<4x128xi32, #tpu.memory_space<vmem>>, vector<1x16xi32>,
      %get3A_907 = arith.constant 16 : index
      %get3A_908 = tpu.vector_load %arg6[%get3A_907] {strides = array<i32>} : memref<512xi32, #tpu.memory_space<vmem>>, vector<16xi32>,
      %get3A_909 = vector.shape_cast %get3A_908 : vector<16xi32> to vector<16xi32>
      %lt3A_910 = arith.constant 1 : i32
      %lt3A_911 = vector.broadcast %lt3A_910 : i32 to vector<16xi32>
      %lt3A_912 = arith.cmpi slt, %get3A_909, %lt3A_911 : vector<16xi32>
      %sub3A_913 = arith.constant 1 : i32
      %sub3A_914 = vector.broadcast %sub3A_913 : i32 to vector<16xi32>
      %sub3A_915 = arith.subi %get3A_909, %sub3A_914 : vector<16xi32>
      %jit3A_916 = arith.constant 99999 : i32
      %broadcast_in_dim3A_917 = vector.broadcast %jit3A_916 : i32 to vector<16xi32>
      %select_n3A_918 = arith.select %lt3A_912, %broadcast_in_dim3A_917, %sub3A_915 : vector<16xi1>, vector<16xi32>
      %lt3A_919 = arith.constant 50000 : i32
      %lt3A_920 = vector.broadcast %lt3A_919 : i32 to vector<16xi32>
      %lt3A_921 = arith.cmpi slt, %select_n3A_918, %lt3A_920 : vector<16xi32>
      %add3A_922 = arith.addi %select_n3A_918, %select_n3A_918 : vector<16xi32>
      %add3A_923 = arith.addi %select_n3A_918, %select_n3A_918 : vector<16xi32>
      %sub3A_924 = arith.constant 99999 : i32
      %sub3A_925 = vector.broadcast %sub3A_924 : i32 to vector<16xi32>
      %sub3A_926 = arith.subi %add3A_923, %sub3A_925 : vector<16xi32>
      %select_n3A_927 = arith.select %lt3A_921, %add3A_922, %sub3A_926 : vector<16xi1>, vector<16xi32>
      %swap3A_928 = arith.constant 0 : i32
      %swap3A_929 = arith.index_cast %swap3A_928 : i32 to index
      %swap3A_930 = arith.constant 16 : index
      %swap3A_931 = tpu.vector_load %arg8[%swap3A_929, %swap3A_930] {strides = array<i32>} : memref<4x128xi32, #tpu.memory_space<vmem>>, vector<1x16xi32>,
      %swap3A_932 = vector.shape_cast %swap3A_931 : vector<1x16xi32> to vector<16xi32>
      %swap3A_933 = vector.shape_cast %select_n3A_927 : vector<16xi32> to vector<1x16xi32>
      tpu.vector_store %arg8[%swap3A_929, %swap3A_930], %swap3A_933 {strides = array<i32>} : memref<4x128xi32, #tpu.memory_space<vmem>>, vector<1x16xi32>,
      %get3A_934 = arith.constant 32 : index
      %get3A_935 = tpu.vector_load %arg6[%get3A_934] {strides = array<i32>} : memref<512xi32, #tpu.memory_space<vmem>>, vector<16xi32>,
      %get3A_936 = vector.shape_cast %get3A_935 : vector<16xi32> to vector<16xi32>
      %lt3A_937 = arith.constant 1 : i32
      %lt3A_938 = vector.broadcast %lt3A_937 : i32 to vector<16xi32>
      %lt3A_939 = arith.cmpi slt, %get3A_936, %lt3A_938 : vector<16xi32>
      %sub3A_940 = arith.constant 1 : i32
      %sub3A_941 = vector.broadcast %sub3A_940 : i32 to vector<16xi32>
      %sub3A_942 = arith.subi %get3A_936, %sub3A_941 : vector<16xi32>
      %jit3A_943 = arith.constant 99999 : i32
      %broadcast_in_dim3A_944 = vector.broadcast %jit3A_943 : i32 to vector<16xi32>
      %select_n3A_945 = arith.select %lt3A_939, %broadcast_in_dim3A_944, %sub3A_942 : vector<16xi1>, vector<16xi32>
      %lt3A_946 = arith.constant 50000 : i32
      %lt3A_947 = vector.broadcast %lt3A_946 : i32 to vector<16xi32>
      %lt3A_948 = arith.cmpi slt, %select_n3A_945, %lt3A_947 : vector<16xi32>
      %add3A_949 = arith.addi %select_n3A_945, %select_n3A_945 : vector<16xi32>
      %add3A_950 = arith.addi %select_n3A_945, %select_n3A_945 : vector<16xi32>
      %sub3A_951 = arith.constant 99999 : i32
      %sub3A_952 = vector.broadcast %sub3A_951 : i32 to vector<16xi32>
      %sub3A_953 = arith.subi %add3A_950, %sub3A_952 : vector<16xi32>
      %select_n3A_954 = arith.select %lt3A_948, %add3A_949, %sub3A_953 : vector<16xi1>, vector<16xi32>
      %swap3A_955 = arith.constant 0 : i32
      %swap3A_956 = arith.index_cast %swap3A_955 : i32 to index
      %swap3A_957 = arith.constant 32 : index
      %swap3A_958 = tpu.vector_load %arg8[%swap3A_956, %swap3A_957] {strides = array<i32>} : memref<4x128xi32, #tpu.memory_space<vmem>>, vector<1x16xi32>,
      %swap3A_959 = vector.shape_cast %swap3A_958 : vector<1x16xi32> to vector<16xi32>
      %swap3A_960 = vector.shape_cast %select_n3A_954 : vector<16xi32> to vector<1x16xi32>
      tpu.vector_store %arg8[%swap3A_956, %swap3A_957], %swap3A_960 {strides = array<i32>} : memref<4x128xi32, #tpu.memory_space<vmem>>, vector<1x16xi32>,
      %get3A_961 = arith.constant 48 : index
      %get3A_962 = tpu.vector_load %arg6[%get3A_961] {strides = array<i32>} : memref<512xi32, #tpu.memory_space<vmem>>, vector<16xi32>,
      %get3A_963 = vector.shape_cast %get3A_962 : vector<16xi32> to vector<16xi32>
      %lt3A_964 = arith.constant 1 : i32
      %lt3A_965 = vector.broadcast %lt3A_964 : i32 to vector<16xi32>
      %lt3A_966 = arith.cmpi slt, %get3A_963, %lt3A_965 : vector<16xi32>
      %sub3A_967 = arith.constant 1 : i32
      %sub3A_968 = vector.broadcast %sub3A_967 : i32 to vector<16xi32>
      %sub3A_969 = arith.subi %get3A_963, %sub3A_968 : vector<16xi32>
      %jit3A_970 = arith.constant 99999 : i32
      %broadcast_in_dim3A_971 = vector.broadcast %jit3A_970 : i32 to vector<16xi32>
      %select_n3A_972 = arith.select %lt3A_966, %broadcast_in_dim3A_971, %sub3A_969 : vector<16xi1>, vector<16xi32>
      %lt3A_973 = arith.constant 50000 : i32
      %lt3A_974 = vector.broadcast %lt3A_973 : i32 to vector<16xi32>
      %lt3A_975 = arith.cmpi slt, %select_n3A_972, %lt3A_974 : vector<16xi32>
      %add3A_976 = arith.addi %select_n3A_972, %select_n3A_972 : vector<16xi32>
      %add3A_977 = arith.addi %select_n3A_972, %select_n3A_972 : vector<16xi32>
      %sub3A_978 = arith.constant 99999 : i32
      %sub3A_979 = vector.broadcast %sub3A_978 : i32 to vector<16xi32>
      %sub3A_980 = arith.subi %add3A_977, %sub3A_979 : vector<16xi32>
      %select_n3A_981 = arith.select %lt3A_975, %add3A_976, %sub3A_980 : vector<16xi1>, vector<16xi32>
      %swap3A_982 = arith.constant 0 : i32
      %swap3A_983 = arith.index_cast %swap3A_982 : i32 to index
      %swap3A_984 = arith.constant 48 : index
      %swap3A_985 = tpu.vector_load %arg8[%swap3A_983, %swap3A_984] {strides = array<i32>} : memref<4x128xi32, #tpu.memory_space<vmem>>, vector<1x16xi32>,
      %swap3A_986 = vector.shape_cast %swap3A_985 : vector<1x16xi32> to vector<16xi32>
      %swap3A_987 = vector.shape_cast %select_n3A_981 : vector<16xi32> to vector<1x16xi32>
      tpu.vector_store %arg8[%swap3A_983, %swap3A_984], %swap3A_987 {strides = array<i32>} : memref<4x128xi32, #tpu.memory_space<vmem>>, vector<1x16xi32>,
      %get3A_988 = arith.constant 64 : index
      %get3A_989 = tpu.vector_load %arg6[%get3A_988] {strides = array<i32>} : memref<512xi32, #tpu.memory_space<vmem>>, vector<16xi32>,
      %get3A_990 = vector.shape_cast %get3A_989 : vector<16xi32> to vector<16xi32>
      %lt3A_991 = arith.constant 1 : i32
      %lt3A_992 = vector.broadcast %lt3A_991 : i32 to vector<16xi32>
      %lt3A_993 = arith.cmpi slt, %get3A_990, %lt3A_992 : vector<16xi32>
      %sub3A_994 = arith.constant 1 : i32
      %sub3A_995 = vector.broadcast %sub3A_994 : i32 to vector<16xi32>
      %sub3A_996 = arith.subi %get3A_990, %sub3A_995 : vector<16xi32>
      %jit3A_997 = arith.constant 99999 : i32
      %broadcast_in_dim3A_998 = vector.broadcast %jit3A_997 : i32 to vector<16xi32>
      %select_n3A_999 = arith.select %lt3A_993, %broadcast_in_dim3A_998, %sub3A_996 : vector<16xi1>, vector<16xi32>
      %lt3A_1000 = arith.constant 50000 : i32
      %lt3A_1001 = vector.broadcast %lt3A_1000 : i32 to vector<16xi32>
      %lt3A_1002 = arith.cmpi slt, %select_n3A_999, %lt3A_1001 : vector<16xi32>
      %add3A_1003 = arith.addi %select_n3A_999, %select_n3A_999 : vector<16xi32>
      %add3A_1004 = arith.addi %select_n3A_999, %select_n3A_999 : vector<16xi32>
      %sub3A_1005 = arith.constant 99999 : i32
      %sub3A_1006 = vector.broadcast %sub3A_1005 : i32 to vector<16xi32>
      %sub3A_1007 = arith.subi %add3A_1004, %sub3A_1006 : vector<16xi32>
      %select_n3A_1008 = arith.select %lt3A_1002, %add3A_1003, %sub3A_1007 : vector<16xi1>, vector<16xi32>
      %swap3A_1009 = arith.constant 0 : i32
      %swap3A_1010 = arith.index_cast %swap3A_1009 : i32 to index
      %swap3A_1011 = arith.constant 64 : index
      %swap3A_1012 = tpu.vector_load %arg8[%swap3A_1010, %swap3A_1011] {strides = array<i32>} : memref<4x128xi32, #tpu.memory_space<vmem>>, vector<1x16xi32>,
      %swap3A_1013 = vector.shape_cast %swap3A_1012 : vector<1x16xi32> to vector<16xi32>
      %swap3A_1014 = vector.shape_cast %select_n3A_1008 : vector<16xi32> to vector<1x16xi32>
      tpu.vector_store %arg8[%swap3A_1010, %swap3A_1011], %swap3A_1014 {strides = array<i32>} : memref<4x128xi32, #tpu.memory_space<vmem>>, vector<1x16xi32>,
      %get3A_1015 = arith.constant 80 : index
      %get3A_1016 = tpu.vector_load %arg6[%get3A_1015] {strides = array<i32>} : memref<512xi32, #tpu.memory_space<vmem>>, vector<16xi32>,
      %get3A_1017 = vector.shape_cast %get3A_1016 : vector<16xi32> to vector<16xi32>
      %lt3A_1018 = arith.constant 1 : i32
      %lt3A_1019 = vector.broadcast %lt3A_1018 : i32 to vector<16xi32>
      %lt3A_1020 = arith.cmpi slt, %get3A_1017, %lt3A_1019 : vector<16xi32>
      %sub3A_1021 = arith.constant 1 : i32
      %sub3A_1022 = vector.broadcast %sub3A_1021 : i32 to vector<16xi32>
      %sub3A_1023 = arith.subi %get3A_1017, %sub3A_1022 : vector<16xi32>
      %jit3A_1024 = arith.constant 99999 : i32
      %broadcast_in_dim3A_1025 = vector.broadcast %jit3A_1024 : i32 to vector<16xi32>
      %select_n3A_1026 = arith.select %lt3A_1020, %broadcast_in_dim3A_1025, %sub3A_1023 : vector<16xi1>, vector<16xi32>
      %lt3A_1027 = arith.constant 50000 : i32
      %lt3A_1028 = vector.broadcast %lt3A_1027 : i32 to vector<16xi32>
      %lt3A_1029 = arith.cmpi slt, %select_n3A_1026, %lt3A_1028 : vector<16xi32>
      %add3A_1030 = arith.addi %select_n3A_1026, %select_n3A_1026 : vector<16xi32>
      %add3A_1031 = arith.addi %select_n3A_1026, %select_n3A_1026 : vector<16xi32>
      %sub3A_1032 = arith.constant 99999 : i32
      %sub3A_1033 = vector.broadcast %sub3A_1032 : i32 to vector<16xi32>
      %sub3A_1034 = arith.subi %add3A_1031, %sub3A_1033 : vector<16xi32>
      %select_n3A_1035 = arith.select %lt3A_1029, %add3A_1030, %sub3A_1034 : vector<16xi1>, vector<16xi32>
      %swap3A_1036 = arith.constant 0 : i32
      %swap3A_1037 = arith.index_cast %swap3A_1036 : i32 to index
      %swap3A_1038 = arith.constant 80 : index
      %swap3A_1039 = tpu.vector_load %arg8[%swap3A_1037, %swap3A_1038] {strides = array<i32>} : memref<4x128xi32, #tpu.memory_space<vmem>>, vector<1x16xi32>,
      %swap3A_1040 = vector.shape_cast %swap3A_1039 : vector<1x16xi32> to vector<16xi32>
      %swap3A_1041 = vector.shape_cast %select_n3A_1035 : vector<16xi32> to vector<1x16xi32>
      tpu.vector_store %arg8[%swap3A_1037, %swap3A_1038], %swap3A_1041 {strides = array<i32>} : memref<4x128xi32, #tpu.memory_space<vmem>>, vector<1x16xi32>,
      %get3A_1042 = arith.constant 96 : index
      %get3A_1043 = tpu.vector_load %arg6[%get3A_1042] {strides = array<i32>} : memref<512xi32, #tpu.memory_space<vmem>>, vector<16xi32>,
      %get3A_1044 = vector.shape_cast %get3A_1043 : vector<16xi32> to vector<16xi32>
      %lt3A_1045 = arith.constant 1 : i32
      %lt3A_1046 = vector.broadcast %lt3A_1045 : i32 to vector<16xi32>
      %lt3A_1047 = arith.cmpi slt, %get3A_1044, %lt3A_1046 : vector<16xi32>
      %sub3A_1048 = arith.constant 1 : i32
      %sub3A_1049 = vector.broadcast %sub3A_1048 : i32 to vector<16xi32>
      %sub3A_1050 = arith.subi %get3A_1044, %sub3A_1049 : vector<16xi32>
      %jit3A_1051 = arith.constant 99999 : i32
      %broadcast_in_dim3A_1052 = vector.broadcast %jit3A_1051 : i32 to vector<16xi32>
      %select_n3A_1053 = arith.select %lt3A_1047, %broadcast_in_dim3A_1052, %sub3A_1050 : vector<16xi1>, vector<16xi32>
      %lt3A_1054 = arith.constant 50000 : i32
      %lt3A_1055 = vector.broadcast %lt3A_1054 : i32 to vector<16xi32>
      %lt3A_1056 = arith.cmpi slt, %select_n3A_1053, %lt3A_1055 : vector<16xi32>
      %add3A_1057 = arith.addi %select_n3A_1053, %select_n3A_1053 : vector<16xi32>
      %add3A_1058 = arith.addi %select_n3A_1053, %select_n3A_1053 : vector<16xi32>
      %sub3A_1059 = arith.constant 99999 : i32
      %sub3A_1060 = vector.broadcast %sub3A_1059 : i32 to vector<16xi32>
      %sub3A_1061 = arith.subi %add3A_1058, %sub3A_1060 : vector<16xi32>
      %select_n3A_1062 = arith.select %lt3A_1056, %add3A_1057, %sub3A_1061 : vector<16xi1>, vector<16xi32>
      %swap3A_1063 = arith.constant 0 : i32
      %swap3A_1064 = arith.index_cast %swap3A_1063 : i32 to index
      %swap3A_1065 = arith.constant 96 : index
      %swap3A_1066 = tpu.vector_load %arg8[%swap3A_1064, %swap3A_1065] {strides = array<i32>} : memref<4x128xi32, #tpu.memory_space<vmem>>, vector<1x16xi32>,
      %swap3A_1067 = vector.shape_cast %swap3A_1066 : vector<1x16xi32> to vector<16xi32>
      %swap3A_1068 = vector.shape_cast %select_n3A_1062 : vector<16xi32> to vector<1x16xi32>
      tpu.vector_store %arg8[%swap3A_1064, %swap3A_1065], %swap3A_1068 {strides = array<i32>} : memref<4x128xi32, #tpu.memory_space<vmem>>, vector<1x16xi32>,
      %get3A_1069 = arith.constant 112 : index
      %get3A_1070 = tpu.vector_load %arg6[%get3A_1069] {strides = array<i32>} : memref<512xi32, #tpu.memory_space<vmem>>, vector<16xi32>,
      %get3A_1071 = vector.shape_cast %get3A_1070 : vector<16xi32> to vector<16xi32>
      %lt3A_1072 = arith.constant 1 : i32
      %lt3A_1073 = vector.broadcast %lt3A_1072 : i32 to vector<16xi32>
      %lt3A_1074 = arith.cmpi slt, %get3A_1071, %lt3A_1073 : vector<16xi32>
      %sub3A_1075 = arith.constant 1 : i32
      %sub3A_1076 = vector.broadcast %sub3A_1075 : i32 to vector<16xi32>
      %sub3A_1077 = arith.subi %get3A_1071, %sub3A_1076 : vector<16xi32>
      %jit3A_1078 = arith.constant 99999 : i32
      %broadcast_in_dim3A_1079 = vector.broadcast %jit3A_1078 : i32 to vector<16xi32>
      %select_n3A_1080 = arith.select %lt3A_1074, %broadcast_in_dim3A_1079, %sub3A_1077 : vector<16xi1>, vector<16xi32>
      %lt3A_1081 = arith.constant 50000 : i32
      %lt3A_1082 = vector.broadcast %lt3A_1081 : i32 to vector<16xi32>
      %lt3A_1083 = arith.cmpi slt, %select_n3A_1080, %lt3A_1082 : vector<16xi32>
      %add3A_1084 = arith.addi %select_n3A_1080, %select_n3A_1080 : vector<16xi32>
      %add3A_1085 = arith.addi %select_n3A_1080, %select_n3A_1080 : vector<16xi32>
      %sub3A_1086 = arith.constant 99999 : i32
      %sub3A_1087 = vector.broadcast %sub3A_1086 : i32 to vector<16xi32>
      %sub3A_1088 = arith.subi %add3A_1085, %sub3A_1087 : vector<16xi32>
      %select_n3A_1089 = arith.select %lt3A_1083, %add3A_1084, %sub3A_1088 : vector<16xi1>, vector<16xi32>
      %swap3A_1090 = arith.constant 0 : i32
      %swap3A_1091 = arith.index_cast %swap3A_1090 : i32 to index
      %swap3A_1092 = arith.constant 112 : index
      %swap3A_1093 = tpu.vector_load %arg8[%swap3A_1091, %swap3A_1092] {strides = array<i32>} : memref<4x128xi32, #tpu.memory_space<vmem>>, vector<1x16xi32>,
      %swap3A_1094 = vector.shape_cast %swap3A_1093 : vector<1x16xi32> to vector<16xi32>
      %swap3A_1095 = vector.shape_cast %select_n3A_1089 : vector<16xi32> to vector<1x16xi32>
      tpu.vector_store %arg8[%swap3A_1091, %swap3A_1092], %swap3A_1095 {strides = array<i32>} : memref<4x128xi32, #tpu.memory_space<vmem>>, vector<1x16xi32>,
      %get3A_1096 = arith.constant 128 : index
      %get3A_1097 = tpu.vector_load %arg6[%get3A_1096] {strides = array<i32>} : memref<512xi32, #tpu.memory_space<vmem>>, vector<16xi32>,
      %get3A_1098 = vector.shape_cast %get3A_1097 : vector<16xi32> to vector<16xi32>
      %lt3A_1099 = arith.constant 1 : i32
      %lt3A_1100 = vector.broadcast %lt3A_1099 : i32 to vector<16xi32>
      %lt3A_1101 = arith.cmpi slt, %get3A_1098, %lt3A_1100 : vector<16xi32>
      %sub3A_1102 = arith.constant 1 : i32
      %sub3A_1103 = vector.broadcast %sub3A_1102 : i32 to vector<16xi32>
      %sub3A_1104 = arith.subi %get3A_1098, %sub3A_1103 : vector<16xi32>
      %jit3A_1105 = arith.constant 99999 : i32
      %broadcast_in_dim3A_1106 = vector.broadcast %jit3A_1105 : i32 to vector<16xi32>
      %select_n3A_1107 = arith.select %lt3A_1101, %broadcast_in_dim3A_1106, %sub3A_1104 : vector<16xi1>, vector<16xi32>
      %lt3A_1108 = arith.constant 50000 : i32
      %lt3A_1109 = vector.broadcast %lt3A_1108 : i32 to vector<16xi32>
      %lt3A_1110 = arith.cmpi slt, %select_n3A_1107, %lt3A_1109 : vector<16xi32>
      %add3A_1111 = arith.addi %select_n3A_1107, %select_n3A_1107 : vector<16xi32>
      %add3A_1112 = arith.addi %select_n3A_1107, %select_n3A_1107 : vector<16xi32>
      %sub3A_1113 = arith.constant 99999 : i32
      %sub3A_1114 = vector.broadcast %sub3A_1113 : i32 to vector<16xi32>
      %sub3A_1115 = arith.subi %add3A_1112, %sub3A_1114 : vector<16xi32>
      %select_n3A_1116 = arith.select %lt3A_1110, %add3A_1111, %sub3A_1115 : vector<16xi1>, vector<16xi32>
      %swap3A_1117 = arith.constant 1 : i32
      %swap3A_1118 = arith.index_cast %swap3A_1117 : i32 to index
      %swap3A_1119 = arith.constant 0 : index
      %swap3A_1120 = tpu.vector_load %arg8[%swap3A_1118, %swap3A_1119] {strides = array<i32>} : memref<4x128xi32, #tpu.memory_space<vmem>>, vector<1x16xi32>,
      %swap3A_1121 = vector.shape_cast %swap3A_1120 : vector<1x16xi32> to vector<16xi32>
      %swap3A_1122 = vector.shape_cast %select_n3A_1116 : vector<16xi32> to vector<1x16xi32>
      tpu.vector_store %arg8[%swap3A_1118, %swap3A_1119], %swap3A_1122 {strides = array<i32>} : memref<4x128xi32, #tpu.memory_space<vmem>>, vector<1x16xi32>,
      %get3A_1123 = arith.constant 144 : index
      %get3A_1124 = tpu.vector_load %arg6[%get3A_1123] {strides = array<i32>} : memref<512xi32, #tpu.memory_space<vmem>>, vector<16xi32>,
      %get3A_1125 = vector.shape_cast %get3A_1124 : vector<16xi32> to vector<16xi32>
      %lt3A_1126 = arith.constant 1 : i32
      %lt3A_1127 = vector.broadcast %lt3A_1126 : i32 to vector<16xi32>
      %lt3A_1128 = arith.cmpi slt, %get3A_1125, %lt3A_1127 : vector<16xi32>
      %sub3A_1129 = arith.constant 1 : i32
      %sub3A_1130 = vector.broadcast %sub3A_1129 : i32 to vector<16xi32>
      %sub3A_1131 = arith.subi %get3A_1125, %sub3A_1130 : vector<16xi32>
      %jit3A_1132 = arith.constant 99999 : i32
      %broadcast_in_dim3A_1133 = vector.broadcast %jit3A_1132 : i32 to vector<16xi32>
      %select_n3A_1134 = arith.select %lt3A_1128, %broadcast_in_dim3A_1133, %sub3A_1131 : vector<16xi1>, vector<16xi32>
      %lt3A_1135 = arith.constant 50000 : i32
      %lt3A_1136 = vector.broadcast %lt3A_1135 : i32 to vector<16xi32>
      %lt3A_1137 = arith.cmpi slt, %select_n3A_1134, %lt3A_1136 : vector<16xi32>
      %add3A_1138 = arith.addi %select_n3A_1134, %select_n3A_1134 : vector<16xi32>
      %add3A_1139 = arith.addi %select_n3A_1134, %select_n3A_1134 : vector<16xi32>
      %sub3A_1140 = arith.constant 99999 : i32
      %sub3A_1141 = vector.broadcast %sub3A_1140 : i32 to vector<16xi32>
      %sub3A_1142 = arith.subi %add3A_1139, %sub3A_1141 : vector<16xi32>
      %select_n3A_1143 = arith.select %lt3A_1137, %add3A_1138, %sub3A_1142 : vector<16xi1>, vector<16xi32>
      %swap3A_1144 = arith.constant 1 : i32
      %swap3A_1145 = arith.index_cast %swap3A_1144 : i32 to index
      %swap3A_1146 = arith.constant 16 : index
      %swap3A_1147 = tpu.vector_load %arg8[%swap3A_1145, %swap3A_1146] {strides = array<i32>} : memref<4x128xi32, #tpu.memory_space<vmem>>, vector<1x16xi32>,
      %swap3A_1148 = vector.shape_cast %swap3A_1147 : vector<1x16xi32> to vector<16xi32>
      %swap3A_1149 = vector.shape_cast %select_n3A_1143 : vector<16xi32> to vector<1x16xi32>
      tpu.vector_store %arg8[%swap3A_1145, %swap3A_1146], %swap3A_1149 {strides = array<i32>} : memref<4x128xi32, #tpu.memory_space<vmem>>, vector<1x16xi32>,
      %get3A_1150 = arith.constant 160 : index
      %get3A_1151 = tpu.vector_load %arg6[%get3A_1150] {strides = array<i32>} : memref<512xi32, #tpu.memory_space<vmem>>, vector<16xi32>,
      %get3A_1152 = vector.shape_cast %get3A_1151 : vector<16xi32> to vector<16xi32>
      %lt3A_1153 = arith.constant 1 : i32
      %lt3A_1154 = vector.broadcast %lt3A_1153 : i32 to vector<16xi32>
      %lt3A_1155 = arith.cmpi slt, %get3A_1152, %lt3A_1154 : vector<16xi32>
      %sub3A_1156 = arith.constant 1 : i32
      %sub3A_1157 = vector.broadcast %sub3A_1156 : i32 to vector<16xi32>
      %sub3A_1158 = arith.subi %get3A_1152, %sub3A_1157 : vector<16xi32>
      %jit3A_1159 = arith.constant 99999 : i32
      %broadcast_in_dim3A_1160 = vector.broadcast %jit3A_1159 : i32 to vector<16xi32>
      %select_n3A_1161 = arith.select %lt3A_1155, %broadcast_in_dim3A_1160, %sub3A_1158 : vector<16xi1>, vector<16xi32>
      %lt3A_1162 = arith.constant 50000 : i32
      %lt3A_1163 = vector.broadcast %lt3A_1162 : i32 to vector<16xi32>
      %lt3A_1164 = arith.cmpi slt, %select_n3A_1161, %lt3A_1163 : vector<16xi32>
      %add3A_1165 = arith.addi %select_n3A_1161, %select_n3A_1161 : vector<16xi32>
      %add3A_1166 = arith.addi %select_n3A_1161, %select_n3A_1161 : vector<16xi32>
      %sub3A_1167 = arith.constant 99999 : i32
      %sub3A_1168 = vector.broadcast %sub3A_1167 : i32 to vector<16xi32>
      %sub3A_1169 = arith.subi %add3A_1166, %sub3A_1168 : vector<16xi32>
      %select_n3A_1170 = arith.select %lt3A_1164, %add3A_1165, %sub3A_1169 : vector<16xi1>, vector<16xi32>
      %swap3A_1171 = arith.constant 1 : i32
      %swap3A_1172 = arith.index_cast %swap3A_1171 : i32 to index
      %swap3A_1173 = arith.constant 32 : index
      %swap3A_1174 = tpu.vector_load %arg8[%swap3A_1172, %swap3A_1173] {strides = array<i32>} : memref<4x128xi32, #tpu.memory_space<vmem>>, vector<1x16xi32>,
      %swap3A_1175 = vector.shape_cast %swap3A_1174 : vector<1x16xi32> to vector<16xi32>
      %swap3A_1176 = vector.shape_cast %select_n3A_1170 : vector<16xi32> to vector<1x16xi32>
      tpu.vector_store %arg8[%swap3A_1172, %swap3A_1173], %swap3A_1176 {strides = array<i32>} : memref<4x128xi32, #tpu.memory_space<vmem>>, vector<1x16xi32>,
      %get3A_1177 = arith.constant 176 : index
      %get3A_1178 = tpu.vector_load %arg6[%get3A_1177] {strides = array<i32>} : memref<512xi32, #tpu.memory_space<vmem>>, vector<16xi32>,
      %get3A_1179 = vector.shape_cast %get3A_1178 : vector<16xi32> to vector<16xi32>
      %lt3A_1180 = arith.constant 1 : i32
      %lt3A_1181 = vector.broadcast %lt3A_1180 : i32 to vector<16xi32>
      %lt3A_1182 = arith.cmpi slt, %get3A_1179, %lt3A_1181 : vector<16xi32>
      %sub3A_1183 = arith.constant 1 : i32
      %sub3A_1184 = vector.broadcast %sub3A_1183 : i32 to vector<16xi32>
      %sub3A_1185 = arith.subi %get3A_1179, %sub3A_1184 : vector<16xi32>
      %jit3A_1186 = arith.constant 99999 : i32
      %broadcast_in_dim3A_1187 = vector.broadcast %jit3A_1186 : i32 to vector<16xi32>
      %select_n3A_1188 = arith.select %lt3A_1182, %broadcast_in_dim3A_1187, %sub3A_1185 : vector<16xi1>, vector<16xi32>
      %lt3A_1189 = arith.constant 50000 : i32
      %lt3A_1190 = vector.broadcast %lt3A_1189 : i32 to vector<16xi32>
      %lt3A_1191 = arith.cmpi slt, %select_n3A_1188, %lt3A_1190 : vector<16xi32>
      %add3A_1192 = arith.addi %select_n3A_1188, %select_n3A_1188 : vector<16xi32>
      %add3A_1193 = arith.addi %select_n3A_1188, %select_n3A_1188 : vector<16xi32>
      %sub3A_1194 = arith.constant 99999 : i32
      %sub3A_1195 = vector.broadcast %sub3A_1194 : i32 to vector<16xi32>
      %sub3A_1196 = arith.subi %add3A_1193, %sub3A_1195 : vector<16xi32>
      %select_n3A_1197 = arith.select %lt3A_1191, %add3A_1192, %sub3A_1196 : vector<16xi1>, vector<16xi32>
      %swap3A_1198 = arith.constant 1 : i32
      %swap3A_1199 = arith.index_cast %swap3A_1198 : i32 to index
      %swap3A_1200 = arith.constant 48 : index
      %swap3A_1201 = tpu.vector_load %arg8[%swap3A_1199, %swap3A_1200] {strides = array<i32>} : memref<4x128xi32, #tpu.memory_space<vmem>>, vector<1x16xi32>,
      %swap3A_1202 = vector.shape_cast %swap3A_1201 : vector<1x16xi32> to vector<16xi32>
      %swap3A_1203 = vector.shape_cast %select_n3A_1197 : vector<16xi32> to vector<1x16xi32>
      tpu.vector_store %arg8[%swap3A_1199, %swap3A_1200], %swap3A_1203 {strides = array<i32>} : memref<4x128xi32, #tpu.memory_space<vmem>>, vector<1x16xi32>,
      %get3A_1204 = arith.constant 192 : index
      %get3A_1205 = tpu.vector_load %arg6[%get3A_1204] {strides = array<i32>} : memref<512xi32, #tpu.memory_space<vmem>>, vector<16xi32>,
      %get3A_1206 = vector.shape_cast %get3A_1205 : vector<16xi32> to vector<16xi32>
      %lt3A_1207 = arith.constant 1 : i32
      %lt3A_1208 = vector.broadcast %lt3A_1207 : i32 to vector<16xi32>
      %lt3A_1209 = arith.cmpi slt, %get3A_1206, %lt3A_1208 : vector<16xi32>
      %sub3A_1210 = arith.constant 1 : i32
      %sub3A_1211 = vector.broadcast %sub3A_1210 : i32 to vector<16xi32>
      %sub3A_1212 = arith.subi %get3A_1206, %sub3A_1211 : vector<16xi32>
      %jit3A_1213 = arith.constant 99999 : i32
      %broadcast_in_dim3A_1214 = vector.broadcast %jit3A_1213 : i32 to vector<16xi32>
      %select_n3A_1215 = arith.select %lt3A_1209, %broadcast_in_dim3A_1214, %sub3A_1212 : vector<16xi1>, vector<16xi32>
      %lt3A_1216 = arith.constant 50000 : i32
      %lt3A_1217 = vector.broadcast %lt3A_1216 : i32 to vector<16xi32>
      %lt3A_1218 = arith.cmpi slt, %select_n3A_1215, %lt3A_1217 : vector<16xi32>
      %add3A_1219 = arith.addi %select_n3A_1215, %select_n3A_1215 : vector<16xi32>
      %add3A_1220 = arith.addi %select_n3A_1215, %select_n3A_1215 : vector<16xi32>
      %sub3A_1221 = arith.constant 99999 : i32
      %sub3A_1222 = vector.broadcast %sub3A_1221 : i32 to vector<16xi32>
      %sub3A_1223 = arith.subi %add3A_1220, %sub3A_1222 : vector<16xi32>
      %select_n3A_1224 = arith.select %lt3A_1218, %add3A_1219, %sub3A_1223 : vector<16xi1>, vector<16xi32>
      %swap3A_1225 = arith.constant 1 : i32
      %swap3A_1226 = arith.index_cast %swap3A_1225 : i32 to index
      %swap3A_1227 = arith.constant 64 : index
      %swap3A_1228 = tpu.vector_load %arg8[%swap3A_1226, %swap3A_1227] {strides = array<i32>} : memref<4x128xi32, #tpu.memory_space<vmem>>, vector<1x16xi32>,
      %swap3A_1229 = vector.shape_cast %swap3A_1228 : vector<1x16xi32> to vector<16xi32>
      %swap3A_1230 = vector.shape_cast %select_n3A_1224 : vector<16xi32> to vector<1x16xi32>
      tpu.vector_store %arg8[%swap3A_1226, %swap3A_1227], %swap3A_1230 {strides = array<i32>} : memref<4x128xi32, #tpu.memory_space<vmem>>, vector<1x16xi32>,
      %get3A_1231 = arith.constant 208 : index
      %get3A_1232 = tpu.vector_load %arg6[%get3A_1231] {strides = array<i32>} : memref<512xi32, #tpu.memory_space<vmem>>, vector<16xi32>,
      %get3A_1233 = vector.shape_cast %get3A_1232 : vector<16xi32> to vector<16xi32>
      %lt3A_1234 = arith.constant 1 : i32
      %lt3A_1235 = vector.broadcast %lt3A_1234 : i32 to vector<16xi32>
      %lt3A_1236 = arith.cmpi slt, %get3A_1233, %lt3A_1235 : vector<16xi32>
      %sub3A_1237 = arith.constant 1 : i32
      %sub3A_1238 = vector.broadcast %sub3A_1237 : i32 to vector<16xi32>
      %sub3A_1239 = arith.subi %get3A_1233, %sub3A_1238 : vector<16xi32>
      %jit3A_1240 = arith.constant 99999 : i32
      %broadcast_in_dim3A_1241 = vector.broadcast %jit3A_1240 : i32 to vector<16xi32>
      %select_n3A_1242 = arith.select %lt3A_1236, %broadcast_in_dim3A_1241, %sub3A_1239 : vector<16xi1>, vector<16xi32>
      %lt3A_1243 = arith.constant 50000 : i32
      %lt3A_1244 = vector.broadcast %lt3A_1243 : i32 to vector<16xi32>
      %lt3A_1245 = arith.cmpi slt, %select_n3A_1242, %lt3A_1244 : vector<16xi32>
      %add3A_1246 = arith.addi %select_n3A_1242, %select_n3A_1242 : vector<16xi32>
      %add3A_1247 = arith.addi %select_n3A_1242, %select_n3A_1242 : vector<16xi32>
      %sub3A_1248 = arith.constant 99999 : i32
      %sub3A_1249 = vector.broadcast %sub3A_1248 : i32 to vector<16xi32>
      %sub3A_1250 = arith.subi %add3A_1247, %sub3A_1249 : vector<16xi32>
      %select_n3A_1251 = arith.select %lt3A_1245, %add3A_1246, %sub3A_1250 : vector<16xi1>, vector<16xi32>
      %swap3A_1252 = arith.constant 1 : i32
      %swap3A_1253 = arith.index_cast %swap3A_1252 : i32 to index
      %swap3A_1254 = arith.constant 80 : index
      %swap3A_1255 = tpu.vector_load %arg8[%swap3A_1253, %swap3A_1254] {strides = array<i32>} : memref<4x128xi32, #tpu.memory_space<vmem>>, vector<1x16xi32>,
      %swap3A_1256 = vector.shape_cast %swap3A_1255 : vector<1x16xi32> to vector<16xi32>
      %swap3A_1257 = vector.shape_cast %select_n3A_1251 : vector<16xi32> to vector<1x16xi32>
      tpu.vector_store %arg8[%swap3A_1253, %swap3A_1254], %swap3A_1257 {strides = array<i32>} : memref<4x128xi32, #tpu.memory_space<vmem>>, vector<1x16xi32>,
      %get3A_1258 = arith.constant 224 : index
      %get3A_1259 = tpu.vector_load %arg6[%get3A_1258] {strides = array<i32>} : memref<512xi32, #tpu.memory_space<vmem>>, vector<16xi32>,
      %get3A_1260 = vector.shape_cast %get3A_1259 : vector<16xi32> to vector<16xi32>
      %lt3A_1261 = arith.constant 1 : i32
      %lt3A_1262 = vector.broadcast %lt3A_1261 : i32 to vector<16xi32>
      %lt3A_1263 = arith.cmpi slt, %get3A_1260, %lt3A_1262 : vector<16xi32>
      %sub3A_1264 = arith.constant 1 : i32
      %sub3A_1265 = vector.broadcast %sub3A_1264 : i32 to vector<16xi32>
      %sub3A_1266 = arith.subi %get3A_1260, %sub3A_1265 : vector<16xi32>
      %jit3A_1267 = arith.constant 99999 : i32
      %broadcast_in_dim3A_1268 = vector.broadcast %jit3A_1267 : i32 to vector<16xi32>
      %select_n3A_1269 = arith.select %lt3A_1263, %broadcast_in_dim3A_1268, %sub3A_1266 : vector<16xi1>, vector<16xi32>
      %lt3A_1270 = arith.constant 50000 : i32
      %lt3A_1271 = vector.broadcast %lt3A_1270 : i32 to vector<16xi32>
      %lt3A_1272 = arith.cmpi slt, %select_n3A_1269, %lt3A_1271 : vector<16xi32>
      %add3A_1273 = arith.addi %select_n3A_1269, %select_n3A_1269 : vector<16xi32>
      %add3A_1274 = arith.addi %select_n3A_1269, %select_n3A_1269 : vector<16xi32>
      %sub3A_1275 = arith.constant 99999 : i32
      %sub3A_1276 = vector.broadcast %sub3A_1275 : i32 to vector<16xi32>
      %sub3A_1277 = arith.subi %add3A_1274, %sub3A_1276 : vector<16xi32>
      %select_n3A_1278 = arith.select %lt3A_1272, %add3A_1273, %sub3A_1277 : vector<16xi1>, vector<16xi32>
      %swap3A_1279 = arith.constant 1 : i32
      %swap3A_1280 = arith.index_cast %swap3A_1279 : i32 to index
      %swap3A_1281 = arith.constant 96 : index
      %swap3A_1282 = tpu.vector_load %arg8[%swap3A_1280, %swap3A_1281] {strides = array<i32>} : memref<4x128xi32, #tpu.memory_space<vmem>>, vector<1x16xi32>,
      %swap3A_1283 = vector.shape_cast %swap3A_1282 : vector<1x16xi32> to vector<16xi32>
      %swap3A_1284 = vector.shape_cast %select_n3A_1278 : vector<16xi32> to vector<1x16xi32>
      tpu.vector_store %arg8[%swap3A_1280, %swap3A_1281], %swap3A_1284 {strides = array<i32>} : memref<4x128xi32, #tpu.memory_space<vmem>>, vector<1x16xi32>,
      %get3A_1285 = arith.constant 240 : index
      %get3A_1286 = tpu.vector_load %arg6[%get3A_1285] {strides = array<i32>} : memref<512xi32, #tpu.memory_space<vmem>>, vector<16xi32>,
      %get3A_1287 = vector.shape_cast %get3A_1286 : vector<16xi32> to vector<16xi32>
      %lt3A_1288 = arith.constant 1 : i32
      %lt3A_1289 = vector.broadcast %lt3A_1288 : i32 to vector<16xi32>
      %lt3A_1290 = arith.cmpi slt, %get3A_1287, %lt3A_1289 : vector<16xi32>
      %sub3A_1291 = arith.constant 1 : i32
      %sub3A_1292 = vector.broadcast %sub3A_1291 : i32 to vector<16xi32>
      %sub3A_1293 = arith.subi %get3A_1287, %sub3A_1292 : vector<16xi32>
      %jit3A_1294 = arith.constant 99999 : i32
      %broadcast_in_dim3A_1295 = vector.broadcast %jit3A_1294 : i32 to vector<16xi32>
      %select_n3A_1296 = arith.select %lt3A_1290, %broadcast_in_dim3A_1295, %sub3A_1293 : vector<16xi1>, vector<16xi32>
      %lt3A_1297 = arith.constant 50000 : i32
      %lt3A_1298 = vector.broadcast %lt3A_1297 : i32 to vector<16xi32>
      %lt3A_1299 = arith.cmpi slt, %select_n3A_1296, %lt3A_1298 : vector<16xi32>
      %add3A_1300 = arith.addi %select_n3A_1296, %select_n3A_1296 : vector<16xi32>
      %add3A_1301 = arith.addi %select_n3A_1296, %select_n3A_1296 : vector<16xi32>
      %sub3A_1302 = arith.constant 99999 : i32
      %sub3A_1303 = vector.broadcast %sub3A_1302 : i32 to vector<16xi32>
      %sub3A_1304 = arith.subi %add3A_1301, %sub3A_1303 : vector<16xi32>
      %select_n3A_1305 = arith.select %lt3A_1299, %add3A_1300, %sub3A_1304 : vector<16xi1>, vector<16xi32>
      %swap3A_1306 = arith.constant 1 : i32
      %swap3A_1307 = arith.index_cast %swap3A_1306 : i32 to index
      %swap3A_1308 = arith.constant 112 : index
      %swap3A_1309 = tpu.vector_load %arg8[%swap3A_1307, %swap3A_1308] {strides = array<i32>} : memref<4x128xi32, #tpu.memory_space<vmem>>, vector<1x16xi32>,
      %swap3A_1310 = vector.shape_cast %swap3A_1309 : vector<1x16xi32> to vector<16xi32>
      %swap3A_1311 = vector.shape_cast %select_n3A_1305 : vector<16xi32> to vector<1x16xi32>
      tpu.vector_store %arg8[%swap3A_1307, %swap3A_1308], %swap3A_1311 {strides = array<i32>} : memref<4x128xi32, #tpu.memory_space<vmem>>, vector<1x16xi32>,
      %get3A_1312 = arith.constant 256 : index
      %get3A_1313 = tpu.vector_load %arg6[%get3A_1312] {strides = array<i32>} : memref<512xi32, #tpu.memory_space<vmem>>, vector<16xi32>,
      %get3A_1314 = vector.shape_cast %get3A_1313 : vector<16xi32> to vector<16xi32>
      %lt3A_1315 = arith.constant 1 : i32
      %lt3A_1316 = vector.broadcast %lt3A_1315 : i32 to vector<16xi32>
      %lt3A_1317 = arith.cmpi slt, %get3A_1314, %lt3A_1316 : vector<16xi32>
      %sub3A_1318 = arith.constant 1 : i32
      %sub3A_1319 = vector.broadcast %sub3A_1318 : i32 to vector<16xi32>
      %sub3A_1320 = arith.subi %get3A_1314, %sub3A_1319 : vector<16xi32>
      %jit3A_1321 = arith.constant 99999 : i32
      %broadcast_in_dim3A_1322 = vector.broadcast %jit3A_1321 : i32 to vector<16xi32>
      %select_n3A_1323 = arith.select %lt3A_1317, %broadcast_in_dim3A_1322, %sub3A_1320 : vector<16xi1>, vector<16xi32>
      %lt3A_1324 = arith.constant 50000 : i32
      %lt3A_1325 = vector.broadcast %lt3A_1324 : i32 to vector<16xi32>
      %lt3A_1326 = arith.cmpi slt, %select_n3A_1323, %lt3A_1325 : vector<16xi32>
      %add3A_1327 = arith.addi %select_n3A_1323, %select_n3A_1323 : vector<16xi32>
      %add3A_1328 = arith.addi %select_n3A_1323, %select_n3A_1323 : vector<16xi32>
      %sub3A_1329 = arith.constant 99999 : i32
      %sub3A_1330 = vector.broadcast %sub3A_1329 : i32 to vector<16xi32>
      %sub3A_1331 = arith.subi %add3A_1328, %sub3A_1330 : vector<16xi32>
      %select_n3A_1332 = arith.select %lt3A_1326, %add3A_1327, %sub3A_1331 : vector<16xi1>, vector<16xi32>
      %swap3A_1333 = arith.constant 2 : i32
      %swap3A_1334 = arith.index_cast %swap3A_1333 : i32 to index
      %swap3A_1335 = arith.constant 0 : index
      %swap3A_1336 = tpu.vector_load %arg8[%swap3A_1334, %swap3A_1335] {strides = array<i32>} : memref<4x128xi32, #tpu.memory_space<vmem>>, vector<1x16xi32>,
      %swap3A_1337 = vector.shape_cast %swap3A_1336 : vector<1x16xi32> to vector<16xi32>
      %swap3A_1338 = vector.shape_cast %select_n3A_1332 : vector<16xi32> to vector<1x16xi32>
      tpu.vector_store %arg8[%swap3A_1334, %swap3A_1335], %swap3A_1338 {strides = array<i32>} : memref<4x128xi32, #tpu.memory_space<vmem>>, vector<1x16xi32>,
      %get3A_1339 = arith.constant 272 : index
      %get3A_1340 = tpu.vector_load %arg6[%get3A_1339] {strides = array<i32>} : memref<512xi32, #tpu.memory_space<vmem>>, vector<16xi32>,
      %get3A_1341 = vector.shape_cast %get3A_1340 : vector<16xi32> to vector<16xi32>
      %lt3A_1342 = arith.constant 1 : i32
      %lt3A_1343 = vector.broadcast %lt3A_1342 : i32 to vector<16xi32>
      %lt3A_1344 = arith.cmpi slt, %get3A_1341, %lt3A_1343 : vector<16xi32>
      %sub3A_1345 = arith.constant 1 : i32
      %sub3A_1346 = vector.broadcast %sub3A_1345 : i32 to vector<16xi32>
      %sub3A_1347 = arith.subi %get3A_1341, %sub3A_1346 : vector<16xi32>
      %jit3A_1348 = arith.constant 99999 : i32
      %broadcast_in_dim3A_1349 = vector.broadcast %jit3A_1348 : i32 to vector<16xi32>
      %select_n3A_1350 = arith.select %lt3A_1344, %broadcast_in_dim3A_1349, %sub3A_1347 : vector<16xi1>, vector<16xi32>
      %lt3A_1351 = arith.constant 50000 : i32
      %lt3A_1352 = vector.broadcast %lt3A_1351 : i32 to vector<16xi32>
      %lt3A_1353 = arith.cmpi slt, %select_n3A_1350, %lt3A_1352 : vector<16xi32>
      %add3A_1354 = arith.addi %select_n3A_1350, %select_n3A_1350 : vector<16xi32>
      %add3A_1355 = arith.addi %select_n3A_1350, %select_n3A_1350 : vector<16xi32>
      %sub3A_1356 = arith.constant 99999 : i32
      %sub3A_1357 = vector.broadcast %sub3A_1356 : i32 to vector<16xi32>
      %sub3A_1358 = arith.subi %add3A_1355, %sub3A_1357 : vector<16xi32>
      %select_n3A_1359 = arith.select %lt3A_1353, %add3A_1354, %sub3A_1358 : vector<16xi1>, vector<16xi32>
      %swap3A_1360 = arith.constant 2 : i32
      %swap3A_1361 = arith.index_cast %swap3A_1360 : i32 to index
      %swap3A_1362 = arith.constant 16 : index
      %swap3A_1363 = tpu.vector_load %arg8[%swap3A_1361, %swap3A_1362] {strides = array<i32>} : memref<4x128xi32, #tpu.memory_space<vmem>>, vector<1x16xi32>,
      %swap3A_1364 = vector.shape_cast %swap3A_1363 : vector<1x16xi32> to vector<16xi32>
      %swap3A_1365 = vector.shape_cast %select_n3A_1359 : vector<16xi32> to vector<1x16xi32>
      tpu.vector_store %arg8[%swap3A_1361, %swap3A_1362], %swap3A_1365 {strides = array<i32>} : memref<4x128xi32, #tpu.memory_space<vmem>>, vector<1x16xi32>,
      %get3A_1366 = arith.constant 288 : index
      %get3A_1367 = tpu.vector_load %arg6[%get3A_1366] {strides = array<i32>} : memref<512xi32, #tpu.memory_space<vmem>>, vector<16xi32>,
      %get3A_1368 = vector.shape_cast %get3A_1367 : vector<16xi32> to vector<16xi32>
      %lt3A_1369 = arith.constant 1 : i32
      %lt3A_1370 = vector.broadcast %lt3A_1369 : i32 to vector<16xi32>
      %lt3A_1371 = arith.cmpi slt, %get3A_1368, %lt3A_1370 : vector<16xi32>
      %sub3A_1372 = arith.constant 1 : i32
      %sub3A_1373 = vector.broadcast %sub3A_1372 : i32 to vector<16xi32>
      %sub3A_1374 = arith.subi %get3A_1368, %sub3A_1373 : vector<16xi32>
      %jit3A_1375 = arith.constant 99999 : i32
      %broadcast_in_dim3A_1376 = vector.broadcast %jit3A_1375 : i32 to vector<16xi32>
      %select_n3A_1377 = arith.select %lt3A_1371, %broadcast_in_dim3A_1376, %sub3A_1374 : vector<16xi1>, vector<16xi32>
      %lt3A_1378 = arith.constant 50000 : i32
      %lt3A_1379 = vector.broadcast %lt3A_1378 : i32 to vector<16xi32>
      %lt3A_1380 = arith.cmpi slt, %select_n3A_1377, %lt3A_1379 : vector<16xi32>
      %add3A_1381 = arith.addi %select_n3A_1377, %select_n3A_1377 : vector<16xi32>
      %add3A_1382 = arith.addi %select_n3A_1377, %select_n3A_1377 : vector<16xi32>
      %sub3A_1383 = arith.constant 99999 : i32
      %sub3A_1384 = vector.broadcast %sub3A_1383 : i32 to vector<16xi32>
      %sub3A_1385 = arith.subi %add3A_1382, %sub3A_1384 : vector<16xi32>
      %select_n3A_1386 = arith.select %lt3A_1380, %add3A_1381, %sub3A_1385 : vector<16xi1>, vector<16xi32>
      %swap3A_1387 = arith.constant 2 : i32
      %swap3A_1388 = arith.index_cast %swap3A_1387 : i32 to index
      %swap3A_1389 = arith.constant 32 : index
      %swap3A_1390 = tpu.vector_load %arg8[%swap3A_1388, %swap3A_1389] {strides = array<i32>} : memref<4x128xi32, #tpu.memory_space<vmem>>, vector<1x16xi32>,
      %swap3A_1391 = vector.shape_cast %swap3A_1390 : vector<1x16xi32> to vector<16xi32>
      %swap3A_1392 = vector.shape_cast %select_n3A_1386 : vector<16xi32> to vector<1x16xi32>
      tpu.vector_store %arg8[%swap3A_1388, %swap3A_1389], %swap3A_1392 {strides = array<i32>} : memref<4x128xi32, #tpu.memory_space<vmem>>, vector<1x16xi32>,
      %get3A_1393 = arith.constant 304 : index
      %get3A_1394 = tpu.vector_load %arg6[%get3A_1393] {strides = array<i32>} : memref<512xi32, #tpu.memory_space<vmem>>, vector<16xi32>,
      %get3A_1395 = vector.shape_cast %get3A_1394 : vector<16xi32> to vector<16xi32>
      %lt3A_1396 = arith.constant 1 : i32
      %lt3A_1397 = vector.broadcast %lt3A_1396 : i32 to vector<16xi32>
      %lt3A_1398 = arith.cmpi slt, %get3A_1395, %lt3A_1397 : vector<16xi32>
      %sub3A_1399 = arith.constant 1 : i32
      %sub3A_1400 = vector.broadcast %sub3A_1399 : i32 to vector<16xi32>
      %sub3A_1401 = arith.subi %get3A_1395, %sub3A_1400 : vector<16xi32>
      %jit3A_1402 = arith.constant 99999 : i32
      %broadcast_in_dim3A_1403 = vector.broadcast %jit3A_1402 : i32 to vector<16xi32>
      %select_n3A_1404 = arith.select %lt3A_1398, %broadcast_in_dim3A_1403, %sub3A_1401 : vector<16xi1>, vector<16xi32>
      %lt3A_1405 = arith.constant 50000 : i32
      %lt3A_1406 = vector.broadcast %lt3A_1405 : i32 to vector<16xi32>
      %lt3A_1407 = arith.cmpi slt, %select_n3A_1404, %lt3A_1406 : vector<16xi32>
      %add3A_1408 = arith.addi %select_n3A_1404, %select_n3A_1404 : vector<16xi32>
      %add3A_1409 = arith.addi %select_n3A_1404, %select_n3A_1404 : vector<16xi32>
      %sub3A_1410 = arith.constant 99999 : i32
      %sub3A_1411 = vector.broadcast %sub3A_1410 : i32 to vector<16xi32>
      %sub3A_1412 = arith.subi %add3A_1409, %sub3A_1411 : vector<16xi32>
      %select_n3A_1413 = arith.select %lt3A_1407, %add3A_1408, %sub3A_1412 : vector<16xi1>, vector<16xi32>
      %swap3A_1414 = arith.constant 2 : i32
      %swap3A_1415 = arith.index_cast %swap3A_1414 : i32 to index
      %swap3A_1416 = arith.constant 48 : index
      %swap3A_1417 = tpu.vector_load %arg8[%swap3A_1415, %swap3A_1416] {strides = array<i32>} : memref<4x128xi32, #tpu.memory_space<vmem>>, vector<1x16xi32>,
      %swap3A_1418 = vector.shape_cast %swap3A_1417 : vector<1x16xi32> to vector<16xi32>
      %swap3A_1419 = vector.shape_cast %select_n3A_1413 : vector<16xi32> to vector<1x16xi32>
      tpu.vector_store %arg8[%swap3A_1415, %swap3A_1416], %swap3A_1419 {strides = array<i32>} : memref<4x128xi32, #tpu.memory_space<vmem>>, vector<1x16xi32>,
      %get3A_1420 = arith.constant 320 : index
      %get3A_1421 = tpu.vector_load %arg6[%get3A_1420] {strides = array<i32>} : memref<512xi32, #tpu.memory_space<vmem>>, vector<16xi32>,
      %get3A_1422 = vector.shape_cast %get3A_1421 : vector<16xi32> to vector<16xi32>
      %lt3A_1423 = arith.constant 1 : i32
      %lt3A_1424 = vector.broadcast %lt3A_1423 : i32 to vector<16xi32>
      %lt3A_1425 = arith.cmpi slt, %get3A_1422, %lt3A_1424 : vector<16xi32>
      %sub3A_1426 = arith.constant 1 : i32
      %sub3A_1427 = vector.broadcast %sub3A_1426 : i32 to vector<16xi32>
      %sub3A_1428 = arith.subi %get3A_1422, %sub3A_1427 : vector<16xi32>
      %jit3A_1429 = arith.constant 99999 : i32
      %broadcast_in_dim3A_1430 = vector.broadcast %jit3A_1429 : i32 to vector<16xi32>
      %select_n3A_1431 = arith.select %lt3A_1425, %broadcast_in_dim3A_1430, %sub3A_1428 : vector<16xi1>, vector<16xi32>
      %lt3A_1432 = arith.constant 50000 : i32
      %lt3A_1433 = vector.broadcast %lt3A_1432 : i32 to vector<16xi32>
      %lt3A_1434 = arith.cmpi slt, %select_n3A_1431, %lt3A_1433 : vector<16xi32>
      %add3A_1435 = arith.addi %select_n3A_1431, %select_n3A_1431 : vector<16xi32>
      %add3A_1436 = arith.addi %select_n3A_1431, %select_n3A_1431 : vector<16xi32>
      %sub3A_1437 = arith.constant 99999 : i32
      %sub3A_1438 = vector.broadcast %sub3A_1437 : i32 to vector<16xi32>
      %sub3A_1439 = arith.subi %add3A_1436, %sub3A_1438 : vector<16xi32>
      %select_n3A_1440 = arith.select %lt3A_1434, %add3A_1435, %sub3A_1439 : vector<16xi1>, vector<16xi32>
      %swap3A_1441 = arith.constant 2 : i32
      %swap3A_1442 = arith.index_cast %swap3A_1441 : i32 to index
      %swap3A_1443 = arith.constant 64 : index
      %swap3A_1444 = tpu.vector_load %arg8[%swap3A_1442, %swap3A_1443] {strides = array<i32>} : memref<4x128xi32, #tpu.memory_space<vmem>>, vector<1x16xi32>,
      %swap3A_1445 = vector.shape_cast %swap3A_1444 : vector<1x16xi32> to vector<16xi32>
      %swap3A_1446 = vector.shape_cast %select_n3A_1440 : vector<16xi32> to vector<1x16xi32>
      tpu.vector_store %arg8[%swap3A_1442, %swap3A_1443], %swap3A_1446 {strides = array<i32>} : memref<4x128xi32, #tpu.memory_space<vmem>>, vector<1x16xi32>,
      %get3A_1447 = arith.constant 336 : index
      %get3A_1448 = tpu.vector_load %arg6[%get3A_1447] {strides = array<i32>} : memref<512xi32, #tpu.memory_space<vmem>>, vector<16xi32>,
      %get3A_1449 = vector.shape_cast %get3A_1448 : vector<16xi32> to vector<16xi32>
      %lt3A_1450 = arith.constant 1 : i32
      %lt3A_1451 = vector.broadcast %lt3A_1450 : i32 to vector<16xi32>
      %lt3A_1452 = arith.cmpi slt, %get3A_1449, %lt3A_1451 : vector<16xi32>
      %sub3A_1453 = arith.constant 1 : i32
      %sub3A_1454 = vector.broadcast %sub3A_1453 : i32 to vector<16xi32>
      %sub3A_1455 = arith.subi %get3A_1449, %sub3A_1454 : vector<16xi32>
      %jit3A_1456 = arith.constant 99999 : i32
      %broadcast_in_dim3A_1457 = vector.broadcast %jit3A_1456 : i32 to vector<16xi32>
      %select_n3A_1458 = arith.select %lt3A_1452, %broadcast_in_dim3A_1457, %sub3A_1455 : vector<16xi1>, vector<16xi32>
      %lt3A_1459 = arith.constant 50000 : i32
      %lt3A_1460 = vector.broadcast %lt3A_1459 : i32 to vector<16xi32>
      %lt3A_1461 = arith.cmpi slt, %select_n3A_1458, %lt3A_1460 : vector<16xi32>
      %add3A_1462 = arith.addi %select_n3A_1458, %select_n3A_1458 : vector<16xi32>
      %add3A_1463 = arith.addi %select_n3A_1458, %select_n3A_1458 : vector<16xi32>
      %sub3A_1464 = arith.constant 99999 : i32
      %sub3A_1465 = vector.broadcast %sub3A_1464 : i32 to vector<16xi32>
      %sub3A_1466 = arith.subi %add3A_1463, %sub3A_1465 : vector<16xi32>
      %select_n3A_1467 = arith.select %lt3A_1461, %add3A_1462, %sub3A_1466 : vector<16xi1>, vector<16xi32>
      %swap3A_1468 = arith.constant 2 : i32
      %swap3A_1469 = arith.index_cast %swap3A_1468 : i32 to index
      %swap3A_1470 = arith.constant 80 : index
      %swap3A_1471 = tpu.vector_load %arg8[%swap3A_1469, %swap3A_1470] {strides = array<i32>} : memref<4x128xi32, #tpu.memory_space<vmem>>, vector<1x16xi32>,
      %swap3A_1472 = vector.shape_cast %swap3A_1471 : vector<1x16xi32> to vector<16xi32>
      %swap3A_1473 = vector.shape_cast %select_n3A_1467 : vector<16xi32> to vector<1x16xi32>
      tpu.vector_store %arg8[%swap3A_1469, %swap3A_1470], %swap3A_1473 {strides = array<i32>} : memref<4x128xi32, #tpu.memory_space<vmem>>, vector<1x16xi32>,
      %get3A_1474 = arith.constant 352 : index
      %get3A_1475 = tpu.vector_load %arg6[%get3A_1474] {strides = array<i32>} : memref<512xi32, #tpu.memory_space<vmem>>, vector<16xi32>,
      %get3A_1476 = vector.shape_cast %get3A_1475 : vector<16xi32> to vector<16xi32>
      %lt3A_1477 = arith.constant 1 : i32
      %lt3A_1478 = vector.broadcast %lt3A_1477 : i32 to vector<16xi32>
      %lt3A_1479 = arith.cmpi slt, %get3A_1476, %lt3A_1478 : vector<16xi32>
      %sub3A_1480 = arith.constant 1 : i32
      %sub3A_1481 = vector.broadcast %sub3A_1480 : i32 to vector<16xi32>
      %sub3A_1482 = arith.subi %get3A_1476, %sub3A_1481 : vector<16xi32>
      %jit3A_1483 = arith.constant 99999 : i32
      %broadcast_in_dim3A_1484 = vector.broadcast %jit3A_1483 : i32 to vector<16xi32>
      %select_n3A_1485 = arith.select %lt3A_1479, %broadcast_in_dim3A_1484, %sub3A_1482 : vector<16xi1>, vector<16xi32>
      %lt3A_1486 = arith.constant 50000 : i32
      %lt3A_1487 = vector.broadcast %lt3A_1486 : i32 to vector<16xi32>
      %lt3A_1488 = arith.cmpi slt, %select_n3A_1485, %lt3A_1487 : vector<16xi32>
      %add3A_1489 = arith.addi %select_n3A_1485, %select_n3A_1485 : vector<16xi32>
      %add3A_1490 = arith.addi %select_n3A_1485, %select_n3A_1485 : vector<16xi32>
      %sub3A_1491 = arith.constant 99999 : i32
      %sub3A_1492 = vector.broadcast %sub3A_1491 : i32 to vector<16xi32>
      %sub3A_1493 = arith.subi %add3A_1490, %sub3A_1492 : vector<16xi32>
      %select_n3A_1494 = arith.select %lt3A_1488, %add3A_1489, %sub3A_1493 : vector<16xi1>, vector<16xi32>
      %swap3A_1495 = arith.constant 2 : i32
      %swap3A_1496 = arith.index_cast %swap3A_1495 : i32 to index
      %swap3A_1497 = arith.constant 96 : index
      %swap3A_1498 = tpu.vector_load %arg8[%swap3A_1496, %swap3A_1497] {strides = array<i32>} : memref<4x128xi32, #tpu.memory_space<vmem>>, vector<1x16xi32>,
      %swap3A_1499 = vector.shape_cast %swap3A_1498 : vector<1x16xi32> to vector<16xi32>
      %swap3A_1500 = vector.shape_cast %select_n3A_1494 : vector<16xi32> to vector<1x16xi32>
      tpu.vector_store %arg8[%swap3A_1496, %swap3A_1497], %swap3A_1500 {strides = array<i32>} : memref<4x128xi32, #tpu.memory_space<vmem>>, vector<1x16xi32>,
      %get3A_1501 = arith.constant 368 : index
      %get3A_1502 = tpu.vector_load %arg6[%get3A_1501] {strides = array<i32>} : memref<512xi32, #tpu.memory_space<vmem>>, vector<16xi32>,
      %get3A_1503 = vector.shape_cast %get3A_1502 : vector<16xi32> to vector<16xi32>
      %lt3A_1504 = arith.constant 1 : i32
      %lt3A_1505 = vector.broadcast %lt3A_1504 : i32 to vector<16xi32>
      %lt3A_1506 = arith.cmpi slt, %get3A_1503, %lt3A_1505 : vector<16xi32>
      %sub3A_1507 = arith.constant 1 : i32
      %sub3A_1508 = vector.broadcast %sub3A_1507 : i32 to vector<16xi32>
      %sub3A_1509 = arith.subi %get3A_1503, %sub3A_1508 : vector<16xi32>
      %jit3A_1510 = arith.constant 99999 : i32
      %broadcast_in_dim3A_1511 = vector.broadcast %jit3A_1510 : i32 to vector<16xi32>
      %select_n3A_1512 = arith.select %lt3A_1506, %broadcast_in_dim3A_1511, %sub3A_1509 : vector<16xi1>, vector<16xi32>
      %lt3A_1513 = arith.constant 50000 : i32
      %lt3A_1514 = vector.broadcast %lt3A_1513 : i32 to vector<16xi32>
      %lt3A_1515 = arith.cmpi slt, %select_n3A_1512, %lt3A_1514 : vector<16xi32>
      %add3A_1516 = arith.addi %select_n3A_1512, %select_n3A_1512 : vector<16xi32>
      %add3A_1517 = arith.addi %select_n3A_1512, %select_n3A_1512 : vector<16xi32>
      %sub3A_1518 = arith.constant 99999 : i32
      %sub3A_1519 = vector.broadcast %sub3A_1518 : i32 to vector<16xi32>
      %sub3A_1520 = arith.subi %add3A_1517, %sub3A_1519 : vector<16xi32>
      %select_n3A_1521 = arith.select %lt3A_1515, %add3A_1516, %sub3A_1520 : vector<16xi1>, vector<16xi32>
      %swap3A_1522 = arith.constant 2 : i32
      %swap3A_1523 = arith.index_cast %swap3A_1522 : i32 to index
      %swap3A_1524 = arith.constant 112 : index
      %swap3A_1525 = tpu.vector_load %arg8[%swap3A_1523, %swap3A_1524] {strides = array<i32>} : memref<4x128xi32, #tpu.memory_space<vmem>>, vector<1x16xi32>,
      %swap3A_1526 = vector.shape_cast %swap3A_1525 : vector<1x16xi32> to vector<16xi32>
      %swap3A_1527 = vector.shape_cast %select_n3A_1521 : vector<16xi32> to vector<1x16xi32>
      tpu.vector_store %arg8[%swap3A_1523, %swap3A_1524], %swap3A_1527 {strides = array<i32>} : memref<4x128xi32, #tpu.memory_space<vmem>>, vector<1x16xi32>,
      %get3A_1528 = arith.constant 384 : index
      %get3A_1529 = tpu.vector_load %arg6[%get3A_1528] {strides = array<i32>} : memref<512xi32, #tpu.memory_space<vmem>>, vector<16xi32>,
      %get3A_1530 = vector.shape_cast %get3A_1529 : vector<16xi32> to vector<16xi32>
      %lt3A_1531 = arith.constant 1 : i32
      %lt3A_1532 = vector.broadcast %lt3A_1531 : i32 to vector<16xi32>
      %lt3A_1533 = arith.cmpi slt, %get3A_1530, %lt3A_1532 : vector<16xi32>
      %sub3A_1534 = arith.constant 1 : i32
      %sub3A_1535 = vector.broadcast %sub3A_1534 : i32 to vector<16xi32>
      %sub3A_1536 = arith.subi %get3A_1530, %sub3A_1535 : vector<16xi32>
      %jit3A_1537 = arith.constant 99999 : i32
      %broadcast_in_dim3A_1538 = vector.broadcast %jit3A_1537 : i32 to vector<16xi32>
      %select_n3A_1539 = arith.select %lt3A_1533, %broadcast_in_dim3A_1538, %sub3A_1536 : vector<16xi1>, vector<16xi32>
      %lt3A_1540 = arith.constant 50000 : i32
      %lt3A_1541 = vector.broadcast %lt3A_1540 : i32 to vector<16xi32>
      %lt3A_1542 = arith.cmpi slt, %select_n3A_1539, %lt3A_1541 : vector<16xi32>
      %add3A_1543 = arith.addi %select_n3A_1539, %select_n3A_1539 : vector<16xi32>
      %add3A_1544 = arith.addi %select_n3A_1539, %select_n3A_1539 : vector<16xi32>
      %sub3A_1545 = arith.constant 99999 : i32
      %sub3A_1546 = vector.broadcast %sub3A_1545 : i32 to vector<16xi32>
      %sub3A_1547 = arith.subi %add3A_1544, %sub3A_1546 : vector<16xi32>
      %select_n3A_1548 = arith.select %lt3A_1542, %add3A_1543, %sub3A_1547 : vector<16xi1>, vector<16xi32>
      %swap3A_1549 = arith.constant 3 : i32
      %swap3A_1550 = arith.index_cast %swap3A_1549 : i32 to index
      %swap3A_1551 = arith.constant 0 : index
      %swap3A_1552 = tpu.vector_load %arg8[%swap3A_1550, %swap3A_1551] {strides = array<i32>} : memref<4x128xi32, #tpu.memory_space<vmem>>, vector<1x16xi32>,
      %swap3A_1553 = vector.shape_cast %swap3A_1552 : vector<1x16xi32> to vector<16xi32>
      %swap3A_1554 = vector.shape_cast %select_n3A_1548 : vector<16xi32> to vector<1x16xi32>
      tpu.vector_store %arg8[%swap3A_1550, %swap3A_1551], %swap3A_1554 {strides = array<i32>} : memref<4x128xi32, #tpu.memory_space<vmem>>, vector<1x16xi32>,
      %get3A_1555 = arith.constant 400 : index
      %get3A_1556 = tpu.vector_load %arg6[%get3A_1555] {strides = array<i32>} : memref<512xi32, #tpu.memory_space<vmem>>, vector<16xi32>,
      %get3A_1557 = vector.shape_cast %get3A_1556 : vector<16xi32> to vector<16xi32>
      %lt3A_1558 = arith.constant 1 : i32
      %lt3A_1559 = vector.broadcast %lt3A_1558 : i32 to vector<16xi32>
      %lt3A_1560 = arith.cmpi slt, %get3A_1557, %lt3A_1559 : vector<16xi32>
      %sub3A_1561 = arith.constant 1 : i32
      %sub3A_1562 = vector.broadcast %sub3A_1561 : i32 to vector<16xi32>
      %sub3A_1563 = arith.subi %get3A_1557, %sub3A_1562 : vector<16xi32>
      %jit3A_1564 = arith.constant 99999 : i32
      %broadcast_in_dim3A_1565 = vector.broadcast %jit3A_1564 : i32 to vector<16xi32>
      %select_n3A_1566 = arith.select %lt3A_1560, %broadcast_in_dim3A_1565, %sub3A_1563 : vector<16xi1>, vector<16xi32>
      %lt3A_1567 = arith.constant 50000 : i32
      %lt3A_1568 = vector.broadcast %lt3A_1567 : i32 to vector<16xi32>
      %lt3A_1569 = arith.cmpi slt, %select_n3A_1566, %lt3A_1568 : vector<16xi32>
      %add3A_1570 = arith.addi %select_n3A_1566, %select_n3A_1566 : vector<16xi32>
      %add3A_1571 = arith.addi %select_n3A_1566, %select_n3A_1566 : vector<16xi32>
      %sub3A_1572 = arith.constant 99999 : i32
      %sub3A_1573 = vector.broadcast %sub3A_1572 : i32 to vector<16xi32>
      %sub3A_1574 = arith.subi %add3A_1571, %sub3A_1573 : vector<16xi32>
      %select_n3A_1575 = arith.select %lt3A_1569, %add3A_1570, %sub3A_1574 : vector<16xi1>, vector<16xi32>
      %swap3A_1576 = arith.constant 3 : i32
      %swap3A_1577 = arith.index_cast %swap3A_1576 : i32 to index
      %swap3A_1578 = arith.constant 16 : index
      %swap3A_1579 = tpu.vector_load %arg8[%swap3A_1577, %swap3A_1578] {strides = array<i32>} : memref<4x128xi32, #tpu.memory_space<vmem>>, vector<1x16xi32>,
      %swap3A_1580 = vector.shape_cast %swap3A_1579 : vector<1x16xi32> to vector<16xi32>
      %swap3A_1581 = vector.shape_cast %select_n3A_1575 : vector<16xi32> to vector<1x16xi32>
      tpu.vector_store %arg8[%swap3A_1577, %swap3A_1578], %swap3A_1581 {strides = array<i32>} : memref<4x128xi32, #tpu.memory_space<vmem>>, vector<1x16xi32>,
      %get3A_1582 = arith.constant 416 : index
      %get3A_1583 = tpu.vector_load %arg6[%get3A_1582] {strides = array<i32>} : memref<512xi32, #tpu.memory_space<vmem>>, vector<16xi32>,
      %get3A_1584 = vector.shape_cast %get3A_1583 : vector<16xi32> to vector<16xi32>
      %lt3A_1585 = arith.constant 1 : i32
      %lt3A_1586 = vector.broadcast %lt3A_1585 : i32 to vector<16xi32>
      %lt3A_1587 = arith.cmpi slt, %get3A_1584, %lt3A_1586 : vector<16xi32>
      %sub3A_1588 = arith.constant 1 : i32
      %sub3A_1589 = vector.broadcast %sub3A_1588 : i32 to vector<16xi32>
      %sub3A_1590 = arith.subi %get3A_1584, %sub3A_1589 : vector<16xi32>
      %jit3A_1591 = arith.constant 99999 : i32
      %broadcast_in_dim3A_1592 = vector.broadcast %jit3A_1591 : i32 to vector<16xi32>
      %select_n3A_1593 = arith.select %lt3A_1587, %broadcast_in_dim3A_1592, %sub3A_1590 : vector<16xi1>, vector<16xi32>
      %lt3A_1594 = arith.constant 50000 : i32
      %lt3A_1595 = vector.broadcast %lt3A_1594 : i32 to vector<16xi32>
      %lt3A_1596 = arith.cmpi slt, %select_n3A_1593, %lt3A_1595 : vector<16xi32>
      %add3A_1597 = arith.addi %select_n3A_1593, %select_n3A_1593 : vector<16xi32>
      %add3A_1598 = arith.addi %select_n3A_1593, %select_n3A_1593 : vector<16xi32>
      %sub3A_1599 = arith.constant 99999 : i32
      %sub3A_1600 = vector.broadcast %sub3A_1599 : i32 to vector<16xi32>
      %sub3A_1601 = arith.subi %add3A_1598, %sub3A_1600 : vector<16xi32>
      %select_n3A_1602 = arith.select %lt3A_1596, %add3A_1597, %sub3A_1601 : vector<16xi1>, vector<16xi32>
      %swap3A_1603 = arith.constant 3 : i32
      %swap3A_1604 = arith.index_cast %swap3A_1603 : i32 to index
      %swap3A_1605 = arith.constant 32 : index
      %swap3A_1606 = tpu.vector_load %arg8[%swap3A_1604, %swap3A_1605] {strides = array<i32>} : memref<4x128xi32, #tpu.memory_space<vmem>>, vector<1x16xi32>,
      %swap3A_1607 = vector.shape_cast %swap3A_1606 : vector<1x16xi32> to vector<16xi32>
      %swap3A_1608 = vector.shape_cast %select_n3A_1602 : vector<16xi32> to vector<1x16xi32>
      tpu.vector_store %arg8[%swap3A_1604, %swap3A_1605], %swap3A_1608 {strides = array<i32>} : memref<4x128xi32, #tpu.memory_space<vmem>>, vector<1x16xi32>,
      %get3A_1609 = arith.constant 432 : index
      %get3A_1610 = tpu.vector_load %arg6[%get3A_1609] {strides = array<i32>} : memref<512xi32, #tpu.memory_space<vmem>>, vector<16xi32>,
      %get3A_1611 = vector.shape_cast %get3A_1610 : vector<16xi32> to vector<16xi32>
      %lt3A_1612 = arith.constant 1 : i32
      %lt3A_1613 = vector.broadcast %lt3A_1612 : i32 to vector<16xi32>
      %lt3A_1614 = arith.cmpi slt, %get3A_1611, %lt3A_1613 : vector<16xi32>
      %sub3A_1615 = arith.constant 1 : i32
      %sub3A_1616 = vector.broadcast %sub3A_1615 : i32 to vector<16xi32>
      %sub3A_1617 = arith.subi %get3A_1611, %sub3A_1616 : vector<16xi32>
      %jit3A_1618 = arith.constant 99999 : i32
      %broadcast_in_dim3A_1619 = vector.broadcast %jit3A_1618 : i32 to vector<16xi32>
      %select_n3A_1620 = arith.select %lt3A_1614, %broadcast_in_dim3A_1619, %sub3A_1617 : vector<16xi1>, vector<16xi32>
      %lt3A_1621 = arith.constant 50000 : i32
      %lt3A_1622 = vector.broadcast %lt3A_1621 : i32 to vector<16xi32>
      %lt3A_1623 = arith.cmpi slt, %select_n3A_1620, %lt3A_1622 : vector<16xi32>
      %add3A_1624 = arith.addi %select_n3A_1620, %select_n3A_1620 : vector<16xi32>
      %add3A_1625 = arith.addi %select_n3A_1620, %select_n3A_1620 : vector<16xi32>
      %sub3A_1626 = arith.constant 99999 : i32
      %sub3A_1627 = vector.broadcast %sub3A_1626 : i32 to vector<16xi32>
      %sub3A_1628 = arith.subi %add3A_1625, %sub3A_1627 : vector<16xi32>
      %select_n3A_1629 = arith.select %lt3A_1623, %add3A_1624, %sub3A_1628 : vector<16xi1>, vector<16xi32>
      %swap3A_1630 = arith.constant 3 : i32
      %swap3A_1631 = arith.index_cast %swap3A_1630 : i32 to index
      %swap3A_1632 = arith.constant 48 : index
      %swap3A_1633 = tpu.vector_load %arg8[%swap3A_1631, %swap3A_1632] {strides = array<i32>} : memref<4x128xi32, #tpu.memory_space<vmem>>, vector<1x16xi32>,
      %swap3A_1634 = vector.shape_cast %swap3A_1633 : vector<1x16xi32> to vector<16xi32>
      %swap3A_1635 = vector.shape_cast %select_n3A_1629 : vector<16xi32> to vector<1x16xi32>
      tpu.vector_store %arg8[%swap3A_1631, %swap3A_1632], %swap3A_1635 {strides = array<i32>} : memref<4x128xi32, #tpu.memory_space<vmem>>, vector<1x16xi32>,
      %get3A_1636 = arith.constant 448 : index
      %get3A_1637 = tpu.vector_load %arg6[%get3A_1636] {strides = array<i32>} : memref<512xi32, #tpu.memory_space<vmem>>, vector<16xi32>,
      %get3A_1638 = vector.shape_cast %get3A_1637 : vector<16xi32> to vector<16xi32>
      %lt3A_1639 = arith.constant 1 : i32
      %lt3A_1640 = vector.broadcast %lt3A_1639 : i32 to vector<16xi32>
      %lt3A_1641 = arith.cmpi slt, %get3A_1638, %lt3A_1640 : vector<16xi32>
      %sub3A_1642 = arith.constant 1 : i32
      %sub3A_1643 = vector.broadcast %sub3A_1642 : i32 to vector<16xi32>
      %sub3A_1644 = arith.subi %get3A_1638, %sub3A_1643 : vector<16xi32>
      %jit3A_1645 = arith.constant 99999 : i32
      %broadcast_in_dim3A_1646 = vector.broadcast %jit3A_1645 : i32 to vector<16xi32>
      %select_n3A_1647 = arith.select %lt3A_1641, %broadcast_in_dim3A_1646, %sub3A_1644 : vector<16xi1>, vector<16xi32>
      %lt3A_1648 = arith.constant 50000 : i32
      %lt3A_1649 = vector.broadcast %lt3A_1648 : i32 to vector<16xi32>
      %lt3A_1650 = arith.cmpi slt, %select_n3A_1647, %lt3A_1649 : vector<16xi32>
      %add3A_1651 = arith.addi %select_n3A_1647, %select_n3A_1647 : vector<16xi32>
      %add3A_1652 = arith.addi %select_n3A_1647, %select_n3A_1647 : vector<16xi32>
      %sub3A_1653 = arith.constant 99999 : i32
      %sub3A_1654 = vector.broadcast %sub3A_1653 : i32 to vector<16xi32>
      %sub3A_1655 = arith.subi %add3A_1652, %sub3A_1654 : vector<16xi32>
      %select_n3A_1656 = arith.select %lt3A_1650, %add3A_1651, %sub3A_1655 : vector<16xi1>, vector<16xi32>
      %swap3A_1657 = arith.constant 3 : i32
      %swap3A_1658 = arith.index_cast %swap3A_1657 : i32 to index
      %swap3A_1659 = arith.constant 64 : index
      %swap3A_1660 = tpu.vector_load %arg8[%swap3A_1658, %swap3A_1659] {strides = array<i32>} : memref<4x128xi32, #tpu.memory_space<vmem>>, vector<1x16xi32>,
      %swap3A_1661 = vector.shape_cast %swap3A_1660 : vector<1x16xi32> to vector<16xi32>
      %swap3A_1662 = vector.shape_cast %select_n3A_1656 : vector<16xi32> to vector<1x16xi32>
      tpu.vector_store %arg8[%swap3A_1658, %swap3A_1659], %swap3A_1662 {strides = array<i32>} : memref<4x128xi32, #tpu.memory_space<vmem>>, vector<1x16xi32>,
      %get3A_1663 = arith.constant 464 : index
      %get3A_1664 = tpu.vector_load %arg6[%get3A_1663] {strides = array<i32>} : memref<512xi32, #tpu.memory_space<vmem>>, vector<16xi32>,
      %get3A_1665 = vector.shape_cast %get3A_1664 : vector<16xi32> to vector<16xi32>
      %lt3A_1666 = arith.constant 1 : i32
      %lt3A_1667 = vector.broadcast %lt3A_1666 : i32 to vector<16xi32>
      %lt3A_1668 = arith.cmpi slt, %get3A_1665, %lt3A_1667 : vector<16xi32>
      %sub3A_1669 = arith.constant 1 : i32
      %sub3A_1670 = vector.broadcast %sub3A_1669 : i32 to vector<16xi32>
      %sub3A_1671 = arith.subi %get3A_1665, %sub3A_1670 : vector<16xi32>
      %jit3A_1672 = arith.constant 99999 : i32
      %broadcast_in_dim3A_1673 = vector.broadcast %jit3A_1672 : i32 to vector<16xi32>
      %select_n3A_1674 = arith.select %lt3A_1668, %broadcast_in_dim3A_1673, %sub3A_1671 : vector<16xi1>, vector<16xi32>
      %lt3A_1675 = arith.constant 50000 : i32
      %lt3A_1676 = vector.broadcast %lt3A_1675 : i32 to vector<16xi32>
      %lt3A_1677 = arith.cmpi slt, %select_n3A_1674, %lt3A_1676 : vector<16xi32>
      %add3A_1678 = arith.addi %select_n3A_1674, %select_n3A_1674 : vector<16xi32>
      %add3A_1679 = arith.addi %select_n3A_1674, %select_n3A_1674 : vector<16xi32>
      %sub3A_1680 = arith.constant 99999 : i32
      %sub3A_1681 = vector.broadcast %sub3A_1680 : i32 to vector<16xi32>
      %sub3A_1682 = arith.subi %add3A_1679, %sub3A_1681 : vector<16xi32>
      %select_n3A_1683 = arith.select %lt3A_1677, %add3A_1678, %sub3A_1682 : vector<16xi1>, vector<16xi32>
      %swap3A_1684 = arith.constant 3 : i32
      %swap3A_1685 = arith.index_cast %swap3A_1684 : i32 to index
      %swap3A_1686 = arith.constant 80 : index
      %swap3A_1687 = tpu.vector_load %arg8[%swap3A_1685, %swap3A_1686] {strides = array<i32>} : memref<4x128xi32, #tpu.memory_space<vmem>>, vector<1x16xi32>,
      %swap3A_1688 = vector.shape_cast %swap3A_1687 : vector<1x16xi32> to vector<16xi32>
      %swap3A_1689 = vector.shape_cast %select_n3A_1683 : vector<16xi32> to vector<1x16xi32>
      tpu.vector_store %arg8[%swap3A_1685, %swap3A_1686], %swap3A_1689 {strides = array<i32>} : memref<4x128xi32, #tpu.memory_space<vmem>>, vector<1x16xi32>,
      %get3A_1690 = arith.constant 480 : index
      %get3A_1691 = tpu.vector_load %arg6[%get3A_1690] {strides = array<i32>} : memref<512xi32, #tpu.memory_space<vmem>>, vector<16xi32>,
      %get3A_1692 = vector.shape_cast %get3A_1691 : vector<16xi32> to vector<16xi32>
      %lt3A_1693 = arith.constant 1 : i32
      %lt3A_1694 = vector.broadcast %lt3A_1693 : i32 to vector<16xi32>
      %lt3A_1695 = arith.cmpi slt, %get3A_1692, %lt3A_1694 : vector<16xi32>
      %sub3A_1696 = arith.constant 1 : i32
      %sub3A_1697 = vector.broadcast %sub3A_1696 : i32 to vector<16xi32>
      %sub3A_1698 = arith.subi %get3A_1692, %sub3A_1697 : vector<16xi32>
      %jit3A_1699 = arith.constant 99999 : i32
      %broadcast_in_dim3A_1700 = vector.broadcast %jit3A_1699 : i32 to vector<16xi32>
      %select_n3A_1701 = arith.select %lt3A_1695, %broadcast_in_dim3A_1700, %sub3A_1698 : vector<16xi1>, vector<16xi32>
      %lt3A_1702 = arith.constant 50000 : i32
      %lt3A_1703 = vector.broadcast %lt3A_1702 : i32 to vector<16xi32>
      %lt3A_1704 = arith.cmpi slt, %select_n3A_1701, %lt3A_1703 : vector<16xi32>
      %add3A_1705 = arith.addi %select_n3A_1701, %select_n3A_1701 : vector<16xi32>
      %add3A_1706 = arith.addi %select_n3A_1701, %select_n3A_1701 : vector<16xi32>
      %sub3A_1707 = arith.constant 99999 : i32
      %sub3A_1708 = vector.broadcast %sub3A_1707 : i32 to vector<16xi32>
      %sub3A_1709 = arith.subi %add3A_1706, %sub3A_1708 : vector<16xi32>
      %select_n3A_1710 = arith.select %lt3A_1704, %add3A_1705, %sub3A_1709 : vector<16xi1>, vector<16xi32>
      %swap3A_1711 = arith.constant 3 : i32
      %swap3A_1712 = arith.index_cast %swap3A_1711 : i32 to index
      %swap3A_1713 = arith.constant 96 : index
      %swap3A_1714 = tpu.vector_load %arg8[%swap3A_1712, %swap3A_1713] {strides = array<i32>} : memref<4x128xi32, #tpu.memory_space<vmem>>, vector<1x16xi32>,
      %swap3A_1715 = vector.shape_cast %swap3A_1714 : vector<1x16xi32> to vector<16xi32>
      %swap3A_1716 = vector.shape_cast %select_n3A_1710 : vector<16xi32> to vector<1x16xi32>
      tpu.vector_store %arg8[%swap3A_1712, %swap3A_1713], %swap3A_1716 {strides = array<i32>} : memref<4x128xi32, #tpu.memory_space<vmem>>, vector<1x16xi32>,
      %get3A_1717 = arith.constant 496 : index
      %get3A_1718 = tpu.vector_load %arg6[%get3A_1717] {strides = array<i32>} : memref<512xi32, #tpu.memory_space<vmem>>, vector<16xi32>,
      %get3A_1719 = vector.shape_cast %get3A_1718 : vector<16xi32> to vector<16xi32>
      %lt3A_1720 = arith.constant 1 : i32
      %lt3A_1721 = vector.broadcast %lt3A_1720 : i32 to vector<16xi32>
      %lt3A_1722 = arith.cmpi slt, %get3A_1719, %lt3A_1721 : vector<16xi32>
      %sub3A_1723 = arith.constant 1 : i32
      %sub3A_1724 = vector.broadcast %sub3A_1723 : i32 to vector<16xi32>
      %sub3A_1725 = arith.subi %get3A_1719, %sub3A_1724 : vector<16xi32>
      %jit3A_1726 = arith.constant 99999 : i32
      %broadcast_in_dim3A_1727 = vector.broadcast %jit3A_1726 : i32 to vector<16xi32>
      %select_n3A_1728 = arith.select %lt3A_1722, %broadcast_in_dim3A_1727, %sub3A_1725 : vector<16xi1>, vector<16xi32>
      %lt3A_1729 = arith.constant 50000 : i32
      %lt3A_1730 = vector.broadcast %lt3A_1729 : i32 to vector<16xi32>
      %lt3A_1731 = arith.cmpi slt, %select_n3A_1728, %lt3A_1730 : vector<16xi32>
      %add3A_1732 = arith.addi %select_n3A_1728, %select_n3A_1728 : vector<16xi32>
      %add3A_1733 = arith.addi %select_n3A_1728, %select_n3A_1728 : vector<16xi32>
      %sub3A_1734 = arith.constant 99999 : i32
      %sub3A_1735 = vector.broadcast %sub3A_1734 : i32 to vector<16xi32>
      %sub3A_1736 = arith.subi %add3A_1733, %sub3A_1735 : vector<16xi32>
      %select_n3A_1737 = arith.select %lt3A_1731, %add3A_1732, %sub3A_1736 : vector<16xi1>, vector<16xi32>
      %swap3A_1738 = arith.constant 3 : i32
      %swap3A_1739 = arith.index_cast %swap3A_1738 : i32 to index
      %swap3A_1740 = arith.constant 112 : index
      %swap3A_1741 = tpu.vector_load %arg8[%swap3A_1739, %swap3A_1740] {strides = array<i32>} : memref<4x128xi32, #tpu.memory_space<vmem>>, vector<1x16xi32>,
      %swap3A_1742 = vector.shape_cast %swap3A_1741 : vector<1x16xi32> to vector<16xi32>
      %swap3A_1743 = vector.shape_cast %select_n3A_1737 : vector<16xi32> to vector<1x16xi32>
      tpu.vector_store %arg8[%swap3A_1739, %swap3A_1740], %swap3A_1743 {strides = array<i32>} : memref<4x128xi32, #tpu.memory_space<vmem>>, vector<1x16xi32>,
      %gt3A = arith.constant 0 : i32
      %gt3A_1744 = arith.cmpi sgt, %scan3A_17, %gt3A : i32
      %convert_element_type3A = arith.extui %gt3A_1744 : i1 to i32
      %cond3A = arith.constant 0 : i32
      %cond3A_1745 = arith.cmpi ne, %convert_element_type3A, %cond3A : i32
      scf.if %cond3A_1745 {
        %dma_wait3A_1913 = arith.constant 0 : i32
        %dma_wait3A_1914 = tpu.memref_slice %arg4[%add3A_20, %dma_wait3A_1913] : memref<409600x128xf32, #tpu.memory_space<hbm>> -> memref<512x64xf32, #tpu.memory_space<hbm>>
        %dma_wait3A_1915 = arith.constant 0 : i32
        %dma_wait3A_1916 = tpu.memref_slice %arg4[%add3A_20, %dma_wait3A_1915] : memref<409600x128xf32, #tpu.memory_space<hbm>> -> memref<512x64xf32, #tpu.memory_space<hbm>>
        tpu.wait_dma2 semaphore(%arg12 : memref<!tpu.dma_semaphore, #tpu.memory_space<semaphore_mem>>) src(%arg9 : memref<512x64xf32, #tpu.memory_space<vmem>>) dst(%dma_wait3A_1916 : memref<512x64xf32, #tpu.memory_space<hbm>>)
        %dma_wait3A_1917 = arith.constant 64 : i32
        %dma_wait3A_1918 = tpu.memref_slice %arg4[%add3A_20, %dma_wait3A_1917] : memref<409600x128xf32, #tpu.memory_space<hbm>> -> memref<512x64xf32, #tpu.memory_space<hbm>>
        %dma_wait3A_1919 = arith.constant 64 : i32
        %dma_wait3A_1920 = tpu.memref_slice %arg4[%add3A_20, %dma_wait3A_1919] : memref<409600x128xf32, #tpu.memory_space<hbm>> -> memref<512x64xf32, #tpu.memory_space<hbm>>
        tpu.wait_dma2 semaphore(%arg12 : memref<!tpu.dma_semaphore, #tpu.memory_space<semaphore_mem>>) src(%arg10 : memref<512x64xf32, #tpu.memory_space<vmem>>) dst(%dma_wait3A_1920 : memref<512x64xf32, #tpu.memory_space<hbm>>)
      } else {
      }
      %dma_start3A = arith.constant 0 : i32
      %dma_start3A_1746 = arith.constant 0 : i32
      %dma_start3A_1747 = arith.constant 0 : i32
      %dma_start3A_1748 = tpu.memref_slice %arg9[%dma_start3A_1746, %dma_start3A_1747] : memref<512x64xf32, #tpu.memory_space<vmem>> -> memref<128x64xf32, #tpu.memory_space<vmem>>
      %dma_start3A_1749 = arith.constant 0 : i32
      %dma_start3A_1750 = tpu.memref_slice %arg7[%dma_start3A, %dma_start3A_1749] : memref<4x128xi32, #tpu.memory_space<vmem>> -> memref<1x128xi32, #tpu.memory_space<vmem>>
      %dma_start3A_1751 = tpu.memref_squeeze %dma_start3A_1750 : memref<1x128xi32, #tpu.memory_space<vmem>> -> memref<128xi32, #tpu.memory_space<vmem>>
      %dma_start3A_1752 = arith.constant 0 : i32
      %dma_start3A_1753 = arith.constant 0 : i32
      %dma_start3A_1754 = tpu.memref_slice %arg2[%dma_start3A_1752, %dma_start3A_1753] : memref<100000x64xf32, #tpu.memory_space<hbm>> -> memref<100000x64xf32, #tpu.memory_space<hbm>>
      tpu.enqueue_indirect_dma source(%dma_start3A_1754 : memref<100000x64xf32, #tpu.memory_space<hbm>>) target(%dma_start3A_1748 : memref<128x64xf32, #tpu.memory_space<vmem>>) offsets(%dma_start3A_1751 : memref<128xi32, #tpu.memory_space<vmem>>) semaphore(%arg11 : memref<!tpu.dma_semaphore, #tpu.memory_space<semaphore_mem>>)
      %dma_start3A_1755 = arith.constant 0 : i32
      %dma_start3A_1756 = arith.constant 0 : i32
      %dma_start3A_1757 = arith.constant 0 : i32
      %dma_start3A_1758 = tpu.memref_slice %arg10[%dma_start3A_1756, %dma_start3A_1757] : memref<512x64xf32, #tpu.memory_space<vmem>> -> memref<128x64xf32, #tpu.memory_space<vmem>>
      %dma_start3A_1759 = arith.constant 0 : i32
      %dma_start3A_1760 = tpu.memref_slice %arg8[%dma_start3A_1755, %dma_start3A_1759] : memref<4x128xi32, #tpu.memory_space<vmem>> -> memref<1x128xi32, #tpu.memory_space<vmem>>
      %dma_start3A_1761 = tpu.memref_squeeze %dma_start3A_1760 : memref<1x128xi32, #tpu.memory_space<vmem>> -> memref<128xi32, #tpu.memory_space<vmem>>
      %dma_start3A_1762 = arith.constant 0 : i32
      %dma_start3A_1763 = arith.constant 0 : i32
      %dma_start3A_1764 = tpu.memref_slice %arg2[%dma_start3A_1762, %dma_start3A_1763] : memref<100000x64xf32, #tpu.memory_space<hbm>> -> memref<100000x64xf32, #tpu.memory_space<hbm>>
      tpu.enqueue_indirect_dma source(%dma_start3A_1764 : memref<100000x64xf32, #tpu.memory_space<hbm>>) target(%dma_start3A_1758 : memref<128x64xf32, #tpu.memory_space<vmem>>) offsets(%dma_start3A_1761 : memref<128xi32, #tpu.memory_space<vmem>>) semaphore(%arg11 : memref<!tpu.dma_semaphore, #tpu.memory_space<semaphore_mem>>)
      %dma_start3A_1765 = arith.constant 1 : i32
      %dma_start3A_1766 = arith.constant 128 : i32
      %dma_start3A_1767 = arith.constant 0 : i32
      %dma_start3A_1768 = tpu.memref_slice %arg9[%dma_start3A_1766, %dma_start3A_1767] : memref<512x64xf32, #tpu.memory_space<vmem>> -> memref<128x64xf32, #tpu.memory_space<vmem>>
      %dma_start3A_1769 = arith.constant 0 : i32
      %dma_start3A_1770 = tpu.memref_slice %arg7[%dma_start3A_1765, %dma_start3A_1769] : memref<4x128xi32, #tpu.memory_space<vmem>> -> memref<1x128xi32, #tpu.memory_space<vmem>>
      %dma_start3A_1771 = tpu.memref_squeeze %dma_start3A_1770 : memref<1x128xi32, #tpu.memory_space<vmem>> -> memref<128xi32, #tpu.memory_space<vmem>>
      %dma_start3A_1772 = arith.constant 0 : i32
      %dma_start3A_1773 = arith.constant 0 : i32
      %dma_start3A_1774 = tpu.memref_slice %arg2[%dma_start3A_1772, %dma_start3A_1773] : memref<100000x64xf32, #tpu.memory_space<hbm>> -> memref<100000x64xf32, #tpu.memory_space<hbm>>
      tpu.enqueue_indirect_dma source(%dma_start3A_1774 : memref<100000x64xf32, #tpu.memory_space<hbm>>) target(%dma_start3A_1768 : memref<128x64xf32, #tpu.memory_space<vmem>>) offsets(%dma_start3A_1771 : memref<128xi32, #tpu.memory_space<vmem>>) semaphore(%arg11 : memref<!tpu.dma_semaphore, #tpu.memory_space<semaphore_mem>>)
      %dma_start3A_1775 = arith.constant 1 : i32
      %dma_start3A_1776 = arith.constant 128 : i32
      %dma_start3A_1777 = arith.constant 0 : i32
      %dma_start3A_1778 = tpu.memref_slice %arg10[%dma_start3A_1776, %dma_start3A_1777] : memref<512x64xf32, #tpu.memory_space<vmem>> -> memref<128x64xf32, #tpu.memory_space<vmem>>
      %dma_start3A_1779 = arith.constant 0 : i32
      %dma_start3A_1780 = tpu.memref_slice %arg8[%dma_start3A_1775, %dma_start3A_1779] : memref<4x128xi32, #tpu.memory_space<vmem>> -> memref<1x128xi32, #tpu.memory_space<vmem>>
      %dma_start3A_1781 = tpu.memref_squeeze %dma_start3A_1780 : memref<1x128xi32, #tpu.memory_space<vmem>> -> memref<128xi32, #tpu.memory_space<vmem>>
      %dma_start3A_1782 = arith.constant 0 : i32
      %dma_start3A_1783 = arith.constant 0 : i32
      %dma_start3A_1784 = tpu.memref_slice %arg2[%dma_start3A_1782, %dma_start3A_1783] : memref<100000x64xf32, #tpu.memory_space<hbm>> -> memref<100000x64xf32, #tpu.memory_space<hbm>>
      tpu.enqueue_indirect_dma source(%dma_start3A_1784 : memref<100000x64xf32, #tpu.memory_space<hbm>>) target(%dma_start3A_1778 : memref<128x64xf32, #tpu.memory_space<vmem>>) offsets(%dma_start3A_1781 : memref<128xi32, #tpu.memory_space<vmem>>) semaphore(%arg11 : memref<!tpu.dma_semaphore, #tpu.memory_space<semaphore_mem>>)
      %dma_start3A_1785 = arith.constant 2 : i32
      %dma_start3A_1786 = arith.constant 256 : i32
      %dma_start3A_1787 = arith.constant 0 : i32
      %dma_start3A_1788 = tpu.memref_slice %arg9[%dma_start3A_1786, %dma_start3A_1787] : memref<512x64xf32, #tpu.memory_space<vmem>> -> memref<128x64xf32, #tpu.memory_space<vmem>>
      %dma_start3A_1789 = arith.constant 0 : i32
      %dma_start3A_1790 = tpu.memref_slice %arg7[%dma_start3A_1785, %dma_start3A_1789] : memref<4x128xi32, #tpu.memory_space<vmem>> -> memref<1x128xi32, #tpu.memory_space<vmem>>
      %dma_start3A_1791 = tpu.memref_squeeze %dma_start3A_1790 : memref<1x128xi32, #tpu.memory_space<vmem>> -> memref<128xi32, #tpu.memory_space<vmem>>
      %dma_start3A_1792 = arith.constant 0 : i32
      %dma_start3A_1793 = arith.constant 0 : i32
      %dma_start3A_1794 = tpu.memref_slice %arg2[%dma_start3A_1792, %dma_start3A_1793] : memref<100000x64xf32, #tpu.memory_space<hbm>> -> memref<100000x64xf32, #tpu.memory_space<hbm>>
      tpu.enqueue_indirect_dma source(%dma_start3A_1794 : memref<100000x64xf32, #tpu.memory_space<hbm>>) target(%dma_start3A_1788 : memref<128x64xf32, #tpu.memory_space<vmem>>) offsets(%dma_start3A_1791 : memref<128xi32, #tpu.memory_space<vmem>>) semaphore(%arg11 : memref<!tpu.dma_semaphore, #tpu.memory_space<semaphore_mem>>)
      %dma_start3A_1795 = arith.constant 2 : i32
      %dma_start3A_1796 = arith.constant 256 : i32
      %dma_start3A_1797 = arith.constant 0 : i32
      %dma_start3A_1798 = tpu.memref_slice %arg10[%dma_start3A_1796, %dma_start3A_1797] : memref<512x64xf32, #tpu.memory_space<vmem>> -> memref<128x64xf32, #tpu.memory_space<vmem>>
      %dma_start3A_1799 = arith.constant 0 : i32
      %dma_start3A_1800 = tpu.memref_slice %arg8[%dma_start3A_1795, %dma_start3A_1799] : memref<4x128xi32, #tpu.memory_space<vmem>> -> memref<1x128xi32, #tpu.memory_space<vmem>>
      %dma_start3A_1801 = tpu.memref_squeeze %dma_start3A_1800 : memref<1x128xi32, #tpu.memory_space<vmem>> -> memref<128xi32, #tpu.memory_space<vmem>>
      %dma_start3A_1802 = arith.constant 0 : i32
      %dma_start3A_1803 = arith.constant 0 : i32
      %dma_start3A_1804 = tpu.memref_slice %arg2[%dma_start3A_1802, %dma_start3A_1803] : memref<100000x64xf32, #tpu.memory_space<hbm>> -> memref<100000x64xf32, #tpu.memory_space<hbm>>
      tpu.enqueue_indirect_dma source(%dma_start3A_1804 : memref<100000x64xf32, #tpu.memory_space<hbm>>) target(%dma_start3A_1798 : memref<128x64xf32, #tpu.memory_space<vmem>>) offsets(%dma_start3A_1801 : memref<128xi32, #tpu.memory_space<vmem>>) semaphore(%arg11 : memref<!tpu.dma_semaphore, #tpu.memory_space<semaphore_mem>>)
      %dma_start3A_1805 = arith.constant 3 : i32
      %dma_start3A_1806 = arith.constant 384 : i32
      %dma_start3A_1807 = arith.constant 0 : i32
      %dma_start3A_1808 = tpu.memref_slice %arg9[%dma_start3A_1806, %dma_start3A_1807] : memref<512x64xf32, #tpu.memory_space<vmem>> -> memref<128x64xf32, #tpu.memory_space<vmem>>
      %dma_start3A_1809 = arith.constant 0 : i32
      %dma_start3A_1810 = tpu.memref_slice %arg7[%dma_start3A_1805, %dma_start3A_1809] : memref<4x128xi32, #tpu.memory_space<vmem>> -> memref<1x128xi32, #tpu.memory_space<vmem>>
      %dma_start3A_1811 = tpu.memref_squeeze %dma_start3A_1810 : memref<1x128xi32, #tpu.memory_space<vmem>> -> memref<128xi32, #tpu.memory_space<vmem>>
      %dma_start3A_1812 = arith.constant 0 : i32
      %dma_start3A_1813 = arith.constant 0 : i32
      %dma_start3A_1814 = tpu.memref_slice %arg2[%dma_start3A_1812, %dma_start3A_1813] : memref<100000x64xf32, #tpu.memory_space<hbm>> -> memref<100000x64xf32, #tpu.memory_space<hbm>>
      tpu.enqueue_indirect_dma source(%dma_start3A_1814 : memref<100000x64xf32, #tpu.memory_space<hbm>>) target(%dma_start3A_1808 : memref<128x64xf32, #tpu.memory_space<vmem>>) offsets(%dma_start3A_1811 : memref<128xi32, #tpu.memory_space<vmem>>) semaphore(%arg11 : memref<!tpu.dma_semaphore, #tpu.memory_space<semaphore_mem>>)
      %dma_start3A_1815 = arith.constant 3 : i32
      %dma_start3A_1816 = arith.constant 384 : i32
      %dma_start3A_1817 = arith.constant 0 : i32
      %dma_start3A_1818 = tpu.memref_slice %arg10[%dma_start3A_1816, %dma_start3A_1817] : memref<512x64xf32, #tpu.memory_space<vmem>> -> memref<128x64xf32, #tpu.memory_space<vmem>>
      %dma_start3A_1819 = arith.constant 0 : i32
      %dma_start3A_1820 = tpu.memref_slice %arg8[%dma_start3A_1815, %dma_start3A_1819] : memref<4x128xi32, #tpu.memory_space<vmem>> -> memref<1x128xi32, #tpu.memory_space<vmem>>
      %dma_start3A_1821 = tpu.memref_squeeze %dma_start3A_1820 : memref<1x128xi32, #tpu.memory_space<vmem>> -> memref<128xi32, #tpu.memory_space<vmem>>
      %dma_start3A_1822 = arith.constant 0 : i32
      %dma_start3A_1823 = arith.constant 0 : i32
      %dma_start3A_1824 = tpu.memref_slice %arg2[%dma_start3A_1822, %dma_start3A_1823] : memref<100000x64xf32, #tpu.memory_space<hbm>> -> memref<100000x64xf32, #tpu.memory_space<hbm>>
      tpu.enqueue_indirect_dma source(%dma_start3A_1824 : memref<100000x64xf32, #tpu.memory_space<hbm>>) target(%dma_start3A_1818 : memref<128x64xf32, #tpu.memory_space<vmem>>) offsets(%dma_start3A_1821 : memref<128xi32, #tpu.memory_space<vmem>>) semaphore(%arg11 : memref<!tpu.dma_semaphore, #tpu.memory_space<semaphore_mem>>)
      %dma_wait3A_1825 = arith.constant 0 : i32
      %dma_wait3A_1826 = arith.constant 0 : i32
      %dma_wait3A_1827 = arith.constant 0 : i32
      %dma_wait3A_1828 = tpu.memref_slice %arg9[%dma_wait3A_1826, %dma_wait3A_1827] : memref<512x64xf32, #tpu.memory_space<vmem>> -> memref<128x64xf32, #tpu.memory_space<vmem>>
      %dma_wait3A_1829 = arith.constant 0 : i32
      %dma_wait3A_1830 = tpu.memref_slice %arg7[%dma_wait3A_1825, %dma_wait3A_1829] : memref<4x128xi32, #tpu.memory_space<vmem>> -> memref<1x128xi32, #tpu.memory_space<vmem>>
      %dma_wait3A_1831 = tpu.memref_squeeze %dma_wait3A_1830 : memref<1x128xi32, #tpu.memory_space<vmem>> -> memref<128xi32, #tpu.memory_space<vmem>>
      %dma_wait3A_1832 = arith.constant 0 : i32
      %dma_wait3A_1833 = arith.constant 0 : i32
      %dma_wait3A_1834 = tpu.memref_slice %arg2[%dma_wait3A_1832, %dma_wait3A_1833] : memref<100000x64xf32, #tpu.memory_space<hbm>> -> memref<100000x64xf32, #tpu.memory_space<hbm>>
      tpu.wait_indirect_dma semaphore(%arg11 : memref<!tpu.dma_semaphore, #tpu.memory_space<semaphore_mem>>) src(%dma_wait3A_1834 : memref<100000x64xf32, #tpu.memory_space<hbm>>) dst(%dma_wait3A_1828 : memref<128x64xf32, #tpu.memory_space<vmem>>)
      %dma_wait3A_1835 = arith.constant 0 : i32
      %dma_wait3A_1836 = arith.constant 0 : i32
      %dma_wait3A_1837 = arith.constant 0 : i32
      %dma_wait3A_1838 = tpu.memref_slice %arg10[%dma_wait3A_1836, %dma_wait3A_1837] : memref<512x64xf32, #tpu.memory_space<vmem>> -> memref<128x64xf32, #tpu.memory_space<vmem>>
      %dma_wait3A_1839 = arith.constant 0 : i32
      %dma_wait3A_1840 = tpu.memref_slice %arg8[%dma_wait3A_1835, %dma_wait3A_1839] : memref<4x128xi32, #tpu.memory_space<vmem>> -> memref<1x128xi32, #tpu.memory_space<vmem>>
      %dma_wait3A_1841 = tpu.memref_squeeze %dma_wait3A_1840 : memref<1x128xi32, #tpu.memory_space<vmem>> -> memref<128xi32, #tpu.memory_space<vmem>>
      %dma_wait3A_1842 = arith.constant 0 : i32
      %dma_wait3A_1843 = arith.constant 0 : i32
      %dma_wait3A_1844 = tpu.memref_slice %arg2[%dma_wait3A_1842, %dma_wait3A_1843] : memref<100000x64xf32, #tpu.memory_space<hbm>> -> memref<100000x64xf32, #tpu.memory_space<hbm>>
      tpu.wait_indirect_dma semaphore(%arg11 : memref<!tpu.dma_semaphore, #tpu.memory_space<semaphore_mem>>) src(%dma_wait3A_1844 : memref<100000x64xf32, #tpu.memory_space<hbm>>) dst(%dma_wait3A_1838 : memref<128x64xf32, #tpu.memory_space<vmem>>)
      %dma_wait3A_1845 = arith.constant 1 : i32
      %dma_wait3A_1846 = arith.constant 128 : i32
      %dma_wait3A_1847 = arith.constant 0 : i32
      %dma_wait3A_1848 = tpu.memref_slice %arg9[%dma_wait3A_1846, %dma_wait3A_1847] : memref<512x64xf32, #tpu.memory_space<vmem>> -> memref<128x64xf32, #tpu.memory_space<vmem>>
      %dma_wait3A_1849 = arith.constant 0 : i32
      %dma_wait3A_1850 = tpu.memref_slice %arg7[%dma_wait3A_1845, %dma_wait3A_1849] : memref<4x128xi32, #tpu.memory_space<vmem>> -> memref<1x128xi32, #tpu.memory_space<vmem>>
      %dma_wait3A_1851 = tpu.memref_squeeze %dma_wait3A_1850 : memref<1x128xi32, #tpu.memory_space<vmem>> -> memref<128xi32, #tpu.memory_space<vmem>>
      %dma_wait3A_1852 = arith.constant 0 : i32
      %dma_wait3A_1853 = arith.constant 0 : i32
      %dma_wait3A_1854 = tpu.memref_slice %arg2[%dma_wait3A_1852, %dma_wait3A_1853] : memref<100000x64xf32, #tpu.memory_space<hbm>> -> memref<100000x64xf32, #tpu.memory_space<hbm>>
      tpu.wait_indirect_dma semaphore(%arg11 : memref<!tpu.dma_semaphore, #tpu.memory_space<semaphore_mem>>) src(%dma_wait3A_1854 : memref<100000x64xf32, #tpu.memory_space<hbm>>) dst(%dma_wait3A_1848 : memref<128x64xf32, #tpu.memory_space<vmem>>)
      %dma_wait3A_1855 = arith.constant 1 : i32
      %dma_wait3A_1856 = arith.constant 128 : i32
      %dma_wait3A_1857 = arith.constant 0 : i32
      %dma_wait3A_1858 = tpu.memref_slice %arg10[%dma_wait3A_1856, %dma_wait3A_1857] : memref<512x64xf32, #tpu.memory_space<vmem>> -> memref<128x64xf32, #tpu.memory_space<vmem>>
      %dma_wait3A_1859 = arith.constant 0 : i32
      %dma_wait3A_1860 = tpu.memref_slice %arg8[%dma_wait3A_1855, %dma_wait3A_1859] : memref<4x128xi32, #tpu.memory_space<vmem>> -> memref<1x128xi32, #tpu.memory_space<vmem>>
      %dma_wait3A_1861 = tpu.memref_squeeze %dma_wait3A_1860 : memref<1x128xi32, #tpu.memory_space<vmem>> -> memref<128xi32, #tpu.memory_space<vmem>>
      %dma_wait3A_1862 = arith.constant 0 : i32
      %dma_wait3A_1863 = arith.constant 0 : i32
      %dma_wait3A_1864 = tpu.memref_slice %arg2[%dma_wait3A_1862, %dma_wait3A_1863] : memref<100000x64xf32, #tpu.memory_space<hbm>> -> memref<100000x64xf32, #tpu.memory_space<hbm>>
      tpu.wait_indirect_dma semaphore(%arg11 : memref<!tpu.dma_semaphore, #tpu.memory_space<semaphore_mem>>) src(%dma_wait3A_1864 : memref<100000x64xf32, #tpu.memory_space<hbm>>) dst(%dma_wait3A_1858 : memref<128x64xf32, #tpu.memory_space<vmem>>)
      %dma_wait3A_1865 = arith.constant 2 : i32
      %dma_wait3A_1866 = arith.constant 256 : i32
      %dma_wait3A_1867 = arith.constant 0 : i32
      %dma_wait3A_1868 = tpu.memref_slice %arg9[%dma_wait3A_1866, %dma_wait3A_1867] : memref<512x64xf32, #tpu.memory_space<vmem>> -> memref<128x64xf32, #tpu.memory_space<vmem>>
      %dma_wait3A_1869 = arith.constant 0 : i32
      %dma_wait3A_1870 = tpu.memref_slice %arg7[%dma_wait3A_1865, %dma_wait3A_1869] : memref<4x128xi32, #tpu.memory_space<vmem>> -> memref<1x128xi32, #tpu.memory_space<vmem>>
      %dma_wait3A_1871 = tpu.memref_squeeze %dma_wait3A_1870 : memref<1x128xi32, #tpu.memory_space<vmem>> -> memref<128xi32, #tpu.memory_space<vmem>>
      %dma_wait3A_1872 = arith.constant 0 : i32
      %dma_wait3A_1873 = arith.constant 0 : i32
      %dma_wait3A_1874 = tpu.memref_slice %arg2[%dma_wait3A_1872, %dma_wait3A_1873] : memref<100000x64xf32, #tpu.memory_space<hbm>> -> memref<100000x64xf32, #tpu.memory_space<hbm>>
      tpu.wait_indirect_dma semaphore(%arg11 : memref<!tpu.dma_semaphore, #tpu.memory_space<semaphore_mem>>) src(%dma_wait3A_1874 : memref<100000x64xf32, #tpu.memory_space<hbm>>) dst(%dma_wait3A_1868 : memref<128x64xf32, #tpu.memory_space<vmem>>)
      %dma_wait3A_1875 = arith.constant 2 : i32
      %dma_wait3A_1876 = arith.constant 256 : i32
      %dma_wait3A_1877 = arith.constant 0 : i32
      %dma_wait3A_1878 = tpu.memref_slice %arg10[%dma_wait3A_1876, %dma_wait3A_1877] : memref<512x64xf32, #tpu.memory_space<vmem>> -> memref<128x64xf32, #tpu.memory_space<vmem>>
      %dma_wait3A_1879 = arith.constant 0 : i32
      %dma_wait3A_1880 = tpu.memref_slice %arg8[%dma_wait3A_1875, %dma_wait3A_1879] : memref<4x128xi32, #tpu.memory_space<vmem>> -> memref<1x128xi32, #tpu.memory_space<vmem>>
      %dma_wait3A_1881 = tpu.memref_squeeze %dma_wait3A_1880 : memref<1x128xi32, #tpu.memory_space<vmem>> -> memref<128xi32, #tpu.memory_space<vmem>>
      %dma_wait3A_1882 = arith.constant 0 : i32
      %dma_wait3A_1883 = arith.constant 0 : i32
      %dma_wait3A_1884 = tpu.memref_slice %arg2[%dma_wait3A_1882, %dma_wait3A_1883] : memref<100000x64xf32, #tpu.memory_space<hbm>> -> memref<100000x64xf32, #tpu.memory_space<hbm>>
      tpu.wait_indirect_dma semaphore(%arg11 : memref<!tpu.dma_semaphore, #tpu.memory_space<semaphore_mem>>) src(%dma_wait3A_1884 : memref<100000x64xf32, #tpu.memory_space<hbm>>) dst(%dma_wait3A_1878 : memref<128x64xf32, #tpu.memory_space<vmem>>)
      %dma_wait3A_1885 = arith.constant 3 : i32
      %dma_wait3A_1886 = arith.constant 384 : i32
      %dma_wait3A_1887 = arith.constant 0 : i32
      %dma_wait3A_1888 = tpu.memref_slice %arg9[%dma_wait3A_1886, %dma_wait3A_1887] : memref<512x64xf32, #tpu.memory_space<vmem>> -> memref<128x64xf32, #tpu.memory_space<vmem>>
      %dma_wait3A_1889 = arith.constant 0 : i32
      %dma_wait3A_1890 = tpu.memref_slice %arg7[%dma_wait3A_1885, %dma_wait3A_1889] : memref<4x128xi32, #tpu.memory_space<vmem>> -> memref<1x128xi32, #tpu.memory_space<vmem>>
      %dma_wait3A_1891 = tpu.memref_squeeze %dma_wait3A_1890 : memref<1x128xi32, #tpu.memory_space<vmem>> -> memref<128xi32, #tpu.memory_space<vmem>>
      %dma_wait3A_1892 = arith.constant 0 : i32
      %dma_wait3A_1893 = arith.constant 0 : i32
      %dma_wait3A_1894 = tpu.memref_slice %arg2[%dma_wait3A_1892, %dma_wait3A_1893] : memref<100000x64xf32, #tpu.memory_space<hbm>> -> memref<100000x64xf32, #tpu.memory_space<hbm>>
      tpu.wait_indirect_dma semaphore(%arg11 : memref<!tpu.dma_semaphore, #tpu.memory_space<semaphore_mem>>) src(%dma_wait3A_1894 : memref<100000x64xf32, #tpu.memory_space<hbm>>) dst(%dma_wait3A_1888 : memref<128x64xf32, #tpu.memory_space<vmem>>)
      %dma_wait3A_1895 = arith.constant 3 : i32
      %dma_wait3A_1896 = arith.constant 384 : i32
      %dma_wait3A_1897 = arith.constant 0 : i32
      %dma_wait3A_1898 = tpu.memref_slice %arg10[%dma_wait3A_1896, %dma_wait3A_1897] : memref<512x64xf32, #tpu.memory_space<vmem>> -> memref<128x64xf32, #tpu.memory_space<vmem>>
      %dma_wait3A_1899 = arith.constant 0 : i32
      %dma_wait3A_1900 = tpu.memref_slice %arg8[%dma_wait3A_1895, %dma_wait3A_1899] : memref<4x128xi32, #tpu.memory_space<vmem>> -> memref<1x128xi32, #tpu.memory_space<vmem>>
      %dma_wait3A_1901 = tpu.memref_squeeze %dma_wait3A_1900 : memref<1x128xi32, #tpu.memory_space<vmem>> -> memref<128xi32, #tpu.memory_space<vmem>>
      %dma_wait3A_1902 = arith.constant 0 : i32
      %dma_wait3A_1903 = arith.constant 0 : i32
      %dma_wait3A_1904 = tpu.memref_slice %arg2[%dma_wait3A_1902, %dma_wait3A_1903] : memref<100000x64xf32, #tpu.memory_space<hbm>> -> memref<100000x64xf32, #tpu.memory_space<hbm>>
      tpu.wait_indirect_dma semaphore(%arg11 : memref<!tpu.dma_semaphore, #tpu.memory_space<semaphore_mem>>) src(%dma_wait3A_1904 : memref<100000x64xf32, #tpu.memory_space<hbm>>) dst(%dma_wait3A_1898 : memref<128x64xf32, #tpu.memory_space<vmem>>)
      %dma_start3A_1905 = arith.constant 0 : i32
      %dma_start3A_1906 = tpu.memref_slice %arg4[%add3A_20, %dma_start3A_1905] : memref<409600x128xf32, #tpu.memory_space<hbm>> -> memref<512x64xf32, #tpu.memory_space<hbm>>
      %dma_start3A_1907 = arith.constant 0 : i32
      %dma_start3A_1908 = tpu.memref_slice %arg4[%add3A_20, %dma_start3A_1907] : memref<409600x128xf32, #tpu.memory_space<hbm>> -> memref<512x64xf32, #tpu.memory_space<hbm>>
      tpu.enqueue_dma source(%arg9 : memref<512x64xf32, #tpu.memory_space<vmem>>) target(%dma_start3A_1908 : memref<512x64xf32, #tpu.memory_space<hbm>>) target_semaphore(%arg12 : memref<!tpu.dma_semaphore, #tpu.memory_space<semaphore_mem>>)
      %dma_start3A_1909 = arith.constant 64 : i32
      %dma_start3A_1910 = tpu.memref_slice %arg4[%add3A_20, %dma_start3A_1909] : memref<409600x128xf32, #tpu.memory_space<hbm>> -> memref<512x64xf32, #tpu.memory_space<hbm>>
      %dma_start3A_1911 = arith.constant 64 : i32
      %dma_start3A_1912 = tpu.memref_slice %arg4[%add3A_20, %dma_start3A_1911] : memref<409600x128xf32, #tpu.memory_space<hbm>> -> memref<512x64xf32, #tpu.memory_space<hbm>>
      tpu.enqueue_dma source(%arg10 : memref<512x64xf32, #tpu.memory_space<vmem>>) target(%dma_start3A_1912 : memref<512x64xf32, #tpu.memory_space<hbm>>) target_semaphore(%arg12 : memref<!tpu.dma_semaphore, #tpu.memory_space<semaphore_mem>>)
    }
    %scan3A_7 = arith.constant 25 : i32
    %add3A_8 = arith.constant 12288 : i32
    %add3A_9 = arith.addi %mul3A_2, %add3A_8 : i32
    %dma_wait3A = arith.constant 0 : i32
    %dma_wait3A_10 = tpu.memref_slice %arg4[%add3A_9, %dma_wait3A] : memref<409600x128xf32, #tpu.memory_space<hbm>> -> memref<512x64xf32, #tpu.memory_space<hbm>>
    %dma_wait3A_11 = arith.constant 0 : i32
    %dma_wait3A_12 = tpu.memref_slice %arg4[%add3A_9, %dma_wait3A_11] : memref<409600x128xf32, #tpu.memory_space<hbm>> -> memref<512x64xf32, #tpu.memory_space<hbm>>
    tpu.wait_dma2 semaphore(%arg12 : memref<!tpu.dma_semaphore, #tpu.memory_space<semaphore_mem>>) src(%arg9 : memref<512x64xf32, #tpu.memory_space<vmem>>) dst(%dma_wait3A_12 : memref<512x64xf32, #tpu.memory_space<hbm>>)
    %dma_wait3A_13 = arith.constant 64 : i32
    %dma_wait3A_14 = tpu.memref_slice %arg4[%add3A_9, %dma_wait3A_13] : memref<409600x128xf32, #tpu.memory_space<hbm>> -> memref<512x64xf32, #tpu.memory_space<hbm>>
    %dma_wait3A_15 = arith.constant 64 : i32
    %dma_wait3A_16 = tpu.memref_slice %arg4[%add3A_9, %dma_wait3A_15] : memref<409600x128xf32, #tpu.memory_space<hbm>> -> memref<512x64xf32, #tpu.memory_space<hbm>>
    tpu.wait_dma2 semaphore(%arg12 : memref<!tpu.dma_semaphore, #tpu.memory_space<semaphore_mem>>) src(%arg10 : memref<512x64xf32, #tpu.memory_space<vmem>>) dst(%dma_wait3A_16 : memref<512x64xf32, #tpu.memory_space<hbm>>)
    return
  }
}

module attributes {stable_mosaic.version = 14 : i64} {
  func.func @body(%arg0: i32, %arg1: memref<2000x64xf32, #tpu.memory_space<vmem>>, %arg2: memref<2000x64xf32, #tpu.memory_space<vmem>>, %arg3: memref<64x64xf32, #tpu.memory_space<vmem>>, %arg4: memref<1x64xf32, #tpu.memory_space<vmem>>, %arg5: memref<1x64xf32, #tpu.memory_space<vmem>>, %arg6: memref<2000x128xf32, #tpu.memory_space<vmem>>) attributes {dimension_semantics = [#tpu.dimension_semantics<arbitrary>], iteration_bounds = array<i64: 25>, scalar_prefetch = 0 : i64, scratch_operands = 0 : i64, tpu.core_type = #tpu.core_type<tc>, window_params = [{transform_indices = @transform_0, window_bounds = array<i64: 2000, 64>}, {transform_indices = @transform_1, window_bounds = array<i64: 2000, 64>}, {pipeline_mode = #tpu.pipeline_mode<synchronous>, transform_indices = @transform_2, window_bounds = array<i64: 64, 64>}, {pipeline_mode = #tpu.pipeline_mode<synchronous>, transform_indices = @transform_3, window_bounds = array<i64: 1, 64>}, {pipeline_mode = #tpu.pipeline_mode<synchronous>, transform_indices = @transform_4, window_bounds = array<i64: 1, 64>}, {transform_indices = @transform_5, window_bounds = array<i64: 2000, 128>}]} {
    %get3A = arith.constant 0 : index
    %get3A_0 = arith.constant 0 : index
    %get3A_1 = vector.load %arg1[%get3A, %get3A_0] : memref<2000x64xf32, #tpu.memory_space<vmem>>, vector<2000x64xf32>
    %get3A_2 = arith.constant 0 : index
    %get3A_3 = arith.constant 0 : index
    %get3A_4 = vector.load %arg3[%get3A_2, %get3A_3] : memref<64x64xf32, #tpu.memory_space<vmem>>, vector<64x64xf32>
    %dot_general3A = arith.constant dense<0.000000e+00> : vector<2000x64xf32>
    %dot_general3A_5 = tpu.matmul %get3A_1, %get3A_4, %dot_general3A {dimension_numbers = #tpu.dot_dimension_numbers<[1], [1], [0], [0], [0, 0, 1, 0], [], []>, transpose_lhs_hint = false} : vector<2000x64xf32>, vector<64x64xf32>, vector<2000x64xf32> -> vector<2000x64xf32>
    %get3A_6 = arith.constant 0 : index
    %get3A_7 = arith.constant 0 : index
    %get3A_8 = vector.load %arg2[%get3A_6, %get3A_7] : memref<2000x64xf32, #tpu.memory_space<vmem>>, vector<2000x64xf32>
    %get3A_9 = arith.constant 0 : index
    %get3A_10 = arith.constant 0 : index
    %get3A_11 = vector.load %arg3[%get3A_9, %get3A_10] : memref<64x64xf32, #tpu.memory_space<vmem>>, vector<64x64xf32>
    %dot_general3A_12 = arith.constant dense<0.000000e+00> : vector<2000x64xf32>
    %dot_general3A_13 = tpu.matmul %get3A_8, %get3A_11, %dot_general3A_12 {dimension_numbers = #tpu.dot_dimension_numbers<[1], [1], [0], [0], [0, 0, 1, 0], [], []>, transpose_lhs_hint = false} : vector<2000x64xf32>, vector<64x64xf32>, vector<2000x64xf32> -> vector<2000x64xf32>
    %get3A_14 = arith.constant 0 : index
    %get3A_15 = arith.constant 0 : index
    %get3A_16 = vector.load %arg4[%get3A_14, %get3A_15] : memref<1x64xf32, #tpu.memory_space<vmem>>, vector<1x64xf32>
    %add3A = vector.broadcast %get3A_16 : vector<1x64xf32> to vector<2000x64xf32>
    %add3A_17 = arith.addf %dot_general3A_5, %add3A : vector<2000x64xf32>
    %swap3A = arith.constant 0 : index
    %swap3A_18 = arith.constant 0 : index
    %swap3A_19 = vector.load %arg6[%swap3A, %swap3A_18] : memref<2000x128xf32, #tpu.memory_space<vmem>>, vector<2000x64xf32>
    tpu.vector_store %arg6[%swap3A, %swap3A_18], %add3A_17 {strides = array<i32>} : memref<2000x128xf32, #tpu.memory_space<vmem>>, vector<2000x64xf32>,
    %get3A_20 = arith.constant 0 : index
    %get3A_21 = arith.constant 0 : index
    %get3A_22 = vector.load %arg4[%get3A_20, %get3A_21] : memref<1x64xf32, #tpu.memory_space<vmem>>, vector<1x64xf32>
    %add3A_23 = vector.broadcast %get3A_22 : vector<1x64xf32> to vector<2000x64xf32>
    %add3A_24 = arith.addf %dot_general3A_13, %add3A_23 : vector<2000x64xf32>
    %swap3A_25 = arith.constant 0 : index
    %swap3A_26 = arith.constant 64 : index
    %swap3A_27 = vector.load %arg6[%swap3A_25, %swap3A_26] : memref<2000x128xf32, #tpu.memory_space<vmem>>, vector<2000x64xf32>
    tpu.vector_store %arg6[%swap3A_25, %swap3A_26], %add3A_24 {strides = array<i32>} : memref<2000x128xf32, #tpu.memory_space<vmem>>, vector<2000x64xf32>,
    %eq3A = arith.constant 24 : i32
    %eq3A_28 = arith.cmpi eq, %arg0, %eq3A : i32
    %convert_element_type3A = arith.extui %eq3A_28 : i1 to i32
    %cond3A = arith.constant 0 : i32
    %cond3A_29 = arith.cmpi ne, %convert_element_type3A, %cond3A : i32
    scf.if %cond3A_29 {
      %get3A_30 = arith.constant 0 : index
      %get3A_31 = arith.constant 0 : index
      %get3A_32 = vector.load %arg5[%get3A_30, %get3A_31] : memref<1x64xf32, #tpu.memory_space<vmem>>, vector<1x64xf32>
      %get3A_33 = vector.shape_cast %get3A_32 : vector<1x64xf32> to vector<64xf32>
      %swap3A_34 = arith.constant 1999 : index
      %swap3A_35 = arith.constant 64 : index
      %swap3A_36 = vector.load %arg6[%swap3A_34, %swap3A_35] : memref<2000x128xf32, #tpu.memory_space<vmem>>, vector<1x64xf32>
      %swap3A_37 = vector.shape_cast %swap3A_36 : vector<1x64xf32> to vector<64xf32>
      %swap3A_38 = vector.shape_cast %get3A_33 : vector<64xf32> to vector<1x64xf32>
      tpu.vector_store %arg6[%swap3A_34, %swap3A_35], %swap3A_38 {strides = array<i32>} : memref<2000x128xf32, #tpu.memory_space<vmem>>, vector<1x64xf32>,
    } else {
    }
    return
  }
  func.func @transform_0(%arg0: i32) -> (i32, i32) {
    %c0_i32 = arith.constant 0 : i32
    %c0_i32_0 = arith.constant 0 : i32
    return %arg0, %c0_i32 : i32, i32
  }
  func.func @transform_1(%arg0: i32) -> (i32, i32) {
    %add3A = arith.constant 25 : i32
    %add3A_0 = arith.addi %arg0, %add3A : i32
    %c0_i32 = arith.constant 0 : i32
    %c0_i32_1 = arith.constant 0 : i32
    return %add3A_0, %c0_i32 : i32, i32
  }
  func.func @transform_2(%arg0: i32) -> (i32, i32) {
    %c0_i32 = arith.constant 0 : i32
    %c0_i32_0 = arith.constant 0 : i32
    %c0_i32_1 = arith.constant 0 : i32
    return %c0_i32, %c0_i32_0 : i32, i32
  }
  func.func @transform_3(%arg0: i32) -> (i32, i32) {
    %c0_i32 = arith.constant 0 : i32
    %c0_i32_0 = arith.constant 0 : i32
    %c0_i32_1 = arith.constant 0 : i32
    return %c0_i32, %c0_i32_0 : i32, i32
  }
  func.func @transform_4(%arg0: i32) -> (i32, i32) {
    %c0_i32 = arith.constant 0 : i32
    %c0_i32_0 = arith.constant 0 : i32
    %c0_i32_1 = arith.constant 0 : i32
    return %c0_i32, %c0_i32_0 : i32, i32
  }
  func.func @transform_5(%arg0: i32) -> (i32, i32) {
    %c0_i32 = arith.constant 0 : i32
    %c0_i32_0 = arith.constant 0 : i32
    return %arg0, %c0_i32 : i32, i32
  }
}

module attributes {stable_mosaic.version = 14 : i64} {
  func.func @body(%arg0: i32, %arg1: memref<25x512x128xf32, #tpu.memory_space<vmem>>, %arg2: memref<50x64x512xf32, #tpu.memory_space<vmem>>) attributes {dimension_semantics = [#tpu.dimension_semantics<arbitrary>], iteration_bounds = array<i64: 32>, scalar_prefetch = 0 : i64, scratch_operands = 0 : i64, tpu.core_type = #tpu.core_type<tc>, window_params = [{transform_indices = @transform_0, window_bounds = array<i64: 25, 512, 128>}, {transform_indices = @transform_1, window_bounds = array<i64: 50, 64, 512>}]} {
    %get3A = arith.constant 0 : index
    %get3A_0 = arith.constant 0 : index
    %get3A_1 = arith.constant 0 : index
    %get3A_2 = vector.load %arg1[%get3A, %get3A_0, %get3A_1] : memref<25x512x128xf32, #tpu.memory_space<vmem>>, vector<25x512x128xf32>
    %slice3A = vector.extract_strided_slice %get3A_2 {offsets = [0, 0, 0], sizes = [25, 512, 64], strides = [1, 1, 1]} : vector<25x512x128xf32> to vector<25x512x64xf32>
    %transpose3A = tpu.transpose %slice3A, [0, 2, 1] : vector<25x512x64xf32> -> vector<25x64x512xf32>
    %swap3A = arith.constant 0 : index
    %swap3A_3 = arith.constant 0 : index
    %swap3A_4 = arith.constant 0 : index
    %swap3A_5 = vector.load %arg2[%swap3A, %swap3A_3, %swap3A_4] : memref<50x64x512xf32, #tpu.memory_space<vmem>>, vector<25x64x512xf32>
    tpu.vector_store %arg2[%swap3A, %swap3A_3, %swap3A_4], %transpose3A {strides = array<i32>} : memref<50x64x512xf32, #tpu.memory_space<vmem>>, vector<25x64x512xf32>,
    %slice3A_6 = vector.extract_strided_slice %get3A_2 {offsets = [0, 0, 64], sizes = [25, 512, 64], strides = [1, 1, 1]} : vector<25x512x128xf32> to vector<25x512x64xf32>
    %transpose3A_7 = tpu.transpose %slice3A_6, [0, 2, 1] : vector<25x512x64xf32> -> vector<25x64x512xf32>
    %swap3A_8 = arith.constant 25 : index
    %swap3A_9 = arith.constant 0 : index
    %swap3A_10 = arith.constant 0 : index
    %swap3A_11 = vector.load %arg2[%swap3A_8, %swap3A_9, %swap3A_10] : memref<50x64x512xf32, #tpu.memory_space<vmem>>, vector<25x64x512xf32>
    tpu.vector_store %arg2[%swap3A_8, %swap3A_9, %swap3A_10], %transpose3A_7 {strides = array<i32>} : memref<50x64x512xf32, #tpu.memory_space<vmem>>, vector<25x64x512xf32>,
    return
  }
  func.func @transform_0(%arg0: i32) -> (i32, i32, i32) {
    %c0_i32 = arith.constant 0 : i32
    %c0_i32_0 = arith.constant 0 : i32
    %c0_i32_1 = arith.constant 0 : i32
    return %c0_i32, %arg0, %c0_i32_0 : i32, i32, i32
  }
  func.func @transform_1(%arg0: i32) -> (i32, i32, i32) {
    %c0_i32 = arith.constant 0 : i32
    %c0_i32_0 = arith.constant 0 : i32
    %c0_i32_1 = arith.constant 0 : i32
    return %c0_i32, %c0_i32_0, %arg0 : i32, i32, i32
  }
}

</mosaic_0001>

<sc_bundles>
// kernel: kernel.5.cloned.1.call-start
scs
__scs_entry_jumppad:
0x0: {  	(pc) =	sbr.rel $0x88, $3  }
0x1: {  	(tag) =	ssettag $0x0;
	lr =	simm.s32 $0x1  }
0x2: {  	[smem:$0x3F9C] =	sst lr;
	_ =	strace $0xD0000000  }
0x3: {  	_ = 	snop  }
0x4: {  	_ = 	snop  }
0x5: {  	_ = 	snop  }
0x6: {  	_ = 	snop  }
0x7: {  	_ = 	snop  }
__scs_overlays_trampoline_lowered:
0x8: {  	[smem:$0x3FAB] =	sst s0  }
0x9: {  	[smem:$0x3FAC] =	sst s1  }
0xa: {  	[smem:$0x3FAD] =	sst s2  }
0xb: {  	[smem:$0x3FAE] =	sst s3  }
0xc: {  	[smem:$0x3FAF] =	sst s4  }
0xd: {  	[smem:$0x3FB0] =	sst s5  }
0xe: {  	[smem:$0x3FB1] =	sst s6  }
0xf: {  	[smem:$0x3FB2] =	sst s7  }
0x10: {  	[smem:$0x3FB3] =	sst s8  }
0x11: {  	[smem:$0x3FB4] =	sst s9;
	s0 =	simm.s32 @!p0 $0x0  }
0x12: {  	s1 =	sld [smem:$0x3F9A];
	s0 =	simm.s32 @p0 $0x1  }
0x13: {  	[smem:$0x3FB5] =	sst s0;
	s0 =	simm.s32 @!p1 $0x0  }
0x14: {  	s2 =	sld [smem:$0x3F99];
	s0 =	simm.s32 @p1 $0x1  }
0x15: {  	[smem:$0x3FB6] =	sst s0;
	s0 =	simm.s32 @!p2 $0x0  }
0x16: {  	s3 =	sld [smem:$0x3FDB];
	s0 =	simm.s32 @p2 $0x1  }
0x17: {  	s4 =	simm.s32 $0x1BF5;
	[smem:$0x3FB8] =	sst s0  }
0x18: {  	s0 =	sld [smem:$0x3F9B];
	_ =	swait.ge [sflag:s4], $0x0  }
0x19: {  	s7 =	sld [smem:$0x3F9C]  }
0x1a: {  	s8 =	sadd.s32 $0xFFFFE003, lr  }
0x1b: {  	s9 =	sadd.s32 $0xFFFFFEF7, lr;
	s5 =	simm.s32 $0xFFFFFFFF;
	p2 =	slt.u32 s8, $0xFFFFF086  }
0x1c: {  	p1 =	slt.u32 s9, $0xF7A;
	s5 =	simm.s32 @!p2 $0x0  }
0x1d: {  	s5 =	simm.s32 @p1 $0x1;
	p0 =	seq.s32 s7, s2  }
0x1e: {  	s7 =	smul.u32 @!p0 $0xF7A, s2;
	p2 =	seq.s32 @!p0 s5, $0x0  }
0x1f: {  	s9 =	smul.u32 $0xF7A, s1;
	s8 =	simm.s32 @!p0 $0x1BF5;
	p2 =	por !p2, p0  }
0x20: {  	[sflag:s8] =	ssyncset.s32 @!p0 $0xFFFFF086;
	s6 =	sadd.s32 @!p0 s3, s7;
	s7 =	simm.s32 @!p0 $0x108  }
0x21: {  	s3 =	sadd.s32 s3, s9;
	s6 =	sadd.s32 @!p0 $0x88, s6;
	s7 =	simm.s32 @p2 $0x1082  }
0x22: {  	[simem:s7], [sflag:s8] =	dma.local @!p0 [hbm:s6], $0xF7A  }
0x23: {  	s9 =	sor.u32 $0xD0000000, s2;
	s6 =	simm.s32 $0x108;
	_ =	swait.ge @!p0 [sflag:s8], $0x0  }
0x24: {  	s3 =	sadd.s32 $0x88, s3;
	s6 =	simm.s32 @!p1 $0x1082;
	[sflag:s4] =	ssyncset.s32 $0xFFFFF086  }
0x25: {  	[simem:s6], [sflag:s4] =	dma.local [hbm:s3], $0xF7A  }
0x26: {  	[smem:$0x3F9C] =	sst s1;
	(tag) =	ssettag s2;
	_ =	strace s9  }
0x27: {  	s1 =	sld [smem:$0x3FAC]  }
0x28: {  	s2 =	sld [smem:$0x3FAD]  }
0x29: {  	s4 =	sld [smem:$0x3FAF]  }
0x2a: {  	p0 =	seq.s32 s5, $0x0;
	s5 =	sld [smem:$0x3FB0]  }
0x2b: {  	s6 =	sld [smem:$0x3FB1]  }
0x2c: {  	s7 =	sld [smem:$0x3FB2]  }
0x2d: {  	s3 =	simm.s32 $0x108;
	s8 =	sld [smem:$0x3FB3]  }
0x2e: {  	s3 =	simm.s32 @!p0 $0x1082;
	s9 =	sld [smem:$0x3FB4]  }
0x2f: {  	lr =	sadd.s32 s0, s3;
	s0 =	sld [smem:$0x3FAB]  }
0x30: {  	s3 =	sld [smem:$0x3FAE]  }
0x31: {  	[smem:$0x3FB7] =	sst s10  }
0x32: {  	s10 =	sld [smem:$0x3FB5];
	_ =	sdelay $0x3  }
0x33: {  	p0 =	seq.s32 s10, $0x1;
	s10 =	sld [smem:$0x3FB7];
	_ =	sdelay $0x3  }
0x34: {  	[smem:$0x3FB7] =	sst s10  }
0x35: {  	s10 =	sld [smem:$0x3FB6];
	_ =	sdelay $0x3  }
0x36: {  	p1 =	seq.s32 s10, $0x1;
	s10 =	sld [smem:$0x3FB7];
	_ =	sdelay $0x3  }
0x37: {  	[smem:$0x3FB7] =	sst s10  }
0x38: {  	s10 =	sld [smem:$0x3FB8]  }
0x39: {  	_ = 	snop;
	(pc) =	sbr.ind lr, $3  }
0x3a: {  	_ = 	snop  }
0x3b: {  	_ = 	snop  }
0x3c: {  	p2 =	seq.s32 s10, $0x1;
	s10 =	sld [smem:$0x3FB7]  }
0x3d: {  	_ =	shalt  }
0x3e: {  	_ =	shalt  }
0x3f: {  	_ =	shalt  }
0x40: {  	_ =	shalt  }
0x41: {  	_ =	shalt  }
0x42: {  	_ =	shalt  }
0x43: {  	_ =	shalt  }
0x44: {  	_ =	shalt  }
0x45: {  	_ =	shalt  }
0x46: {  	_ =	shalt  }
0x47: {  	_ =	shalt  }
0x48: {  	_ =	shalt  }
0x49: {  	_ =	shalt  }
0x4a: {  	_ =	shalt  }
0x4b: {  	_ =	shalt  }
0x4c: {  	_ =	shalt  }
0x4d: {  	_ =	shalt  }
0x4e: {  	_ =	shalt  }
0x4f: {  	_ =	shalt  }
0x50: {  	_ =	shalt  }
0x51: {  	_ =	shalt  }
0x52: {  	_ =	shalt  }
0x53: {  	_ =	shalt  }
0x54: {  	_ =	shalt  }
0x55: {  	_ =	shalt  }
0x56: {  	_ =	shalt  }
0x57: {  	_ =	shalt  }
0x58: {  	_ =	shalt  }
0x59: {  	_ =	shalt  }
0x5a: {  	_ =	shalt  }
0x5b: {  	_ =	shalt  }
0x5c: {  	_ =	shalt  }
0x5d: {  	_ =	shalt  }
0x5e: {  	_ =	shalt  }
0x5f: {  	_ =	shalt  }
0x60: {  	_ =	shalt  }
0x61: {  	_ =	shalt  }
0x62: {  	_ =	shalt  }
0x63: {  	_ =	shalt  }
0x64: {  	_ =	shalt  }
0x65: {  	_ =	shalt  }
0x66: {  	_ =	shalt  }
0x67: {  	_ =	shalt  }
0x68: {  	_ =	shalt  }
0x69: {  	_ =	shalt  }
0x6a: {  	_ =	shalt  }
0x6b: {  	_ =	shalt  }
0x6c: {  	_ =	shalt  }
0x6d: {  	_ =	shalt  }
0x6e: {  	_ =	shalt  }
0x6f: {  	_ =	shalt  }
0x70: {  	_ =	shalt  }
0x71: {  	_ =	shalt  }
0x72: {  	_ =	shalt  }
0x73: {  	_ =	shalt  }
0x74: {  	_ =	shalt  }
0x75: {  	_ =	shalt  }
0x76: {  	_ =	shalt  }
0x77: {  	_ =	shalt  }
0x78: {  	_ =	shalt  }
0x79: {  	_ =	shalt  }
0x7a: {  	_ =	shalt  }
0x7b: {  	_ =	shalt  }
0x7c: {  	_ =	shalt  }
0x7d: {  	_ =	shalt  }
0x7e: {  	_ =	shalt  }
0x7f: {  	_ =	shalt  }
0x80: {  	_ =	shalt  }
0x81: {  	_ =	shalt  }
0x82: {  	_ =	shalt  }
0x83: {  	_ =	shalt  }
0x84: {  	_ =	shalt  }
0x85: {  	_ =	shalt  }
0x86: {  	_ =	shalt  }
0x87: {  	_ =	shalt  }
.Lfunc_end0:
.L_simem_size_0:
called_computation_lowered:
.L_overlay_start_0:
0x88: {  	s2 =	sld [smem:$0x3FD9]  }
0x89: {  	s3 =	sld [smem:$0x3FFE];
	_ =	sdelay $0x1  }
0x8a: {  	s1 =	srdreg.scid  }
0x8b: {  	s0 =	sand.u32 $0x1, s1  }
0x8c: {  	s16 =	sshll.u32 s0, $0xA;
	s2 =	sadd.s32 s3, s2  }
0x8d: {  	s2 =	sadd.s32 s2, s16  }
0x8e: {  	[smem:$0x3FC3] =	sst s2  }
0x8f: {  	_ = 	snop  }
0x90: {  	(tm) =	ssettm $0x1  }
0x91: {  	s17 =	sld [smem:$0x3FFB];
	_ =	sdelay $0x3  }
0x92: {  	_ =	strace s17  }
0x93: {  	s2 =	sld [smem:$0x3FFC];
	_ =	sdelay $0x3  }
0x94: {  	_ =	strace s2  }
0x95: {  	s2 =	sld [smem:$0x3FFD];
	_ =	sdelay $0x3  }
0x96: {  	_ =	strace s2  }
0x97: {  	_ =	strace $0x8FFFFFFF  }
0x98: {  	s18 =	sld [smem:$0x3FDB];
	_ =	sdelay $0x1  }
0x99: {  	s19 =	simm.s32 $_scs_section_size  }
0x9a: {  	s4 =	simm.s32 $_size__tile_overlayer_lowered;
	s5 =	simm.s32 $_tile_overlayer_lowered  }
0x9b: {  	s22 =	simm.s32 $0x1BFF;
	s21 =	sshll.u32 s5, $0x1;
	s2 =	sadd.s32 s19, s18  }
0x9c: {  	s6 =	simm.s32 $0x0;
	s20 =	sshll.u32 s4, $0x1;
	s4 =	sadd.s32 s21, s2  }
0x9d: {  	[timem:s6], [sflag:s22] =	dma.local [hbm:s4], s20  }
0x9e: {  	_ =	swait.ge [sflag:s22], s20  }
0x9f: {  	s3 =	ssub.s32 $0x0, s20;
	[sflag:s22] =	ssyncset.done $0x0  }
0xa0: {  	[sflag:s22] =	ssyncadd.s32 s3;
	_ =	sdelay $0x1  }
0xa1: {  	s23 =	simm.s32 $0x1B8B  }
0xa2: {  	_ =	swait.ge [sflag:s23], $0x1  }
0xa3: {  	[sflag:s23] =	ssyncset.done $0x0  }
0xa4: {  	s25 =	simm.s32 $0x1B8E;
	s24 =	sld [smem:$0x3FFE];
	[sflag:s23] =	ssyncadd.s32 $0xFFFFFFFF  }
0xa5: {  	s26 =	simm.s32 $execute0_lowered;
	[smem:$0x3FD2] =	sst s25  }
0xa6: {  	s4 =	sshll.u32 s26, $0x1;
	_ =	strace $0x80000046;
	[dreg:$0x1] =	wrdreg $0xFFFFFFFF  }
0xa7: {  	s28 =	simm.s32 $_size_execute0_lowered;
	s2 =	sadd.s32 s2, s4;
	[dreg:$0x0] =	wrdreg $0x0  }
0xa8: {  	s4 =	sshll.u32 s28, $0x1;
	[dreg:$0x2] =	wrdreg s2  }
0xa9: {  	[dreg:$0x3] =	wrdreg s4  }
0xaa: {  	[dreg:$0x4] =	wrdreg $0xC0  }
0xab: {  	_ =	task [dreg:s6], $0x5FFFF  }
0xac: {  	[dreg:$0x1] =	wrdreg $0xFFFFFFFF  }
0xad: {  	[dreg:$0x0] =	wrdreg $0x60  }
0xae: {  	[dreg:$0x2] =	wrdreg s24  }
0xaf: {  	[dreg:$0x3] =	wrdreg $0x9  }
0xb0: {  	_ =	task.clear_ibuf [dreg:s6], $0x4FFFF;
	_ =	strace $0x90000046  }
0xb1: {  	s29 =	simm.s32 $0x9;
	_ =	strace $0x80000048  }
0xb2: {  	_ =	swait.ge [sflag:s29], $0x1  }
0xb3: {  	[sflag:s29] =	ssyncadd.s32 $0xFFFFFFFF  }
0xb4: {  	_ =	strace $0x90000048  }
0xb5: {  	_ =	sfence  }
0xb6: {  	s30 =	sld [smem:$0x0];
	_ =	sdelay $0x2  }
0xb7: {  	s31 =	sshll.u32 s1, $0xD;
	s1 =	sshrl.u32 s1, $0x2  }
0xb8: {  	s3 =	sand.u32 $0x4000, s31;
	s1 =	sadd.s32 s1, s30  }
0xb9: {  	s0 =	sor.u32 s3, s0;
	s1 =	sshll.u32 s1, $0x11  }
0xba: {  	s0 =	sor.u32 s1, s0  }
0xbb: {  	s0 =	sadd.s32 $0x8F2B, s0  }
0xbc: {  	[sflag:s0] =	ssyncadd.remote.s32 $0x1  }
0xbd: {  	_ =	sfence.sel $0xFFFF  }
0xbe: {  	[dreg:$0x0] =	wrdreg $0xFFFFFFFF;
	(pc) =	sbr.abs _section_cstart, $3  }
0xbf: {  	[dreg:$0x1] =	wrdreg $0xFFFFFFFF  }
0xc0: {  	_ =	task.clear_ibuf [dreg:s6], $0x2FFFF;
	_ =	strace $0x9FFFFFFF  }
0xc1: {  	(tm) =	ssettm $0x7FFFFFFF  }
tec
execute0_lowered:
.L_overlay_start_1:
0x0: {  	(tag) =	ssettag $0x1  }
0x1: {  	s0 =	rddreg [dreg:$0x0]  }
0x2: {  	s3 =	stileid.u32;
	s1 =	srdreg.scid  }
0x3: {  	s2 =	simm.s32 $0x0;
	s10 =	simm.s32 $0x400;
	s11 =	simm.s32 $0x800  }
0x4: {  	s12 =	simm.s32 $0x600;
	s13 =	simm.s32 $0x8800;
	s14 =	simm.s32 $0x480  }
0x5: {  	s15 =	simm.s32 $0x2800;
	s16 =	simm.s32 $0x680;
	s17 =	simm.s32 $0xA800  }
0x6: {  	s18 =	simm.s32 $0x500;
	s19 =	simm.s32 $0x4800;
	s20 =	simm.s32 $0x700  }
0x7: {  	s21 =	simm.s32 $0xC800;
	s22 =	simm.s32 $0x580;
	s23 =	simm.s32 $0x6800  }
0x8: {  	s24 =	simm.s32 $0x780;
	s25 =	simm.s32 $0xE800;
	s28 =	simm.s32 $0x40  }
0x9: {  	s29 =	simm.s32 $0x2;
	s30 =	simm.s32 $0x0;
	s4 =	smul.u32 $0x64000, s3  }
0xa: {  	s1 =	sand.u32 $0x1, s1;
	[smem:$0x7FF] =	sst s2;
	s7 =	smul.u32 $0x6400, s3  }
0xb: {  	s3 =	sadd.s32 $0x19A00, s0;
	s5 =	smul.u32 $0x32000, s1;
	s6 =	ssub.s32 $0x2, s1  }
0xc: {  	s9 =	sadd.s32 $0xA00, s0;
	s1 =	smul.u32 $0x3200, s1;
	s8 =	sshrl.u32 s6, $0x1  }
0xd: {  	_ =	strace $0x80000047;
	s0 =	sadd.s32 s4, s0;
	s26 =	ssub.s32 s6, s8  }
0xe: {  	s0 =	sadd.s32 s5, s0;
	s1 =	sadd.s32 s1, s7;
	s7 =	simm.s32 $0x3  }
0xf: {  	s8 =	simm.s32 $0x200;
	s4 =	smax.u32 s26, $0x1;
	s0 =	sadd.s32 $0xDD000, s0  }
0x10: {  	s31 =	sshrl.u32 s1, $0x3;
	s1 =	sadd.s32 $0x64000, s1;
	[dreg:$0x3] =	wrdreg s4  }
0x11: {  	s26 =	simm.s32 $0x1;
	[dreg:$0x2] =	wrdreg s0;
	s1 =	sshrl.u32 s1, $0x3  }
0x12: {  	s0 =	sadd.s32 s31, s9;
	s6 =	sadd.s32 s1, s9;
	s9 =	simm.s32 $0x80  }
.LBB2_1:
0x13: {  	s31 =	smov.u32 s6;
	s5 =	smov.u32 s0;
	s1 =	simm.s32 $0x0  }
.LBB2_2:
0x14: {  	[tilespmem:s2], [sflag:$0x3] =	stream.linear.gather [hbm4b:s5+s2], $0x200, $0x38;
	[tilespmem:$0x10800] =	vst v63  }
0x15: {  	_ =	swait.ge [sflag:s7], $0x200  }
0x16: {  	[sflag:s7] =	ssyncset.done $0x0  }
0x17: {  	[sflag:s7] =	ssyncadd.s32 $0xFFFFFE00  }
0x18: {  	[tilespmem:s8], [sflag:$0x3] =	stream.linear.gather [hbm4b:s31+s2], $0x200, $0x38;
	[tilespmem:$0x10800] =	vst v63  }
0x19: {  	_ =	swait.ge [sflag:s7], $0x200  }
0x1a: {  	[sflag:s7] =	ssyncset.done $0x0  }
0x1b: {  	[sflag:s7] =	ssyncadd.s32 $0xFFFFFE00  }
0x1c: {  	v0 =	vld [tilespmem:$0x0]  }
0x1d: {  	v1 =	vld [tilespmem:$0x10]  }
0x1e: {  	v2 =	vld [tilespmem:$0x20]  }
0x1f: {  	v3 =	vld [tilespmem:$0x30]  }
0x20: {  	v5 =	vld [tilespmem:$0x40]  }
0x21: {  	v7 =	vld [tilespmem:$0x50]  }
0x22: {  	v13 =	vld [tilespmem:$0x60]  }
0x23: {  	v15 =	vld [tilespmem:$0x70]  }
0x24: {  	v17 =	vld [tilespmem:$0x90]  }
0x25: {  	v22 =	vld [tilespmem:$0xA0]  }
0x26: {  	v38 =	vld [tilespmem:$0x100];
	vm0 =	vlt.s32 v0, $0x1;
	v0 =	vadd.s32 $0xFFFFFFFF, v0;
	vm8 =	vlt.s32 v1, $0x1  }
0x27: {  	v54 =	vld [tilespmem:$0x160];
	v1 =	vadd.s32 $0xFFFFFFFF, v1;
	vm9 =	vlt.s32 v2, $0x1;
	v2 =	vadd.s32 $0xFFFFFFFF, v2  }
0x28: {  	vm10 =	vlt.s32 v3, $0x1;
	v3 =	vadd.s32 $0xFFFFFFFF, v3;
	vm13 =	vlt.s32 v5, $0x1  }
0x29: {  	v27 =	vld [tilespmem:$0xC0];
	v5 =	vadd.s32 $0xFFFFFFFF, v5;
	vm14 =	vlt.s32 v7, $0x1;
	v14 =	vadd.s32 $0xFFFFFFFF, v7  }
0x2a: {  	vm2 =	vlt.s32 v13, $0x1;
	vm4 =	vlt.s32 v15, $0x1;
	v7 =	vadd.s32 $0xFFFFFFFF, v15  }
0x2b: {  	vm7 =	vlt.s32 v17, $0x1;
	v28 =	vadd.s32 $0xFFFFFFFF, v22;
	v44 =	vadd.s32 $0xFFFFFFFF, v38  }
0x2c: {  	v60 =	vadd.s32 $0xFFFFFFFF, v54;
	v0 =	vsel vm0, $0x1869F, v0;
	v1 =	vsel vm8, $0x1869F, v1  }
0x2d: {  	v30 =	vld [tilespmem:$0xD0];
	v6 =	vsel vm9, $0x1869F, v2;
	v9 =	vsel vm10, $0x1869F, v3;
	v5 =	vsel vm13, $0x1869F, v5  }
0x2e: {  	v7 =	vsel vm4, $0x1869F, v7;
	vm10 =	vlt.s32 v22, $0x1;
	vm13 =	vlt.s32 v27, $0x1  }
0x2f: {  	v4 =	vshll.u32 v0, $0x1;
	vm1 =	vlt.s32 v0, $0xC350;
	vm0 =	vlt.s32 v1, $0xC350  }
0x30: {  	v1 =	vshll.u32 v1, $0x1;
	v63 =	vshll.u32 v6, $0x1;
	vm11 =	vlt.s32 v6, $0xC350  }
0x31: {  	v11 =	vshll.u32 v9, $0x1;
	vm12 =	vlt.s32 v9, $0xC350;
	vm15 =	vlt.s32 v5, $0xC350  }
0x32: {  	v5 =	vshll.u32 v5, $0x1;
	v6 =	vsel vm14, $0x1869F, v14;
	vm14 =	vlt.s32 v30, $0x1  }
0x33: {  	v61 =	vadd.s32 $0xFFFE7961, v4;
	v62 =	vadd.s32 $0xFFFE7961, v1;
	v10 =	vadd.s32 $0xFFFE7961, v63  }
0x34: {  	v12 =	vadd.s32 $0xFFFE7961, v11;
	v8 =	vadd.s32 $0xFFFE7961, v5;
	v0 =	vsel vm1, v4, v61  }
0x35: {  	v2 =	vsel vm0, v1, v62;
	v3 =	vsel vm11, v63, v10;
	v1 =	vsel vm12, v11, v12  }
0x36: {  	vm0 =	vlt.s32 v6, $0xC350;
	v6 =	vshll.u32 v6, $0x1;
	v10 =	vadd.s32 $0xFFFFFFFF, v13  }
0x37: {  	v5 =	vsel vm15, v5, v8;
	v8 =	vadd.s32 $0xFFFFFFFF, v17;
	v9 =	vadd.s32 $0xFFFE7961, v6  }
0x38: {  	v31 =	vld [tilespmem:$0xF0];
	v16 =	vsel vm2, $0x1869F, v10;
	v13 =	vsel vm7, $0x1869F, v8;
	v4 =	vsel vm0, v6, v9  }
0x39: {  	v11 =	vld [tilespmem:$0x80];
	v18 =	vshll.u32 v16, $0x1;
	vm5 =	vlt.s32 v16, $0xC350;
	vm0 =	vlt.s32 v7, $0xC350  }
0x3a: {  	v12 =	vld [tilespmem:$0xB0];
	v7 =	vshll.u32 v7, $0x1;
	v25 =	vshll.u32 v13, $0x1;
	vm9 =	vlt.s32 v13, $0xC350  }
0x3b: {  	v17 =	vld [tilespmem:$0xE0];
	v13 =	vadd.s32 $0xFFFFFFFF, v27;
	v19 =	vadd.s32 $0xFFFE7961, v18;
	v20 =	vadd.s32 $0xFFFE7961, v7  }
0x3c: {  	v26 =	vadd.s32 $0xFFFE7961, v25;
	v13 =	vsel vm13, $0x1869F, v13;
	v6 =	vsel vm5, v18, v19  }
0x3d: {  	v43 =	vld [tilespmem:$0x120];
	v7 =	vsel vm0, v7, v20;
	v9 =	vsel vm9, v25, v26;
	v32 =	vshll.u32 v13, $0x1  }
0x3e: {  	v47 =	vld [tilespmem:$0x150];
	vm15 =	vlt.s32 v13, $0xC350;
	vm5 =	vlt.s32 v31, $0x1;
	vm6 =	vlt.s32 v11, $0x1  }
0x3f: {  	v21 =	vadd.s32 $0xFFFFFFFF, v11;
	vm11 =	vlt.s32 v12, $0x1;
	v29 =	vadd.s32 $0xFFFFFFFF, v12  }
0x40: {  	v12 =	vadd.s32 $0xFFFFFFFF, v30;
	v33 =	vadd.s32 $0xFFFE7961, v32;
	vm4 =	vlt.s32 v17, $0x1  }
0x41: {  	v37 =	vadd.s32 $0xFFFFFFFF, v17;
	v10 =	vsel vm6, $0x1869F, v21;
	v11 =	vsel vm11, $0x1869F, v29  }
0x42: {  	v46 =	vld [tilespmem:$0x130];
	v34 =	vsel vm14, $0x1869F, v12;
	v12 =	vsel vm15, v32, v33;
	vm11 =	vlt.s32 v43, $0x1  }
0x43: {  	v18 =	vld [tilespmem:$0x110];
	vm15 =	vlt.s32 v47, $0x1;
	v23 =	vshll.u32 v10, $0x1;
	vm8 =	vlt.s32 v10, $0xC350  }
0x44: {  	v10 =	vsel vm10, $0x1869F, v28;
	vm0 =	vlt.s32 v11, $0xC350;
	v15 =	vshll.u32 v11, $0x1  }
0x45: {  	v59 =	vld [tilespmem:$0x180];
	v35 =	vshll.u32 v34, $0x1;
	v24 =	vadd.s32 $0xFFFE7961, v23;
	vm12 =	vlt.s32 v10, $0xC350  }
0x46: {  	v30 =	vld [tilespmem:$0x1D0];
	v10 =	vshll.u32 v10, $0x1;
	v16 =	vadd.s32 $0xFFFE7961, v15;
	v36 =	vadd.s32 $0xFFFE7961, v35  }
0x47: {  	v8 =	vsel vm8, v23, v24;
	v14 =	vadd.s32 $0xFFFE7961, v10;
	vm8 =	vlt.s32 v38, $0x1  }
0x48: {  	vm9 =	vlt.s32 v18, $0x1;
	v45 =	vadd.s32 $0xFFFFFFFF, v18;
	v18 =	vadd.s32 $0xFFFFFFFF, v46  }
0x49: {  	v29 =	vld [tilespmem:$0x1A0];
	v11 =	vsel vm12, v10, v14;
	v10 =	vsel vm0, v15, v16;
	vm0 =	vlt.s32 v34, $0xC350  }
0x4a: {  	v16 =	vsel vm4, $0x1869F, v37;
	v14 =	vadd.s32 $0xFFFFFFFF, v31;
	v17 =	vsel vm9, $0x1869F, v45  }
0x4b: {  	vm12 =	vlt.s32 v46, $0x1;
	vm9 =	vlt.s32 v59, $0x1;
	v45 =	vadd.s32 $0xFFFFFFFF, v30  }
0x4c: {  	v13 =	vsel vm0, v35, v36;
	v39 =	vshll.u32 v16, $0x1;
	v19 =	vsel vm5, $0x1869F, v14  }
0x4d: {  	vm6 =	vlt.s32 v16, $0xC350;
	v16 =	vsel vm8, $0x1869F, v44;
	vm0 =	vlt.s32 v17, $0xC350  }
0x4e: {  	v21 =	vshll.u32 v17, $0x1;
	v50 =	vsel vm12, $0x1869F, v18;
	vm12 =	vlt.s32 v29, $0x1  }
0x4f: {  	v37 =	vadd.s32 $0xFFFFFFFF, v29;
	v40 =	vadd.s32 $0xFFFE7961, v39;
	v41 =	vshll.u32 v19, $0x1  }
0x50: {  	v62 =	vld [tilespmem:$0x190];
	vm7 =	vlt.s32 v19, $0xC350;
	vm10 =	vlt.s32 v16, $0xC350;
	v16 =	vshll.u32 v16, $0x1  }
0x51: {  	v23 =	vld [tilespmem:$0x140];
	v22 =	vadd.s32 $0xFFFE7961, v21;
	v19 =	vadd.s32 $0xFFFFFFFF, v43;
	v51 =	vshll.u32 v50, $0x1  }
0x52: {  	v24 =	vld [tilespmem:$0x170];
	v14 =	vsel vm6, v39, v40;
	v42 =	vadd.s32 $0xFFFE7961, v41;
	v20 =	vadd.s32 $0xFFFE7961, v16  }
0x53: {  	v38 =	vld [tilespmem:$0x1C0];
	v19 =	vsel vm11, $0x1869F, v19;
	v52 =	vadd.s32 $0xFFFE7961, v51;
	vm6 =	vlt.s32 v54, $0x1  }
0x54: {  	v15 =	vsel vm7, v41, v42;
	v17 =	vsel vm10, v16, v20;
	v16 =	vsel vm0, v21, v22  }
0x55: {  	v48 =	vshll.u32 v19, $0x1;
	vm13 =	vlt.s32 v19, $0xC350;
	vm0 =	vlt.s32 v50, $0xC350  }
0x56: {  	vm14 =	vlt.s32 v23, $0x1;
	v53 =	vadd.s32 $0xFFFFFFFF, v23;
	v20 =	vadd.s32 $0xFFFFFFFF, v47  }
0x57: {  	vm7 =	vlt.s32 v24, $0x1;
	v61 =	vadd.s32 $0xFFFFFFFF, v24;
	vm10 =	vlt.s32 v62, $0x1  }
0x58: {  	v24 =	vadd.s32 $0xFFFFFFFF, v62;
	v44 =	vadd.s32 $0xFFFFFFFF, v38;
	v49 =	vadd.s32 $0xFFFE7961, v48  }
0x59: {  	v63 =	vld [tilespmem:$0x1B0];
	v22 =	vsel vm14, $0x1869F, v53;
	v19 =	vsel vm0, v51, v52;
	v25 =	vsel vm15, $0x1869F, v20  }
0x5a: {  	v23 =	vsel vm7, $0x1869F, v61;
	v34 =	vsel vm10, $0x1869F, v24;
	v18 =	vsel vm13, v48, v49  }
0x5b: {  	v43 =	vld [tilespmem:$0x1E0];
	v55 =	vshll.u32 v22, $0x1;
	vm4 =	vlt.s32 v22, $0xC350;
	v57 =	vshll.u32 v25, $0x1  }
0x5c: {  	vm5 =	vlt.s32 v25, $0xC350;
	v22 =	vsel vm6, $0x1869F, v60;
	vm0 =	vlt.s32 v23, $0xC350  }
0x5d: {  	v46 =	vld [tilespmem:$0x1F0];
	v27 =	vshll.u32 v23, $0x1;
	v25 =	vadd.s32 $0xFFFFFFFF, v59;
	v35 =	vshll.u32 v34, $0x1  }
0x5e: {  	v54 =	vld [tilespmem:$0x220];
	vm13 =	vlt.s32 v63, $0x1;
	v56 =	vadd.s32 $0xFFFE7961, v55;
	v58 =	vadd.s32 $0xFFFE7961, v57  }
0x5f: {  	vm8 =	vlt.s32 v22, $0xC350;
	v22 =	vshll.u32 v22, $0x1;
	v28 =	vadd.s32 $0xFFFE7961, v27  }
0x60: {  	v25 =	vsel vm9, $0x1869F, v25;
	v36 =	vadd.s32 $0xFFFE7961, v35;
	vm7 =	vlt.s32 v43, $0x1  }
0x61: {  	v20 =	vsel vm4, v55, v56;
	v21 =	vsel vm5, v57, v58;
	v26 =	vadd.s32 $0xFFFE7961, v22  }
0x62: {  	v32 =	vshll.u32 v25, $0x1;
	vm11 =	vlt.s32 v25, $0xC350;
	vm4 =	vlt.s32 v38, $0x1  }
0x63: {  	vm5 =	vlt.s32 v30, $0x1;
	v30 =	vadd.s32 $0xFFFFFFFF, v46;
	v60 =	vadd.s32 $0xFFFFFFFF, v54  }
0x64: {  	v47 =	vld [tilespmem:$0x210];
	v23 =	vsel vm8, v22, v26;
	v22 =	vsel vm0, v27, v28;
	v33 =	vadd.s32 $0xFFFE7961, v32  }
0x65: {  	vm0 =	vlt.s32 v34, $0xC350;
	v28 =	vsel vm12, $0x1869F, v37;
	v26 =	vadd.s32 $0xFFFFFFFF, v63  }
0x66: {  	v29 =	vsel vm5, $0x1869F, v45;
	vm8 =	vlt.s32 v46, $0x1;
	v24 =	vsel vm11, v32, v33  }
0x67: {  	v59 =	vld [tilespmem:$0x240];
	v25 =	vsel vm0, v35, v36;
	v39 =	vshll.u32 v28, $0x1;
	v31 =	vsel vm13, $0x1869F, v26  }
0x68: {  	vm14 =	vlt.s32 v28, $0xC350;
	v28 =	vsel vm4, $0x1869F, v44;
	vm0 =	vlt.s32 v29, $0xC350  }
0x69: {  	v33 =	vshll.u32 v29, $0x1;
	v50 =	vsel vm8, $0x1869F, v30;
	vm11 =	vlt.s32 v47, $0x1  }
0x6a: {  	v40 =	vadd.s32 $0xFFFE7961, v39;
	v41 =	vshll.u32 v31, $0x1;
	vm15 =	vlt.s32 v31, $0xC350  }
0x6b: {  	vm6 =	vlt.s32 v28, $0xC350;
	v28 =	vshll.u32 v28, $0x1;
	v34 =	vadd.s32 $0xFFFE7961, v33  }
0x6c: {  	v62 =	vld [tilespmem:$0x250];
	v31 =	vadd.s32 $0xFFFFFFFF, v43;
	v51 =	vshll.u32 v50, $0x1;
	vm5 =	vlt.s32 v59, $0x1  }
0x6d: {  	v26 =	vsel vm14, v39, v40;
	v42 =	vadd.s32 $0xFFFE7961, v41;
	v32 =	vadd.s32 $0xFFFE7961, v28  }
0x6e: {  	v35 =	vld [tilespmem:$0x200];
	v31 =	vsel vm7, $0x1869F, v31;
	v52 =	vadd.s32 $0xFFFE7961, v51;
	vm14 =	vlt.s32 v54, $0x1  }
0x6f: {  	v36 =	vld [tilespmem:$0x230];
	v27 =	vsel vm15, v41, v42;
	v29 =	vsel vm6, v28, v32;
	v28 =	vsel vm0, v33, v34  }
0x70: {  	v63 =	vld [tilespmem:$0x270];
	v48 =	vshll.u32 v31, $0x1;
	vm9 =	vlt.s32 v31, $0xC350;
	vm0 =	vlt.s32 v50, $0xC350  }
0x71: {  	v32 =	vadd.s32 $0xFFFFFFFF, v47;
	vm6 =	vlt.s32 v62, $0x1;
	v49 =	vadd.s32 $0xFFFE7961, v48  }
0x72: {  	v31 =	vsel vm0, v51, v52;
	v37 =	vsel vm11, $0x1869F, v32;
	v30 =	vsel vm9, v48, v49  }
0x73: {  	vm10 =	vlt.s32 v35, $0x1;
	v53 =	vadd.s32 $0xFFFFFFFF, v35;
	v57 =	vshll.u32 v37, $0x1  }
0x74: {  	vm13 =	vlt.s32 v37, $0xC350;
	vm15 =	vlt.s32 v36, $0x1;
	v61 =	vadd.s32 $0xFFFFFFFF, v36  }
0x75: {  	v37 =	vadd.s32 $0xFFFFFFFF, v59;
	v36 =	vadd.s32 $0xFFFFFFFF, v62;
	vm9 =	vlt.s32 v63, $0x1  }
0x76: {  	v48 =	vadd.s32 $0xFFFFFFFF, v63;
	v34 =	vsel vm10, $0x1869F, v53;
	v58 =	vadd.s32 $0xFFFE7961, v57  }
0x77: {  	v35 =	vsel vm15, $0x1869F, v61;
	v37 =	vsel vm5, $0x1869F, v37;
	v36 =	vsel vm6, $0x1869F, v36  }
0x78: {  	v41 =	vld [tilespmem:$0x260];
	v51 =	vsel vm9, $0x1869F, v48;
	v55 =	vshll.u32 v34, $0x1;
	vm12 =	vlt.s32 v34, $0xC350  }
0x79: {  	v33 =	vsel vm13, v57, v58;
	v34 =	vsel vm14, $0x1869F, v60;
	vm0 =	vlt.s32 v35, $0xC350  }
0x7a: {  	v39 =	vshll.u32 v35, $0x1;
	v42 =	vshll.u32 v37, $0x1;
	vm7 =	vlt.s32 v37, $0xC350  }
0x7b: {  	v46 =	vld [tilespmem:$0x280];
	v53 =	vshll.u32 v51, $0x1;
	vm11 =	vlt.s32 v51, $0xC350;
	v56 =	vadd.s32 $0xFFFE7961, v55  }
0x7c: {  	vm4 =	vlt.s32 v34, $0xC350;
	v34 =	vshll.u32 v34, $0x1;
	v40 =	vadd.s32 $0xFFFE7961, v39  }
0x7d: {  	[tilespmem:$0x400] =	vst v0;
	v49 =	vld [tilespmem:$0x290];
	v43 =	vadd.s32 $0xFFFE7961, v42;
	vm8 =	vlt.s32 v41, $0x1;
	v45 =	vadd.s32 $0xFFFFFFFF, v41  }
0x7e: {  	[tilespmem:$0x430] =	vst v1;
	v62 =	vld [tilespmem:$0x2C0];
	v54 =	vadd.s32 $0xFFFE7961, v53;
	v32 =	vsel vm12, v55, v56;
	v38 =	vadd.s32 $0xFFFE7961, v34  }
0x7f: {  	[tilespmem:$0x570] =	vst v22;
	v22 =	vld [tilespmem:$0x370];
	v0 =	vsel vm7, v42, v43;
	v47 =	vsel vm8, $0x1869F, v45;
	v1 =	vsel vm11, v53, v54  }
0x80: {  	[tilespmem:$0x410] =	vst v2;
	vm12 =	vlt.s32 v46, $0x1;
	v56 =	vadd.s32 $0xFFFFFFFF, v46;
	v35 =	vsel vm4, v34, v38  }
0x81: {  	[tilespmem:$0x440] =	vst v5;
	v34 =	vsel vm0, v39, v40;
	vm0 =	vlt.s32 v36, $0xC350;
	v36 =	vshll.u32 v36, $0x1  }
0x82: {  	[tilespmem:$0x460] =	vst v6;
	v50 =	vshll.u32 v47, $0x1;
	vm10 =	vlt.s32 v47, $0xC350;
	v5 =	vsel vm12, $0x1869F, v56  }
0x83: {  	[tilespmem:$0x4B0] =	vst v10;
	v58 =	vld [tilespmem:$0x2B0];
	vm13 =	vlt.s32 v49, $0x1;
	v57 =	vadd.s32 $0xFFFFFFFF, v49;
	vm6 =	vlt.s32 v62, $0x1  }
0x84: {  	v37 =	vld [tilespmem:$0x2D0];
	v42 =	vadd.s32 $0xFFFFFFFF, v62;
	[tilespmem:$0x600] =	vst v32;
	v32 =	vadd.s32 $0xFFFFFFFF, v22;
	v44 =	vadd.s32 $0xFFFE7961, v36  }
0x85: {  	[tilespmem:$0x5B0] =	vst v27;
	v27 =	vld [tilespmem:$0x380];
	v52 =	vadd.s32 $0xFFFE7961, v50;
	vm14 =	vlt.s32 v5, $0xC350;
	v5 =	vshll.u32 v5, $0x1  }
0x86: {  	[tilespmem:$0x5E0] =	vst v30;
	v30 =	vld [tilespmem:$0x390];
	v6 =	vsel vm13, $0x1869F, v57;
	v10 =	vsel vm6, $0x1869F, v42;
	v2 =	vsel vm0, v36, v44  }
0x87: {  	[tilespmem:$0x420] =	vst v3;
	v55 =	vld [tilespmem:$0x2A0];
	v3 =	vsel vm10, v50, v52;
	v59 =	vadd.s32 $0xFFFE7961, v5;
	vm0 =	vlt.s32 v6, $0xC350  }
0x88: {  	[tilespmem:$0x470] =	vst v7;
	v6 =	vshll.u32 v6, $0x1;
	vm4 =	vlt.s32 v58, $0x1;
	v7 =	vadd.s32 $0xFFFFFFFF, v58  }
0x89: {  	[tilespmem:$0x480] =	vst v8;
	v43 =	vld [tilespmem:$0x2E0];
	vm7 =	vlt.s32 v37, $0x1;
	v8 =	vadd.s32 $0xFFFFFFFF, v37;
	v45 =	vshll.u32 v10, $0x1  }
0x8a: {  	[tilespmem:$0x450] =	vst v4;
	v53 =	vld [tilespmem:$0x320];
	vm8 =	vlt.s32 v10, $0xC350;
	v36 =	vadd.s32 $0xFFFFFFFF, v27;
	v60 =	vadd.s32 $0xFFFE7961, v6  }
0x8b: {  	[tilespmem:$0x490] =	vst v9;
	v54 =	vld [tilespmem:$0x330];
	v5 =	vsel vm14, v5, v59;
	v39 =	vsel vm4, $0x1869F, v7;
	v8 =	vsel vm7, $0x1869F, v8  }
0x8c: {  	v46 =	vadd.s32 $0xFFFE7961, v45;
	[tilespmem:$0x660] =	vst v3;
	v3 =	vadd.s32 $0xFFFFFFFF, v30;
	vm15 =	vlt.s32 v55, $0x1  }
0x8d: {  	[tilespmem:$0x4C0] =	vst v12;
	v49 =	vld [tilespmem:$0x300];
	v61 =	vadd.s32 $0xFFFFFFFF, v55;
	v4 =	vsel vm0, v6, v60;
	vm0 =	vlt.s32 v39, $0xC350  }
0x8e: {  	[tilespmem:$0x4A0] =	vst v11;
	v6 =	vshll.u32 v39, $0x1;
	v47 =	vshll.u32 v8, $0x1;
	v9 =	vsel vm8, v45, v46  }
0x8f: {  	[tilespmem:$0x4E0] =	vst v14;
	vm9 =	vlt.s32 v8, $0xC350;
	vm10 =	vlt.s32 v43, $0x1;
	v11 =	vadd.s32 $0xFFFFFFFF, v43  }
0x90: {  	[tilespmem:$0x510] =	vst v16;
	vm4 =	vlt.s32 v53, $0x1;
	v16 =	vadd.s32 $0xFFFFFFFF, v53;
	v14 =	vadd.s32 $0xFFFFFFFF, v54  }
0x91: {  	[tilespmem:$0x550] =	vst v21;
	v21 =	vld [tilespmem:$0x360];
	v63 =	vsel vm15, $0x1869F, v61;
	v41 =	vadd.s32 $0xFFFE7961, v6;
	v48 =	vadd.s32 $0xFFFE7961, v47  }
0x92: {  	[tilespmem:$0x4D0] =	vst v13;
	v44 =	vld [tilespmem:$0x2F0];
	v11 =	vsel vm10, $0x1869F, v11;
	vm13 =	vlt.s32 v49, $0x1;
	v10 =	vadd.s32 $0xFFFFFFFF, v49  }
0x93: {  	[tilespmem:$0x4F0] =	vst v15;
	v50 =	vld [tilespmem:$0x310];
	v16 =	vsel vm4, $0x1869F, v16;
	v38 =	vshll.u32 v63, $0x1;
	vm5 =	vlt.s32 v63, $0xC350  }
0x94: {  	[tilespmem:$0x500] =	vst v17;
	v6 =	vsel vm0, v6, v41;
	v8 =	vsel vm9, v47, v48;
	vm12 =	vlt.s32 v11, $0xC350  }
0x95: {  	[tilespmem:$0x530] =	vst v19;
	v11 =	vshll.u32 v11, $0x1;
	v10 =	vsel vm13, $0x1869F, v10;
	v61 =	vshll.u32 v16, $0x1  }
0x96: {  	[tilespmem:$0x520] =	vst v18;
	vm6 =	vlt.s32 v16, $0xC350;
	v16 =	vadd.s32 $0xFFFFFFFF, v21;
	v40 =	vadd.s32 $0xFFFE7961, v38  }
0x97: {  	[tilespmem:$0x540] =	vst v20;
	v59 =	vld [tilespmem:$0x340];
	vm11 =	vlt.s32 v44, $0x1;
	v12 =	vadd.s32 $0xFFFFFFFF, v44;
	v51 =	vadd.s32 $0xFFFE7961, v11  }
0x98: {  	[tilespmem:$0x560] =	vst v23;
	v37 =	vld [tilespmem:$0x3A0];
	v55 =	vshll.u32 v10, $0x1;
	vm14 =	vlt.s32 v50, $0x1;
	v13 =	vadd.s32 $0xFFFFFFFF, v50  }
0x99: {  	[tilespmem:$0x580] =	vst v24;
	vm15 =	vlt.s32 v10, $0xC350;
	v62 =	vadd.s32 $0xFFFE7961, v61;
	v7 =	vsel vm5, v38, v40  }
0x9a: {  	[tilespmem:$0x590] =	vst v25;
	v12 =	vsel vm11, $0x1869F, v12;
	v11 =	vsel vm12, v11, v51;
	v56 =	vsel vm14, $0x1869F, v13  }
0x9b: {  	[tilespmem:$0x5A0] =	vst v26;
	v60 =	vld [tilespmem:$0x350];
	v57 =	vadd.s32 $0xFFFE7961, v55;
	vm5 =	vlt.s32 v54, $0x1;
	v15 =	vsel vm6, v61, v62  }
0x9c: {  	[tilespmem:$0x5C0] =	vst v29;
	vm8 =	vlt.s32 v59, $0x1;
	v17 =	vadd.s32 $0xFFFFFFFF, v59;
	vm11 =	vlt.s32 v21, $0x1  }
0x9d: {  	[tilespmem:$0x5D0] =	vst v28;
	vm12 =	vlt.s32 v22, $0x1;
	vm14 =	vlt.s32 v27, $0x1;
	vm6 =	vlt.s32 v37, $0x1  }
0x9e: {  	[tilespmem:$0x5F0] =	vst v31;
	vm0 =	vlt.s32 v12, $0xC350;
	v12 =	vshll.u32 v12, $0x1;
	v13 =	vsel vm15, v55, v57  }
0x9f: {  	[tilespmem:$0x610] =	vst v33;
	v10 =	vshll.u32 v56, $0x1;
	v14 =	vsel vm5, $0x1869F, v14;
	v17 =	vsel vm8, $0x1869F, v17  }
0xa0: {  	[tilespmem:$0x640] =	vst v0;
	vm9 =	vlt.s32 v60, $0x1;
	v18 =	vadd.s32 $0xFFFFFFFF, v60;
	v29 =	vsel vm11, $0x1869F, v16  }
0xa1: {  	[tilespmem:$0x6B0] =	vst v6;
	v33 =	vsel vm12, $0x1869F, v32;
	v6 =	vsel vm14, $0x1869F, v36;
	vm15 =	vlt.s32 v30, $0x1  }
0xa2: {  	v43 =	vld [tilespmem:$0x3C0];
	[tilespmem:$0x6A0] =	vst v7;
	v7 =	vadd.s32 $0xFFFFFFFF, v37;
	v52 =	vadd.s32 $0xFFFE7961, v12;
	v58 =	vadd.s32 $0xFFFE7961, v10  }
0xa3: {  	[tilespmem:$0x670] =	vst v1;
	v63 =	vshll.u32 v14, $0x1;
	vm7 =	vlt.s32 v14, $0xC350;
	vm10 =	vlt.s32 v17, $0xC350  }
0xa4: {  	[tilespmem:$0x620] =	vst v35;
	v23 =	vshll.u32 v17, $0x1;
	v24 =	vsel vm9, $0x1869F, v18;
	v31 =	vshll.u32 v29, $0x1  }
0xa5: {  	[tilespmem:$0x630] =	vst v34;
	vm13 =	vlt.s32 v29, $0xC350;
	v1 =	vshll.u32 v33, $0x1;
	v39 =	vshll.u32 v6, $0x1  }
0xa6: {  	[tilespmem:$0x650] =	vst v2;
	v45 =	vld [tilespmem:$0x3D0];
	v3 =	vsel vm15, $0x1869F, v3;
	vm4 =	vlt.s32 v6, $0xC350;
	v7 =	vsel vm6, $0x1869F, v7  }
0xa7: {  	[tilespmem:$0x680] =	vst v5;
	v48 =	vld [tilespmem:$0x3E0];
	vm9 =	vlt.s32 v43, $0x1;
	v6 =	vadd.s32 $0xFFFFFFFF, v43;
	v12 =	vsel vm0, v12, v52  }
0xa8: {  	[tilespmem:$0x690] =	vst v4;
	vm0 =	vlt.s32 v56, $0xC350;
	v20 =	vadd.s32 $0xFFFE7961, v63;
	v25 =	vadd.s32 $0xFFFE7961, v23  }
0xa9: {  	[tilespmem:$0x6C0] =	vst v9;
	v17 =	vshll.u32 v24, $0x1;
	v34 =	vadd.s32 $0xFFFE7961, v31;
	v35 =	vadd.s32 $0xFFFE7961, v1  }
0xaa: {  	[tilespmem:$0x6D0] =	vst v8;
	v40 =	vadd.s32 $0xFFFE7961, v39;
	v41 =	vshll.u32 v3, $0x1;
	vm5 =	vlt.s32 v3, $0xC350  }
0xab: {  	[tilespmem:$0x6E0] =	vst v11;
	vm8 =	vlt.s32 v7, $0xC350;
	v7 =	vshll.u32 v7, $0x1;
	v49 =	vsel vm9, $0x1869F, v6  }
0xac: {  	v50 =	vld [tilespmem:$0x3F0];
	[tilespmem:$0x720] =	vst v15;
	v52 =	vadd.s32 $0xFFFFFFFF, v45;
	vm12 =	vlt.s32 v48, $0x1;
	v56 =	vadd.s32 $0xFFFFFFFF, v48  }
0xad: {  	v38 =	vld [tilespmem:$0x3B0];
	[tilespmem:$0x700] =	vst v13;
	v10 =	vsel vm0, v10, v58;
	v14 =	vsel vm7, v63, v20;
	vm0 =	vlt.s32 v24, $0xC350  }
0xae: {  	v26 =	vadd.s32 $0xFFFE7961, v17;
	v0 =	vsel vm10, v23, v25;
	v4 =	vsel vm13, v31, v34;
	[tilespmem:$0x6F0] =	vst v12  }
0xaf: {  	v5 =	vsel vm4, v39, v40;
	v42 =	vadd.s32 $0xFFFE7961, v41;
	v46 =	vadd.s32 $0xFFFE7961, v7;
	[tilespmem:$0x710] =	vst v10  }
0xb0: {  	v51 =	vshll.u32 v49, $0x1;
	vm10 =	vlt.s32 v45, $0x1;
	vm11 =	vlt.s32 v49, $0xC350;
	[tilespmem:$0x730] =	vst v14  }
0xb1: {  	vm13 =	vlt.s32 v50, $0x1;
	v57 =	vadd.s32 $0xFFFFFFFF, v50;
	v28 =	vsel vm0, v17, v26;
	[tilespmem:$0x740] =	vst v0  }
0xb2: {  	vm0 =	vlt.s32 v33, $0xC350;
	v3 =	vsel vm5, v41, v42;
	vm7 =	vlt.s32 v38, $0x1;
	[tilespmem:$0x760] =	vst v4  }
0xb3: {  	v44 =	vadd.s32 $0xFFFFFFFF, v38;
	v7 =	vsel vm8, v7, v46;
	v53 =	vsel vm10, $0x1869F, v52;
	[tilespmem:$0x780] =	vst v5  }
0xb4: {  	v54 =	vadd.s32 $0xFFFE7961, v51;
	v4 =	vsel vm12, $0x1869F, v56;
	v59 =	vsel vm13, $0x1869F, v57;
	[tilespmem:$0x750] =	vst v28  }
0xb5: {  	v1 =	vsel vm0, v1, v35;
	v8 =	vsel vm7, $0x1869F, v44;
	v2 =	vsel vm11, v51, v54;
	[tilespmem:$0x790] =	vst v3  }
0xb6: {  	[tilespmem:$0x7A0] =	vst v7;
	v58 =	vshll.u32 v4, $0x1;
	v61 =	vshll.u32 v59, $0x1;
	vm15 =	vlt.s32 v59, $0xC350  }
0xb7: {  	vm0 =	vlt.s32 v8, $0xC350;
	v8 =	vshll.u32 v8, $0x1;
	[tilespmem:$0x770] =	vst v1;
	v62 =	vadd.s32 $0xFFFE7961, v61  }
0xb8: {  	v1 =	vshll.u32 v53, $0x1;
	[tilespmem:$0x7C0] =	vst v2;
	v47 =	vadd.s32 $0xFFFE7961, v8;
	v63 =	vsel vm15, v61, v62  }
0xb9: {  	v55 =	vadd.s32 $0xFFFE7961, v1;
	v0 =	vsel vm0, v8, v47;
	vm0 =	vlt.s32 v53, $0xC350;
	[tilespmem:$0x7F0] =	vst v63  }
0xba: {  	vm14 =	vlt.s32 v4, $0xC350;
	v60 =	vadd.s32 $0xFFFE7961, v58;
	v1 =	vsel vm0, v1, v55;
	[tilespmem:$0x7B0] =	vst v0  }
0xbb: {  	p0 =	seq.s32 s1, $0x0;
	v0 =	vsel vm14, v58, v60;
	[tilespmem:$0x7D0] =	vst v1  }
0xbc: {  	s4 =	simm.s32 @!p0 $0x2;
	[tilespmem:$0x7E0] =	vst v0  }
0xbd: {  	_ =	swait.ge @!p0 [sflag:s4], $0x8000  }
0xbe: {  	[sflag:s4] =	ssyncset.done @!p0 $0x0  }
0xbf: {  	[sflag:s4] =	ssyncadd.s32 @!p0 $0xFFFF8000  }
0xc0: {  	_ =	swait.ge @!p0 [sflag:s4], $0x8000  }
0xc1: {  	[sflag:s4] =	ssyncset.done @!p0 $0x0  }
0xc2: {  	[sflag:s4] =	ssyncadd.s32 @!p0 $0xFFFF8000  }
0xc3: {  	[tilespmem:s11], [sflag:$0x1] =	stream.indirect.gather [hbm4b:s3+s9], $0x40, s10, s9, $0xb8;
	[tilespmem:$0x10800] =	vst v63  }
0xc4: {  	_ = 	snop  }
0xc5: {  	[tilespmem:s13], [sflag:$0x1] =	stream.indirect.gather [hbm4b:s3+s9], $0x40, s12, s9, $0xb8;
	[tilespmem:$0x10800] =	vst v63  }
0xc6: {  	_ = 	snop  }
0xc7: {  	[tilespmem:s15], [sflag:$0x1] =	stream.indirect.gather [hbm4b:s3+s9], $0x40, s14, s9, $0xb8;
	[tilespmem:$0x10800] =	vst v63  }
0xc8: {  	_ = 	snop  }
0xc9: {  	[tilespmem:s17], [sflag:$0x1] =	stream.indirect.gather [hbm4b:s3+s9], $0x40, s16, s9, $0xb8;
	[tilespmem:$0x10800] =	vst v63  }
0xca: {  	_ = 	snop  }
0xcb: {  	[tilespmem:s19], [sflag:$0x1] =	stream.indirect.gather [hbm4b:s3+s9], $0x40, s18, s9, $0xb8;
	[tilespmem:$0x10800] =	vst v63  }
0xcc: {  	_ = 	snop  }
0xcd: {  	[tilespmem:s21], [sflag:$0x1] =	stream.indirect.gather [hbm4b:s3+s9], $0x40, s20, s9, $0xb8;
	[tilespmem:$0x10800] =	vst v63  }
0xce: {  	_ = 	snop  }
0xcf: {  	[tilespmem:s23], [sflag:$0x1] =	stream.indirect.gather [hbm4b:s3+s9], $0x40, s22, s9, $0xb8;
	[tilespmem:$0x10800] =	vst v63  }
0xd0: {  	_ = 	snop  }
0xd1: {  	[tilespmem:s25], [sflag:$0x1] =	stream.indirect.gather [hbm4b:s3+s9], $0x40, s24, s9, $0xb8;
	[tilespmem:$0x10800] =	vst v63  }
0xd2: {  	_ =	swait.ge [sflag:s26], $0x2000  }
0xd3: {  	[sflag:s26] =	ssyncset.done $0x0  }
0xd4: {  	[sflag:s26] =	ssyncadd.s32 $0xFFFFE000  }
0xd5: {  	_ =	swait.ge [sflag:s26], $0x2000  }
0xd6: {  	[sflag:s26] =	ssyncset.done $0x0  }
0xd7: {  	[sflag:s26] =	ssyncadd.s32 $0xFFFFE000  }
0xd8: {  	_ =	swait.ge [sflag:s26], $0x2000  }
0xd9: {  	[sflag:s26] =	ssyncset.done $0x0  }
0xda: {  	[sflag:s26] =	ssyncadd.s32 $0xFFFFE000  }
0xdb: {  	_ =	swait.ge [sflag:s26], $0x2000  }
0xdc: {  	[sflag:s26] =	ssyncset.done $0x0  }
0xdd: {  	[sflag:s26] =	ssyncadd.s32 $0xFFFFE000  }
0xde: {  	_ =	swait.ge [sflag:s26], $0x2000  }
0xdf: {  	[sflag:s26] =	ssyncset.done $0x0  }
0xe0: {  	[sflag:s26] =	ssyncadd.s32 $0xFFFFE000  }
0xe1: {  	_ =	swait.ge [sflag:s26], $0x2000  }
0xe2: {  	[sflag:s26] =	ssyncset.done $0x0  }
0xe3: {  	[sflag:s26] =	ssyncadd.s32 $0xFFFFE000  }
0xe4: {  	_ =	swait.ge [sflag:s26], $0x2000  }
0xe5: {  	[sflag:s26] =	ssyncset.done $0x0  }
0xe6: {  	[sflag:s26] =	ssyncadd.s32 $0xFFFFE000  }
0xe7: {  	_ =	swait.ge [sflag:s26], $0x2000  }
0xe8: {  	s4 =	rddreg [dreg:$0x2]  }
0xe9: {  	s4 =	sadd.s32 s1, s4;
	s1 =	sadd.s32 $0x2000, s1  }
0xea: {  	p0 =	sne.s32 s1, $0x32000  }
.Ltmp0:
0xeb: {  	[sflag:s26] =	ssyncset.done $0x0;
	(pc) =	sbr.rel @p0 .LBB2_2-.Ltmp0, $4  }
0xec: {  	[sflag:s26] =	ssyncadd.s32 $0xFFFFE000  }
0xed: {  	[hbm4b:s4+s28] =	stream.strided.scatter [tilespmem:s11], [sflag:$0x2], $0x8000, s9, s28, $0x38;
	[tilespmem:$0x10800] =	vst v63  }
0xee: {  	s5 =	sadd.s32 $0x40, s5;
	s31 =	sadd.s32 $0x40, s31;
	s4 =	sadd.s32 $0x8, s4  }
0xef: {  	[hbm4b:s4+s28] =	stream.strided.scatter [tilespmem:s13], [sflag:$0x2], $0x8000, s9, s28, $0x38;
	[tilespmem:$0x10800] =	vst v63  }
0xf0: {  	_ =	swait.ge [sflag:s29], $0x8000  }
0xf1: {  	[sflag:s29] =	ssyncset.done $0x0  }
0xf2: {  	[sflag:s29] =	ssyncadd.s32 $0xFFFF8000  }
0xf3: {  	_ =	swait.ge [sflag:s29], $0x8000  }
0xf4: {  	s30 =	sadd.s32 $0x1, s30;
	s1 =	rddreg [dreg:$0x3]  }
0xf5: {  	p0 =	sne.s32 s30, s1  }
.Ltmp1:
0xf6: {  	_ = 	snop;
	(pc) =	sbr.rel @p0 .LBB2_1-.Ltmp1, $3  }
0xf7: {  	_ =	sdelay $0x1  }
0xf8: {  	[sflag:s29] =	ssyncset.done $0x0  }
0xf9: {  	[sflag:s29] =	ssyncadd.s32 $0xFFFF8000  }
0xfa: {  	_ =	sfence.sel $0x180000  }
0xfb: {  	[bflag:$0x0] =	sbarrier.arrive $0xFFFF  }
0xfc: {  	_ =	strace $0x90000047  }
0xfd: {  	s0 =	stileid.u32;
	[bflag:$0x2] =	sbarrier.arrive $0xFFFF  }
0xfe: {  	p0 =	sne.s32 s0, $0x0;
	s0 =	rddreg [dreg:$0x1]  }
0xff: {  	s0 =	sadd.s32 @!p0 $0x100000, s0  }
0x100: {  	[sflag:s0] =	ssyncadd.tile.s32 @!p0 $0x1;
	_ =	shalt  }
.Lfunc_end2:
_tile_overlayer_lowered:
.L_overlay_start_2:
0x101: {  	(tag) =	ssettag $0x2  }
0x102: {  	s0 =	rddreg [dreg:$0x0];
	s2 =	stileid.u32  }
0x103: {  	s1 =	rddreg [dreg:$0x1];
	p0 =	sne.s32 s2, $0x0  }
0x104: {  	s3 =	rddreg [dreg:$0x2];
	[bflag:$0x3] =	sbarrier.arrive $0xFFFF;
	s2 =	simm.s32 @!p0 $0x1C03  }
0x105: {  	[timem:s3], [sflag:s2] =	dma.local @!p0 [hbm:s0], s1  }
0x106: {  	s0 =	simm.s32 @!p0 $0x3  }
0x107: {  	_ =	swait.ge @!p0 [sflag:s0], s1  }
0x108: {  	s1 =	ssub.s32 @!p0 $0x0, s1;
	[sflag:s0] =	ssyncset.done @!p0 $0x0  }
0x109: {  	[sflag:s0] =	ssyncadd.s32 @!p0 s1  }
0x10a: {  	[bflag:$0x3] =	sbarrier.arrive $0xFFFF  }
0x10b: {  	_ =	shalt  }

</sc_bundles>
